<compile_context>
chip_gen: v7x
topology: tpu7x:2x2x1
jax: 0.10.2.dev20260603
libtpu: 0.0.44.dev20260713+nightly
codegen_flags: <defaults>
</compile_context>

<pallas_src>
import jax
import jax.numpy as jnp
from jax.experimental import pallas as pl

_T = 50
_F = 48
_E = 16
_NPR = 4
_IW = _NPR * _T * _F
_OW = _NPR * _T * (_F + _E)
_B = 64


def _body(d_ref, p_ref, o_ref):
    b = d_ref.shape[0]
    p = p_ref[:, :]
    for j in range(_OW // 128):
        o_ref[:, 128 * j : 128 * j + _F] = d_ref[:, 96 * j : 96 * j + _F]
        o_ref[:, 128 * j + _F : 128 * j + 64] = jnp.broadcast_to(
            p[j : j + 1, 0:_E], (b, _E))
        o_ref[:, 128 * j + 64 : 128 * j + 64 + _F] = (
            d_ref[:, 96 * j + _F : 96 * j + 2 * _F])
        o_ref[:, 128 * j + 64 + _F : 128 * (j + 1)] = jnp.broadcast_to(
            p[j : j + 1, _E : 2 * _E], (b, _E))


def kernel(data, embedding_weight):
    g, n, t, f = data.shape
    assert t == _T and f == _F and embedding_weight.shape == (_T, _E)
    prows = g * n // _NPR
    assert prows % _B == 0

    d2 = data.reshape(prows, _IW)
    rt = jnp.arange(2 * (_OW // 128), dtype=jnp.int32) % _T
    pat = embedding_weight[rt].reshape(_OW // 128, 2 * _E)

    out = pl.pallas_call(
        _body,
        grid=(prows // _B,),
        in_specs=[
            pl.BlockSpec((_B, _IW), lambda i: (i, 0)),
            pl.BlockSpec((_OW // 128, 2 * _E), lambda i: (0, 0)),
        ],
        out_specs=pl.BlockSpec((_B, _OW), lambda i: (i, 0)),
        out_shape=jax.ShapeDtypeStruct((prows, _OW), data.dtype),
    )(d2, pat)
    return out.reshape(g, n, t, _F + _E)

# --- scband reference (transcript-rebuilt; emitter-appended) ---
"""Pipeline reference for scband-add-time-embedding-63977832841444 (READ-ONLY COPY).

The authoritative reference and input builder live on the scoring server;
editing this copy changes nothing except your own understanding.
"""

import jax, jax.numpy as jnp
import numpy as np


def setup_inputs(seed: int = 0) -> dict:
    key = jax.random.key(seed)
    k1, k2 = jax.random.split(key)
    # forward input: [num_graphs, num_nodes, num_timesteps, feat]
    data = jax.random.normal(k1, (8, 2048, 50, 48), dtype=jnp.float32)
    # learned parameter: nn.Embedding(max_timesteps=50, embedding_dim=16).weight
    embedding_weight = jax.random.normal(k2, (50, 16), dtype=jnp.float32)
    return {"data": data, "embedding_weight": embedding_weight}


def reference(data, embedding_weight):
    num_graphs = data.shape[0]
    num_nodes = data.shape[1]
    num_timesteps = data.shape[2]
    # torch.arange(T).expand(G, N, T)
    time_indices = jnp.broadcast_to(
        jnp.arange(num_timesteps, dtype=jnp.int32), (num_graphs, num_nodes, num_timesteps)
    )
    # self.embedding(time_indices) -> [G, N, T, E]; .squeeze(3) is a no-op since E=16 != 1
    emb = jnp.take(embedding_weight, time_indices, axis=0)
    enhanced_data = jnp.concatenate((data, emb), axis=-1)
    return enhanced_data

if __name__ == "__main__":
    import jax
    _d = setup_inputs()
    print(jax.jit(kernel)(*tuple(_d.values())))

</pallas_src>

<mosaic_0001>
module attributes {stable_mosaic.version = 14 : i64} {
  func.func @_body(%arg0: i32, %arg1: memref<64x9600xf32, #tpu.memory_space<vmem>>, %arg2: memref<100x32xf32, #tpu.memory_space<vmem>>, %arg3: memref<64x12800xf32, #tpu.memory_space<vmem>>) attributes {dimension_semantics = [#tpu.dimension_semantics<arbitrary>], iteration_bounds = array<i64: 64>, scalar_prefetch = 0 : i64, scratch_operands = 0 : i64, tpu.core_type = #tpu.core_type<tc>, window_params = [{transform_indices = @transform_0, window_bounds = array<i64: 64, 9600>}, {pipeline_mode = #tpu.pipeline_mode<synchronous>, transform_indices = @transform_1, window_bounds = array<i64: 100, 32>}, {transform_indices = @transform_2, window_bounds = array<i64: 64, 12800>}]} {
    %get3A = arith.constant 0 : index
    %get3A_0 = arith.constant 0 : index
    %get3A_1 = vector.load %arg2[%get3A, %get3A_0] : memref<100x32xf32, #tpu.memory_space<vmem>>, vector<100x32xf32>
    %get3A_2 = arith.constant 0 : index
    %get3A_3 = arith.constant 0 : index
    %get3A_4 = vector.load %arg1[%get3A_2, %get3A_3] : memref<64x9600xf32, #tpu.memory_space<vmem>>, vector<64x48xf32>
    %swap3A = arith.constant 0 : index
    %swap3A_5 = arith.constant 0 : index
    %swap3A_6 = vector.load %arg3[%swap3A, %swap3A_5] : memref<64x12800xf32, #tpu.memory_space<vmem>>, vector<64x48xf32>
    tpu.vector_store %arg3[%swap3A, %swap3A_5], %get3A_4 {strides = array<i32>} : memref<64x12800xf32, #tpu.memory_space<vmem>>, vector<64x48xf32>,
    %slice3A = vector.extract_strided_slice %get3A_1 {offsets = [0, 0], sizes = [1, 16], strides = [1, 1]} : vector<100x32xf32> to vector<1x16xf32>
    %broadcast_in_dim3A = vector.shape_cast %slice3A : vector<1x16xf32> to vector<1x16xf32>
    %broadcast_in_dim3A_7 = vector.broadcast %broadcast_in_dim3A : vector<1x16xf32> to vector<64x16xf32>
    %swap3A_8 = arith.constant 0 : index
    %swap3A_9 = arith.constant 48 : index
    %swap3A_10 = vector.load %arg3[%swap3A_8, %swap3A_9] : memref<64x12800xf32, #tpu.memory_space<vmem>>, vector<64x16xf32>
    tpu.vector_store %arg3[%swap3A_8, %swap3A_9], %broadcast_in_dim3A_7 {strides = array<i32>} : memref<64x12800xf32, #tpu.memory_space<vmem>>, vector<64x16xf32>,
    %get3A_11 = arith.constant 0 : index
    %get3A_12 = arith.constant 48 : index
    %get3A_13 = vector.load %arg1[%get3A_11, %get3A_12] : memref<64x9600xf32, #tpu.memory_space<vmem>>, vector<64x48xf32>
    %swap3A_14 = arith.constant 0 : index
    %swap3A_15 = arith.constant 64 : index
    %swap3A_16 = vector.load %arg3[%swap3A_14, %swap3A_15] : memref<64x12800xf32, #tpu.memory_space<vmem>>, vector<64x48xf32>
    tpu.vector_store %arg3[%swap3A_14, %swap3A_15], %get3A_13 {strides = array<i32>} : memref<64x12800xf32, #tpu.memory_space<vmem>>, vector<64x48xf32>,
    %slice3A_17 = vector.extract_strided_slice %get3A_1 {offsets = [0, 16], sizes = [1, 16], strides = [1, 1]} : vector<100x32xf32> to vector<1x16xf32>
    %broadcast_in_dim3A_18 = vector.shape_cast %slice3A_17 : vector<1x16xf32> to vector<1x16xf32>
    %broadcast_in_dim3A_19 = vector.broadcast %broadcast_in_dim3A_18 : vector<1x16xf32> to vector<64x16xf32>
    %swap3A_20 = arith.constant 0 : index
    %swap3A_21 = arith.constant 112 : index
    %swap3A_22 = vector.load %arg3[%swap3A_20, %swap3A_21] : memref<64x12800xf32, #tpu.memory_space<vmem>>, vector<64x16xf32>
    tpu.vector_store %arg3[%swap3A_20, %swap3A_21], %broadcast_in_dim3A_19 {strides = array<i32>} : memref<64x12800xf32, #tpu.memory_space<vmem>>, vector<64x16xf32>,
    %get3A_23 = arith.constant 0 : index
    %get3A_24 = arith.constant 96 : index
    %get3A_25 = vector.load %arg1[%get3A_23, %get3A_24] : memref<64x9600xf32, #tpu.memory_space<vmem>>, vector<64x48xf32>
    %swap3A_26 = arith.constant 0 : index
    %swap3A_27 = arith.constant 128 : index
    %swap3A_28 = vector.load %arg3[%swap3A_26, %swap3A_27] : memref<64x12800xf32, #tpu.memory_space<vmem>>, vector<64x48xf32>
    tpu.vector_store %arg3[%swap3A_26, %swap3A_27], %get3A_25 {strides = array<i32>} : memref<64x12800xf32, #tpu.memory_space<vmem>>, vector<64x48xf32>,
    %slice3A_29 = vector.extract_strided_slice %get3A_1 {offsets = [1, 0], sizes = [1, 16], strides = [1, 1]} : vector<100x32xf32> to vector<1x16xf32>
    %broadcast_in_dim3A_30 = vector.shape_cast %slice3A_29 : vector<1x16xf32> to vector<1x16xf32>
    %broadcast_in_dim3A_31 = vector.broadcast %broadcast_in_dim3A_30 : vector<1x16xf32> to vector<64x16xf32>
    %swap3A_32 = arith.constant 0 : index
    %swap3A_33 = arith.constant 176 : index
    %swap3A_34 = vector.load %arg3[%swap3A_32, %swap3A_33] : memref<64x12800xf32, #tpu.memory_space<vmem>>, vector<64x16xf32>
    tpu.vector_store %arg3[%swap3A_32, %swap3A_33], %broadcast_in_dim3A_31 {strides = array<i32>} : memref<64x12800xf32, #tpu.memory_space<vmem>>, vector<64x16xf32>,
    %get3A_35 = arith.constant 0 : index
    %get3A_36 = arith.constant 144 : index
    %get3A_37 = vector.load %arg1[%get3A_35, %get3A_36] : memref<64x9600xf32, #tpu.memory_space<vmem>>, vector<64x48xf32>
    %swap3A_38 = arith.constant 0 : index
    %swap3A_39 = arith.constant 192 : index
    %swap3A_40 = vector.load %arg3[%swap3A_38, %swap3A_39] : memref<64x12800xf32, #tpu.memory_space<vmem>>, vector<64x48xf32>
    tpu.vector_store %arg3[%swap3A_38, %swap3A_39], %get3A_37 {strides = array<i32>} : memref<64x12800xf32, #tpu.memory_space<vmem>>, vector<64x48xf32>,
    %slice3A_41 = vector.extract_strided_slice %get3A_1 {offsets = [1, 16], sizes = [1, 16], strides = [1, 1]} : vector<100x32xf32> to vector<1x16xf32>
    %broadcast_in_dim3A_42 = vector.shape_cast %slice3A_41 : vector<1x16xf32> to vector<1x16xf32>
    %broadcast_in_dim3A_43 = vector.broadcast %broadcast_in_dim3A_42 : vector<1x16xf32> to vector<64x16xf32>
    %swap3A_44 = arith.constant 0 : index
    %swap3A_45 = arith.constant 240 : index
    %swap3A_46 = vector.load %arg3[%swap3A_44, %swap3A_45] : memref<64x12800xf32, #tpu.memory_space<vmem>>, vector<64x16xf32>
    tpu.vector_store %arg3[%swap3A_44, %swap3A_45], %broadcast_in_dim3A_43 {strides = array<i32>} : memref<64x12800xf32, #tpu.memory_space<vmem>>, vector<64x16xf32>,
    %get3A_47 = arith.constant 0 : index
    %get3A_48 = arith.constant 192 : index
    %get3A_49 = vector.load %arg1[%get3A_47, %get3A_48] : memref<64x9600xf32, #tpu.memory_space<vmem>>, vector<64x48xf32>
    %swap3A_50 = arith.constant 0 : index
    %swap3A_51 = arith.constant 256 : index
    %swap3A_52 = vector.load %arg3[%swap3A_50, %swap3A_51] : memref<64x12800xf32, #tpu.memory_space<vmem>>, vector<64x48xf32>
    tpu.vector_store %arg3[%swap3A_50, %swap3A_51], %get3A_49 {strides = array<i32>} : memref<64x12800xf32, #tpu.memory_space<vmem>>, vector<64x48xf32>,
    %slice3A_53 = vector.extract_strided_slice %get3A_1 {offsets = [2, 0], sizes = [1, 16], strides = [1, 1]} : vector<100x32xf32> to vector<1x16xf32>
    %broadcast_in_dim3A_54 = vector.shape_cast %slice3A_53 : vector<1x16xf32> to vector<1x16xf32>
    %broadcast_in_dim3A_55 = vector.broadcast %broadcast_in_dim3A_54 : vector<1x16xf32> to vector<64x16xf32>
    %swap3A_56 = arith.constant 0 : index
    %swap3A_57 = arith.constant 304 : index
    %swap3A_58 = vector.load %arg3[%swap3A_56, %swap3A_57] : memref<64x12800xf32, #tpu.memory_space<vmem>>, vector<64x16xf32>
    tpu.vector_store %arg3[%swap3A_56, %swap3A_57], %broadcast_in_dim3A_55 {strides = array<i32>} : memref<64x12800xf32, #tpu.memory_space<vmem>>, vector<64x16xf32>,
    %get3A_59 = arith.constant 0 : index
    %get3A_60 = arith.constant 240 : index
    %get3A_61 = vector.load %arg1[%get3A_59, %get3A_60] : memref<64x9600xf32, #tpu.memory_space<vmem>>, vector<64x48xf32>
    %swap3A_62 = arith.constant 0 : index
    %swap3A_63 = arith.constant 320 : index
    %swap3A_64 = vector.load %arg3[%swap3A_62, %swap3A_63] : memref<64x12800xf32, #tpu.memory_space<vmem>>, vector<64x48xf32>
    tpu.vector_store %arg3[%swap3A_62, %swap3A_63], %get3A_61 {strides = array<i32>} : memref<64x12800xf32, #tpu.memory_space<vmem>>, vector<64x48xf32>,
    %slice3A_65 = vector.extract_strided_slice %get3A_1 {offsets = [2, 16], sizes = [1, 16], strides = [1, 1]} : vector<100x32xf32> to vector<1x16xf32>
    %broadcast_in_dim3A_66 = vector.shape_cast %slice3A_65 : vector<1x16xf32> to vector<1x16xf32>
    %broadcast_in_dim3A_67 = vector.broadcast %broadcast_in_dim3A_66 : vector<1x16xf32> to vector<64x16xf32>
    %swap3A_68 = arith.constant 0 : index
    %swap3A_69 = arith.constant 368 : index
    %swap3A_70 = vector.load %arg3[%swap3A_68, %swap3A_69] : memref<64x12800xf32, #tpu.memory_space<vmem>>, vector<64x16xf32>
    tpu.vector_store %arg3[%swap3A_68, %swap3A_69], %broadcast_in_dim3A_67 {strides = array<i32>} : memref<64x12800xf32, #tpu.memory_space<vmem>>, vector<64x16xf32>,
    %get3A_71 = arith.constant 0 : index
    %get3A_72 = arith.constant 288 : index
    %get3A_73 = vector.load %arg1[%get3A_71, %get3A_72] : memref<64x9600xf32, #tpu.memory_space<vmem>>, vector<64x48xf32>
    %swap3A_74 = arith.constant 0 : index
    %swap3A_75 = arith.constant 384 : index
    %swap3A_76 = vector.load %arg3[%swap3A_74, %swap3A_75] : memref<64x12800xf32, #tpu.memory_space<vmem>>, vector<64x48xf32>
    tpu.vector_store %arg3[%swap3A_74, %swap3A_75], %get3A_73 {strides = array<i32>} : memref<64x12800xf32, #tpu.memory_space<vmem>>, vector<64x48xf32>,
    %slice3A_77 = vector.extract_strided_slice %get3A_1 {offsets = [3, 0], sizes = [1, 16], strides = [1, 1]} : vector<100x32xf32> to vector<1x16xf32>
    %broadcast_in_dim3A_78 = vector.shape_cast %slice3A_77 : vector<1x16xf32> to vector<1x16xf32>
    %broadcast_in_dim3A_79 = vector.broadcast %broadcast_in_dim3A_78 : vector<1x16xf32> to vector<64x16xf32>
    %swap3A_80 = arith.constant 0 : index
    %swap3A_81 = arith.constant 432 : index
    %swap3A_82 = vector.load %arg3[%swap3A_80, %swap3A_81] : memref<64x12800xf32, #tpu.memory_space<vmem>>, vector<64x16xf32>
    tpu.vector_store %arg3[%swap3A_80, %swap3A_81], %broadcast_in_dim3A_79 {strides = array<i32>} : memref<64x12800xf32, #tpu.memory_space<vmem>>, vector<64x16xf32>,
    %get3A_83 = arith.constant 0 : index
    %get3A_84 = arith.constant 336 : index
    %get3A_85 = vector.load %arg1[%get3A_83, %get3A_84] : memref<64x9600xf32, #tpu.memory_space<vmem>>, vector<64x48xf32>
    %swap3A_86 = arith.constant 0 : index
    %swap3A_87 = arith.constant 448 : index
    %swap3A_88 = vector.load %arg3[%swap3A_86, %swap3A_87] : memref<64x12800xf32, #tpu.memory_space<vmem>>, vector<64x48xf32>
    tpu.vector_store %arg3[%swap3A_86, %swap3A_87], %get3A_85 {strides = array<i32>} : memref<64x12800xf32, #tpu.memory_space<vmem>>, vector<64x48xf32>,
    %slice3A_89 = vector.extract_strided_slice %get3A_1 {offsets = [3, 16], sizes = [1, 16], strides = [1, 1]} : vector<100x32xf32> to vector<1x16xf32>
    %broadcast_in_dim3A_90 = vector.shape_cast %slice3A_89 : vector<1x16xf32> to vector<1x16xf32>
    %broadcast_in_dim3A_91 = vector.broadcast %broadcast_in_dim3A_90 : vector<1x16xf32> to vector<64x16xf32>
    %swap3A_92 = arith.constant 0 : index
    %swap3A_93 = arith.constant 496 : index
    %swap3A_94 = vector.load %arg3[%swap3A_92, %swap3A_93] : memref<64x12800xf32, #tpu.memory_space<vmem>>, vector<64x16xf32>
    tpu.vector_store %arg3[%swap3A_92, %swap3A_93], %broadcast_in_dim3A_91 {strides = array<i32>} : memref<64x12800xf32, #tpu.memory_space<vmem>>, vector<64x16xf32>,
    %get3A_95 = arith.constant 0 : index
    %get3A_96 = arith.constant 384 : index
    %get3A_97 = vector.load %arg1[%get3A_95, %get3A_96] : memref<64x9600xf32, #tpu.memory_space<vmem>>, vector<64x48xf32>
    %swap3A_98 = arith.constant 0 : index
    %swap3A_99 = arith.constant 512 : index
    %swap3A_100 = vector.load %arg3[%swap3A_98, %swap3A_99] : memref<64x12800xf32, #tpu.memory_space<vmem>>, vector<64x48xf32>
    tpu.vector_store %arg3[%swap3A_98, %swap3A_99], %get3A_97 {strides = array<i32>} : memref<64x12800xf32, #tpu.memory_space<vmem>>, vector<64x48xf32>,
    %slice3A_101 = vector.extract_strided_slice %get3A_1 {offsets = [4, 0], sizes = [1, 16], strides = [1, 1]} : vector<100x32xf32> to vector<1x16xf32>
    %broadcast_in_dim3A_102 = vector.shape_cast %slice3A_101 : vector<1x16xf32> to vector<1x16xf32>
    %broadcast_in_dim3A_103 = vector.broadcast %broadcast_in_dim3A_102 : vector<1x16xf32> to vector<64x16xf32>
    %swap3A_104 = arith.constant 0 : index
    %swap3A_105 = arith.constant 560 : index
    %swap3A_106 = vector.load %arg3[%swap3A_104, %swap3A_105] : memref<64x12800xf32, #tpu.memory_space<vmem>>, vector<64x16xf32>
    tpu.vector_store %arg3[%swap3A_104, %swap3A_105], %broadcast_in_dim3A_103 {strides = array<i32>} : memref<64x12800xf32, #tpu.memory_space<vmem>>, vector<64x16xf32>,
    %get3A_107 = arith.constant 0 : index
    %get3A_108 = arith.constant 432 : index
    %get3A_109 = vector.load %arg1[%get3A_107, %get3A_108] : memref<64x9600xf32, #tpu.memory_space<vmem>>, vector<64x48xf32>
    %swap3A_110 = arith.constant 0 : index
    %swap3A_111 = arith.constant 576 : index
    %swap3A_112 = vector.load %arg3[%swap3A_110, %swap3A_111] : memref<64x12800xf32, #tpu.memory_space<vmem>>, vector<64x48xf32>
    tpu.vector_store %arg3[%swap3A_110, %swap3A_111], %get3A_109 {strides = array<i32>} : memref<64x12800xf32, #tpu.memory_space<vmem>>, vector<64x48xf32>,
    %slice3A_113 = vector.extract_strided_slice %get3A_1 {offsets = [4, 16], sizes = [1, 16], strides = [1, 1]} : vector<100x32xf32> to vector<1x16xf32>
    %broadcast_in_dim3A_114 = vector.shape_cast %slice3A_113 : vector<1x16xf32> to vector<1x16xf32>
    %broadcast_in_dim3A_115 = vector.broadcast %broadcast_in_dim3A_114 : vector<1x16xf32> to vector<64x16xf32>
    %swap3A_116 = arith.constant 0 : index
    %swap3A_117 = arith.constant 624 : index
    %swap3A_118 = vector.load %arg3[%swap3A_116, %swap3A_117] : memref<64x12800xf32, #tpu.memory_space<vmem>>, vector<64x16xf32>
    tpu.vector_store %arg3[%swap3A_116, %swap3A_117], %broadcast_in_dim3A_115 {strides = array<i32>} : memref<64x12800xf32, #tpu.memory_space<vmem>>, vector<64x16xf32>,
    %get3A_119 = arith.constant 0 : index
    %get3A_120 = arith.constant 480 : index
    %get3A_121 = vector.load %arg1[%get3A_119, %get3A_120] : memref<64x9600xf32, #tpu.memory_space<vmem>>, vector<64x48xf32>
    %swap3A_122 = arith.constant 0 : index
    %swap3A_123 = arith.constant 640 : index
    %swap3A_124 = vector.load %arg3[%swap3A_122, %swap3A_123] : memref<64x12800xf32, #tpu.memory_space<vmem>>, vector<64x48xf32>
    tpu.vector_store %arg3[%swap3A_122, %swap3A_123], %get3A_121 {strides = array<i32>} : memref<64x12800xf32, #tpu.memory_space<vmem>>, vector<64x48xf32>,
    %slice3A_125 = vector.extract_strided_slice %get3A_1 {offsets = [5, 0], sizes = [1, 16], strides = [1, 1]} : vector<100x32xf32> to vector<1x16xf32>
    %broadcast_in_dim3A_126 = vector.shape_cast %slice3A_125 : vector<1x16xf32> to vector<1x16xf32>
    %broadcast_in_dim3A_127 = vector.broadcast %broadcast_in_dim3A_126 : vector<1x16xf32> to vector<64x16xf32>
    %swap3A_128 = arith.constant 0 : index
    %swap3A_129 = arith.constant 688 : index
    %swap3A_130 = vector.load %arg3[%swap3A_128, %swap3A_129] : memref<64x12800xf32, #tpu.memory_space<vmem>>, vector<64x16xf32>
    tpu.vector_store %arg3[%swap3A_128, %swap3A_129], %broadcast_in_dim3A_127 {strides = array<i32>} : memref<64x12800xf32, #tpu.memory_space<vmem>>, vector<64x16xf32>,
    %get3A_131 = arith.constant 0 : index
    %get3A_132 = arith.constant 528 : index
    %get3A_133 = vector.load %arg1[%get3A_131, %get3A_132] : memref<64x9600xf32, #tpu.memory_space<vmem>>, vector<64x48xf32>
    %swap3A_134 = arith.constant 0 : index
    %swap3A_135 = arith.constant 704 : index
    %swap3A_136 = vector.load %arg3[%swap3A_134, %swap3A_135] : memref<64x12800xf32, #tpu.memory_space<vmem>>, vector<64x48xf32>
    tpu.vector_store %arg3[%swap3A_134, %swap3A_135], %get3A_133 {strides = array<i32>} : memref<64x12800xf32, #tpu.memory_space<vmem>>, vector<64x48xf32>,
    %slice3A_137 = vector.extract_strided_slice %get3A_1 {offsets = [5, 16], sizes = [1, 16], strides = [1, 1]} : vector<100x32xf32> to vector<1x16xf32>
    %broadcast_in_dim3A_138 = vector.shape_cast %slice3A_137 : vector<1x16xf32> to vector<1x16xf32>
    %broadcast_in_dim3A_139 = vector.broadcast %broadcast_in_dim3A_138 : vector<1x16xf32> to vector<64x16xf32>
    %swap3A_140 = arith.constant 0 : index
    %swap3A_141 = arith.constant 752 : index
    %swap3A_142 = vector.load %arg3[%swap3A_140, %swap3A_141] : memref<64x12800xf32, #tpu.memory_space<vmem>>, vector<64x16xf32>
    tpu.vector_store %arg3[%swap3A_140, %swap3A_141], %broadcast_in_dim3A_139 {strides = array<i32>} : memref<64x12800xf32, #tpu.memory_space<vmem>>, vector<64x16xf32>,
    %get3A_143 = arith.constant 0 : index
    %get3A_144 = arith.constant 576 : index
    %get3A_145 = vector.load %arg1[%get3A_143, %get3A_144] : memref<64x9600xf32, #tpu.memory_space<vmem>>, vector<64x48xf32>
    %swap3A_146 = arith.constant 0 : index
    %swap3A_147 = arith.constant 768 : index
    %swap3A_148 = vector.load %arg3[%swap3A_146, %swap3A_147] : memref<64x12800xf32, #tpu.memory_space<vmem>>, vector<64x48xf32>
    tpu.vector_store %arg3[%swap3A_146, %swap3A_147], %get3A_145 {strides = array<i32>} : memref<64x12800xf32, #tpu.memory_space<vmem>>, vector<64x48xf32>,
    %slice3A_149 = vector.extract_strided_slice %get3A_1 {offsets = [6, 0], sizes = [1, 16], strides = [1, 1]} : vector<100x32xf32> to vector<1x16xf32>
    %broadcast_in_dim3A_150 = vector.shape_cast %slice3A_149 : vector<1x16xf32> to vector<1x16xf32>
    %broadcast_in_dim3A_151 = vector.broadcast %broadcast_in_dim3A_150 : vector<1x16xf32> to vector<64x16xf32>
    %swap3A_152 = arith.constant 0 : index
    %swap3A_153 = arith.constant 816 : index
    %swap3A_154 = vector.load %arg3[%swap3A_152, %swap3A_153] : memref<64x12800xf32, #tpu.memory_space<vmem>>, vector<64x16xf32>
    tpu.vector_store %arg3[%swap3A_152, %swap3A_153], %broadcast_in_dim3A_151 {strides = array<i32>} : memref<64x12800xf32, #tpu.memory_space<vmem>>, vector<64x16xf32>,
    %get3A_155 = arith.constant 0 : index
    %get3A_156 = arith.constant 624 : index
    %get3A_157 = vector.load %arg1[%get3A_155, %get3A_156] : memref<64x9600xf32, #tpu.memory_space<vmem>>, vector<64x48xf32>
    %swap3A_158 = arith.constant 0 : index
    %swap3A_159 = arith.constant 832 : index
    %swap3A_160 = vector.load %arg3[%swap3A_158, %swap3A_159] : memref<64x12800xf32, #tpu.memory_space<vmem>>, vector<64x48xf32>
    tpu.vector_store %arg3[%swap3A_158, %swap3A_159], %get3A_157 {strides = array<i32>} : memref<64x12800xf32, #tpu.memory_space<vmem>>, vector<64x48xf32>,
    %slice3A_161 = vector.extract_strided_slice %get3A_1 {offsets = [6, 16], sizes = [1, 16], strides = [1, 1]} : vector<100x32xf32> to vector<1x16xf32>
    %broadcast_in_dim3A_162 = vector.shape_cast %slice3A_161 : vector<1x16xf32> to vector<1x16xf32>
    %broadcast_in_dim3A_163 = vector.broadcast %broadcast_in_dim3A_162 : vector<1x16xf32> to vector<64x16xf32>
    %swap3A_164 = arith.constant 0 : index
    %swap3A_165 = arith.constant 880 : index
    %swap3A_166 = vector.load %arg3[%swap3A_164, %swap3A_165] : memref<64x12800xf32, #tpu.memory_space<vmem>>, vector<64x16xf32>
    tpu.vector_store %arg3[%swap3A_164, %swap3A_165], %broadcast_in_dim3A_163 {strides = array<i32>} : memref<64x12800xf32, #tpu.memory_space<vmem>>, vector<64x16xf32>,
    %get3A_167 = arith.constant 0 : index
    %get3A_168 = arith.constant 672 : index
    %get3A_169 = vector.load %arg1[%get3A_167, %get3A_168] : memref<64x9600xf32, #tpu.memory_space<vmem>>, vector<64x48xf32>
    %swap3A_170 = arith.constant 0 : index
    %swap3A_171 = arith.constant 896 : index
    %swap3A_172 = vector.load %arg3[%swap3A_170, %swap3A_171] : memref<64x12800xf32, #tpu.memory_space<vmem>>, vector<64x48xf32>
    tpu.vector_store %arg3[%swap3A_170, %swap3A_171], %get3A_169 {strides = array<i32>} : memref<64x12800xf32, #tpu.memory_space<vmem>>, vector<64x48xf32>,
    %slice3A_173 = vector.extract_strided_slice %get3A_1 {offsets = [7, 0], sizes = [1, 16], strides = [1, 1]} : vector<100x32xf32> to vector<1x16xf32>
    %broadcast_in_dim3A_174 = vector.shape_cast %slice3A_173 : vector<1x16xf32> to vector<1x16xf32>
    %broadcast_in_dim3A_175 = vector.broadcast %broadcast_in_dim3A_174 : vector<1x16xf32> to vector<64x16xf32>
    %swap3A_176 = arith.constant 0 : index
    %swap3A_177 = arith.constant 944 : index
    %swap3A_178 = vector.load %arg3[%swap3A_176, %swap3A_177] : memref<64x12800xf32, #tpu.memory_space<vmem>>, vector<64x16xf32>
    tpu.vector_store %arg3[%swap3A_176, %swap3A_177], %broadcast_in_dim3A_175 {strides = array<i32>} : memref<64x12800xf32, #tpu.memory_space<vmem>>, vector<64x16xf32>,
    %get3A_179 = arith.constant 0 : index
    %get3A_180 = arith.constant 720 : index
    %get3A_181 = vector.load %arg1[%get3A_179, %get3A_180] : memref<64x9600xf32, #tpu.memory_space<vmem>>, vector<64x48xf32>
    %swap3A_182 = arith.constant 0 : index
    %swap3A_183 = arith.constant 960 : index
    %swap3A_184 = vector.load %arg3[%swap3A_182, %swap3A_183] : memref<64x12800xf32, #tpu.memory_space<vmem>>, vector<64x48xf32>
    tpu.vector_store %arg3[%swap3A_182, %swap3A_183], %get3A_181 {strides = array<i32>} : memref<64x12800xf32, #tpu.memory_space<vmem>>, vector<64x48xf32>,
    %slice3A_185 = vector.extract_strided_slice %get3A_1 {offsets = [7, 16], sizes = [1, 16], strides = [1, 1]} : vector<100x32xf32> to vector<1x16xf32>
    %broadcast_in_dim3A_186 = vector.shape_cast %slice3A_185 : vector<1x16xf32> to vector<1x16xf32>
    %broadcast_in_dim3A_187 = vector.broadcast %broadcast_in_dim3A_186 : vector<1x16xf32> to vector<64x16xf32>
    %swap3A_188 = arith.constant 0 : index
    %swap3A_189 = arith.constant 1008 : index
    %swap3A_190 = vector.load %arg3[%swap3A_188, %swap3A_189] : memref<64x12800xf32, #tpu.memory_space<vmem>>, vector<64x16xf32>
    tpu.vector_store %arg3[%swap3A_188, %swap3A_189], %broadcast_in_dim3A_187 {strides = array<i32>} : memref<64x12800xf32, #tpu.memory_space<vmem>>, vector<64x16xf32>,
    %get3A_191 = arith.constant 0 : index
    %get3A_192 = arith.constant 768 : index
    %get3A_193 = vector.load %arg1[%get3A_191, %get3A_192] : memref<64x9600xf32, #tpu.memory_space<vmem>>, vector<64x48xf32>
    %swap3A_194 = arith.constant 0 : index
    %swap3A_195 = arith.constant 1024 : index
    %swap3A_196 = vector.load %arg3[%swap3A_194, %swap3A_195] : memref<64x12800xf32, #tpu.memory_space<vmem>>, vector<64x48xf32>
    tpu.vector_store %arg3[%swap3A_194, %swap3A_195], %get3A_193 {strides = array<i32>} : memref<64x12800xf32, #tpu.memory_space<vmem>>, vector<64x48xf32>,
    %slice3A_197 = vector.extract_strided_slice %get3A_1 {offsets = [8, 0], sizes = [1, 16], strides = [1, 1]} : vector<100x32xf32> to vector<1x16xf32>
    %broadcast_in_dim3A_198 = vector.shape_cast %slice3A_197 : vector<1x16xf32> to vector<1x16xf32>
    %broadcast_in_dim3A_199 = vector.broadcast %broadcast_in_dim3A_198 : vector<1x16xf32> to vector<64x16xf32>
    %swap3A_200 = arith.constant 0 : index
    %swap3A_201 = arith.constant 1072 : index
    %swap3A_202 = vector.load %arg3[%swap3A_200, %swap3A_201] : memref<64x12800xf32, #tpu.memory_space<vmem>>, vector<64x16xf32>
    tpu.vector_store %arg3[%swap3A_200, %swap3A_201], %broadcast_in_dim3A_199 {strides = array<i32>} : memref<64x12800xf32, #tpu.memory_space<vmem>>, vector<64x16xf32>,
    %get3A_203 = arith.constant 0 : index
    %get3A_204 = arith.constant 816 : index
    %get3A_205 = vector.load %arg1[%get3A_203, %get3A_204] : memref<64x9600xf32, #tpu.memory_space<vmem>>, vector<64x48xf32>
    %swap3A_206 = arith.constant 0 : index
    %swap3A_207 = arith.constant 1088 : index
    %swap3A_208 = vector.load %arg3[%swap3A_206, %swap3A_207] : memref<64x12800xf32, #tpu.memory_space<vmem>>, vector<64x48xf32>
    tpu.vector_store %arg3[%swap3A_206, %swap3A_207], %get3A_205 {strides = array<i32>} : memref<64x12800xf32, #tpu.memory_space<vmem>>, vector<64x48xf32>,
    %slice3A_209 = vector.extract_strided_slice %get3A_1 {offsets = [8, 16], sizes = [1, 16], strides = [1, 1]} : vector<100x32xf32> to vector<1x16xf32>
    %broadcast_in_dim3A_210 = vector.shape_cast %slice3A_209 : vector<1x16xf32> to vector<1x16xf32>
    %broadcast_in_dim3A_211 = vector.broadcast %broadcast_in_dim3A_210 : vector<1x16xf32> to vector<64x16xf32>
    %swap3A_212 = arith.constant 0 : index
    %swap3A_213 = arith.constant 1136 : index
    %swap3A_214 = vector.load %arg3[%swap3A_212, %swap3A_213] : memref<64x12800xf32, #tpu.memory_space<vmem>>, vector<64x16xf32>
    tpu.vector_store %arg3[%swap3A_212, %swap3A_213], %broadcast_in_dim3A_211 {strides = array<i32>} : memref<64x12800xf32, #tpu.memory_space<vmem>>, vector<64x16xf32>,
    %get3A_215 = arith.constant 0 : index
    %get3A_216 = arith.constant 864 : index
    %get3A_217 = vector.load %arg1[%get3A_215, %get3A_216] : memref<64x9600xf32, #tpu.memory_space<vmem>>, vector<64x48xf32>
    %swap3A_218 = arith.constant 0 : index
    %swap3A_219 = arith.constant 1152 : index
    %swap3A_220 = vector.load %arg3[%swap3A_218, %swap3A_219] : memref<64x12800xf32, #tpu.memory_space<vmem>>, vector<64x48xf32>
    tpu.vector_store %arg3[%swap3A_218, %swap3A_219], %get3A_217 {strides = array<i32>} : memref<64x12800xf32, #tpu.memory_space<vmem>>, vector<64x48xf32>,
    %slice3A_221 = vector.extract_strided_slice %get3A_1 {offsets = [9, 0], sizes = [1, 16], strides = [1, 1]} : vector<100x32xf32> to vector<1x16xf32>
    %broadcast_in_dim3A_222 = vector.shape_cast %slice3A_221 : vector<1x16xf32> to vector<1x16xf32>
    %broadcast_in_dim3A_223 = vector.broadcast %broadcast_in_dim3A_222 : vector<1x16xf32> to vector<64x16xf32>
    %swap3A_224 = arith.constant 0 : index
    %swap3A_225 = arith.constant 1200 : index
    %swap3A_226 = vector.load %arg3[%swap3A_224, %swap3A_225] : memref<64x12800xf32, #tpu.memory_space<vmem>>, vector<64x16xf32>
    tpu.vector_store %arg3[%swap3A_224, %swap3A_225], %broadcast_in_dim3A_223 {strides = array<i32>} : memref<64x12800xf32, #tpu.memory_space<vmem>>, vector<64x16xf32>,
    %get3A_227 = arith.constant 0 : index
    %get3A_228 = arith.constant 912 : index
    %get3A_229 = vector.load %arg1[%get3A_227, %get3A_228] : memref<64x9600xf32, #tpu.memory_space<vmem>>, vector<64x48xf32>
    %swap3A_230 = arith.constant 0 : index
    %swap3A_231 = arith.constant 1216 : index
    %swap3A_232 = vector.load %arg3[%swap3A_230, %swap3A_231] : memref<64x12800xf32, #tpu.memory_space<vmem>>, vector<64x48xf32>
    tpu.vector_store %arg3[%swap3A_230, %swap3A_231], %get3A_229 {strides = array<i32>} : memref<64x12800xf32, #tpu.memory_space<vmem>>, vector<64x48xf32>,
    %slice3A_233 = vector.extract_strided_slice %get3A_1 {offsets = [9, 16], sizes = [1, 16], strides = [1, 1]} : vector<100x32xf32> to vector<1x16xf32>
    %broadcast_in_dim3A_234 = vector.shape_cast %slice3A_233 : vector<1x16xf32> to vector<1x16xf32>
    %broadcast_in_dim3A_235 = vector.broadcast %broadcast_in_dim3A_234 : vector<1x16xf32> to vector<64x16xf32>
    %swap3A_236 = arith.constant 0 : index
    %swap3A_237 = arith.constant 1264 : index
    %swap3A_238 = vector.load %arg3[%swap3A_236, %swap3A_237] : memref<64x12800xf32, #tpu.memory_space<vmem>>, vector<64x16xf32>
    tpu.vector_store %arg3[%swap3A_236, %swap3A_237], %broadcast_in_dim3A_235 {strides = array<i32>} : memref<64x12800xf32, #tpu.memory_space<vmem>>, vector<64x16xf32>,
    %get3A_239 = arith.constant 0 : index
    %get3A_240 = arith.constant 960 : index
    %get3A_241 = vector.load %arg1[%get3A_239, %get3A_240] : memref<64x9600xf32, #tpu.memory_space<vmem>>, vector<64x48xf32>
    %swap3A_242 = arith.constant 0 : index
    %swap3A_243 = arith.constant 1280 : index
    %swap3A_244 = vector.load %arg3[%swap3A_242, %swap3A_243] : memref<64x12800xf32, #tpu.memory_space<vmem>>, vector<64x48xf32>
    tpu.vector_store %arg3[%swap3A_242, %swap3A_243], %get3A_241 {strides = array<i32>} : memref<64x12800xf32, #tpu.memory_space<vmem>>, vector<64x48xf32>,
    %slice3A_245 = vector.extract_strided_slice %get3A_1 {offsets = [10, 0], sizes = [1, 16], strides = [1, 1]} : vector<100x32xf32> to vector<1x16xf32>
    %broadcast_in_dim3A_246 = vector.shape_cast %slice3A_245 : vector<1x16xf32> to vector<1x16xf32>
    %broadcast_in_dim3A_247 = vector.broadcast %broadcast_in_dim3A_246 : vector<1x16xf32> to vector<64x16xf32>
    %swap3A_248 = arith.constant 0 : index
    %swap3A_249 = arith.constant 1328 : index
    %swap3A_250 = vector.load %arg3[%swap3A_248, %swap3A_249] : memref<64x12800xf32, #tpu.memory_space<vmem>>, vector<64x16xf32>
    tpu.vector_store %arg3[%swap3A_248, %swap3A_249], %broadcast_in_dim3A_247 {strides = array<i32>} : memref<64x12800xf32, #tpu.memory_space<vmem>>, vector<64x16xf32>,
    %get3A_251 = arith.constant 0 : index
    %get3A_252 = arith.constant 1008 : index
    %get3A_253 = vector.load %arg1[%get3A_251, %get3A_252] : memref<64x9600xf32, #tpu.memory_space<vmem>>, vector<64x48xf32>
    %swap3A_254 = arith.constant 0 : index
    %swap3A_255 = arith.constant 1344 : index
    %swap3A_256 = vector.load %arg3[%swap3A_254, %swap3A_255] : memref<64x12800xf32, #tpu.memory_space<vmem>>, vector<64x48xf32>
    tpu.vector_store %arg3[%swap3A_254, %swap3A_255], %get3A_253 {strides = array<i32>} : memref<64x12800xf32, #tpu.memory_space<vmem>>, vector<64x48xf32>,
    %slice3A_257 = vector.extract_strided_slice %get3A_1 {offsets = [10, 16], sizes = [1, 16], strides = [1, 1]} : vector<100x32xf32> to vector<1x16xf32>
    %broadcast_in_dim3A_258 = vector.shape_cast %slice3A_257 : vector<1x16xf32> to vector<1x16xf32>
    %broadcast_in_dim3A_259 = vector.broadcast %broadcast_in_dim3A_258 : vector<1x16xf32> to vector<64x16xf32>
    %swap3A_260 = arith.constant 0 : index
    %swap3A_261 = arith.constant 1392 : index
    %swap3A_262 = vector.load %arg3[%swap3A_260, %swap3A_261] : memref<64x12800xf32, #tpu.memory_space<vmem>>, vector<64x16xf32>
    tpu.vector_store %arg3[%swap3A_260, %swap3A_261], %broadcast_in_dim3A_259 {strides = array<i32>} : memref<64x12800xf32, #tpu.memory_space<vmem>>, vector<64x16xf32>,
    %get3A_263 = arith.constant 0 : index
    %get3A_264 = arith.constant 1056 : index
    %get3A_265 = vector.load %arg1[%get3A_263, %get3A_264] : memref<64x9600xf32, #tpu.memory_space<vmem>>, vector<64x48xf32>
    %swap3A_266 = arith.constant 0 : index
    %swap3A_267 = arith.constant 1408 : index
    %swap3A_268 = vector.load %arg3[%swap3A_266, %swap3A_267] : memref<64x12800xf32, #tpu.memory_space<vmem>>, vector<64x48xf32>
    tpu.vector_store %arg3[%swap3A_266, %swap3A_267], %get3A_265 {strides = array<i32>} : memref<64x12800xf32, #tpu.memory_space<vmem>>, vector<64x48xf32>,
    %slice3A_269 = vector.extract_strided_slice %get3A_1 {offsets = [11, 0], sizes = [1, 16], strides = [1, 1]} : vector<100x32xf32> to vector<1x16xf32>
    %broadcast_in_dim3A_270 = vector.shape_cast %slice3A_269 : vector<1x16xf32> to vector<1x16xf32>
    %broadcast_in_dim3A_271 = vector.broadcast %broadcast_in_dim3A_270 : vector<1x16xf32> to vector<64x16xf32>
    %swap3A_272 = arith.constant 0 : index
    %swap3A_273 = arith.constant 1456 : index
    %swap3A_274 = vector.load %arg3[%swap3A_272, %swap3A_273] : memref<64x12800xf32, #tpu.memory_space<vmem>>, vector<64x16xf32>
    tpu.vector_store %arg3[%swap3A_272, %swap3A_273], %broadcast_in_dim3A_271 {strides = array<i32>} : memref<64x12800xf32, #tpu.memory_space<vmem>>, vector<64x16xf32>,
    %get3A_275 = arith.constant 0 : index
    %get3A_276 = arith.constant 1104 : index
    %get3A_277 = vector.load %arg1[%get3A_275, %get3A_276] : memref<64x9600xf32, #tpu.memory_space<vmem>>, vector<64x48xf32>
    %swap3A_278 = arith.constant 0 : index
    %swap3A_279 = arith.constant 1472 : index
    %swap3A_280 = vector.load %arg3[%swap3A_278, %swap3A_279] : memref<64x12800xf32, #tpu.memory_space<vmem>>, vector<64x48xf32>
    tpu.vector_store %arg3[%swap3A_278, %swap3A_279], %get3A_277 {strides = array<i32>} : memref<64x12800xf32, #tpu.memory_space<vmem>>, vector<64x48xf32>,
    %slice3A_281 = vector.extract_strided_slice %get3A_1 {offsets = [11, 16], sizes = [1, 16], strides = [1, 1]} : vector<100x32xf32> to vector<1x16xf32>
    %broadcast_in_dim3A_282 = vector.shape_cast %slice3A_281 : vector<1x16xf32> to vector<1x16xf32>
    %broadcast_in_dim3A_283 = vector.broadcast %broadcast_in_dim3A_282 : vector<1x16xf32> to vector<64x16xf32>
    %swap3A_284 = arith.constant 0 : index
    %swap3A_285 = arith.constant 1520 : index
    %swap3A_286 = vector.load %arg3[%swap3A_284, %swap3A_285] : memref<64x12800xf32, #tpu.memory_space<vmem>>, vector<64x16xf32>
    tpu.vector_store %arg3[%swap3A_284, %swap3A_285], %broadcast_in_dim3A_283 {strides = array<i32>} : memref<64x12800xf32, #tpu.memory_space<vmem>>, vector<64x16xf32>,
    %get3A_287 = arith.constant 0 : index
    %get3A_288 = arith.constant 1152 : index
    %get3A_289 = vector.load %arg1[%get3A_287, %get3A_288] : memref<64x9600xf32, #tpu.memory_space<vmem>>, vector<64x48xf32>
    %swap3A_290 = arith.constant 0 : index
    %swap3A_291 = arith.constant 1536 : index
    %swap3A_292 = vector.load %arg3[%swap3A_290, %swap3A_291] : memref<64x12800xf32, #tpu.memory_space<vmem>>, vector<64x48xf32>
    tpu.vector_store %arg3[%swap3A_290, %swap3A_291], %get3A_289 {strides = array<i32>} : memref<64x12800xf32, #tpu.memory_space<vmem>>, vector<64x48xf32>,
    %slice3A_293 = vector.extract_strided_slice %get3A_1 {offsets = [12, 0], sizes = [1, 16], strides = [1, 1]} : vector<100x32xf32> to vector<1x16xf32>
    %broadcast_in_dim3A_294 = vector.shape_cast %slice3A_293 : vector<1x16xf32> to vector<1x16xf32>
    %broadcast_in_dim3A_295 = vector.broadcast %broadcast_in_dim3A_294 : vector<1x16xf32> to vector<64x16xf32>
    %swap3A_296 = arith.constant 0 : index
    %swap3A_297 = arith.constant 1584 : index
    %swap3A_298 = vector.load %arg3[%swap3A_296, %swap3A_297] : memref<64x12800xf32, #tpu.memory_space<vmem>>, vector<64x16xf32>
    tpu.vector_store %arg3[%swap3A_296, %swap3A_297], %broadcast_in_dim3A_295 {strides = array<i32>} : memref<64x12800xf32, #tpu.memory_space<vmem>>, vector<64x16xf32>,
    %get3A_299 = arith.constant 0 : index
    %get3A_300 = arith.constant 1200 : index
    %get3A_301 = vector.load %arg1[%get3A_299, %get3A_300] : memref<64x9600xf32, #tpu.memory_space<vmem>>, vector<64x48xf32>
    %swap3A_302 = arith.constant 0 : index
    %swap3A_303 = arith.constant 1600 : index
    %swap3A_304 = vector.load %arg3[%swap3A_302, %swap3A_303] : memref<64x12800xf32, #tpu.memory_space<vmem>>, vector<64x48xf32>
    tpu.vector_store %arg3[%swap3A_302, %swap3A_303], %get3A_301 {strides = array<i32>} : memref<64x12800xf32, #tpu.memory_space<vmem>>, vector<64x48xf32>,
    %slice3A_305 = vector.extract_strided_slice %get3A_1 {offsets = [12, 16], sizes = [1, 16], strides = [1, 1]} : vector<100x32xf32> to vector<1x16xf32>
    %broadcast_in_dim3A_306 = vector.shape_cast %slice3A_305 : vector<1x16xf32> to vector<1x16xf32>
    %broadcast_in_dim3A_307 = vector.broadcast %broadcast_in_dim3A_306 : vector<1x16xf32> to vector<64x16xf32>
    %swap3A_308 = arith.constant 0 : index
    %swap3A_309 = arith.constant 1648 : index
    %swap3A_310 = vector.load %arg3[%swap3A_308, %swap3A_309] : memref<64x12800xf32, #tpu.memory_space<vmem>>, vector<64x16xf32>
    tpu.vector_store %arg3[%swap3A_308, %swap3A_309], %broadcast_in_dim3A_307 {strides = array<i32>} : memref<64x12800xf32, #tpu.memory_space<vmem>>, vector<64x16xf32>,
    %get3A_311 = arith.constant 0 : index
    %get3A_312 = arith.constant 1248 : index
    %get3A_313 = vector.load %arg1[%get3A_311, %get3A_312] : memref<64x9600xf32, #tpu.memory_space<vmem>>, vector<64x48xf32>
    %swap3A_314 = arith.constant 0 : index
    %swap3A_315 = arith.constant 1664 : index
    %swap3A_316 = vector.load %arg3[%swap3A_314, %swap3A_315] : memref<64x12800xf32, #tpu.memory_space<vmem>>, vector<64x48xf32>
    tpu.vector_store %arg3[%swap3A_314, %swap3A_315], %get3A_313 {strides = array<i32>} : memref<64x12800xf32, #tpu.memory_space<vmem>>, vector<64x48xf32>,
    %slice3A_317 = vector.extract_strided_slice %get3A_1 {offsets = [13, 0], sizes = [1, 16], strides = [1, 1]} : vector<100x32xf32> to vector<1x16xf32>
    %broadcast_in_dim3A_318 = vector.shape_cast %slice3A_317 : vector<1x16xf32> to vector<1x16xf32>
    %broadcast_in_dim3A_319 = vector.broadcast %broadcast_in_dim3A_318 : vector<1x16xf32> to vector<64x16xf32>
    %swap3A_320 = arith.constant 0 : index
    %swap3A_321 = arith.constant 1712 : index
    %swap3A_322 = vector.load %arg3[%swap3A_320, %swap3A_321] : memref<64x12800xf32, #tpu.memory_space<vmem>>, vector<64x16xf32>
    tpu.vector_store %arg3[%swap3A_320, %swap3A_321], %broadcast_in_dim3A_319 {strides = array<i32>} : memref<64x12800xf32, #tpu.memory_space<vmem>>, vector<64x16xf32>,
    %get3A_323 = arith.constant 0 : index
    %get3A_324 = arith.constant 1296 : index
    %get3A_325 = vector.load %arg1[%get3A_323, %get3A_324] : memref<64x9600xf32, #tpu.memory_space<vmem>>, vector<64x48xf32>
    %swap3A_326 = arith.constant 0 : index
    %swap3A_327 = arith.constant 1728 : index
    %swap3A_328 = vector.load %arg3[%swap3A_326, %swap3A_327] : memref<64x12800xf32, #tpu.memory_space<vmem>>, vector<64x48xf32>
    tpu.vector_store %arg3[%swap3A_326, %swap3A_327], %get3A_325 {strides = array<i32>} : memref<64x12800xf32, #tpu.memory_space<vmem>>, vector<64x48xf32>,
    %slice3A_329 = vector.extract_strided_slice %get3A_1 {offsets = [13, 16], sizes = [1, 16], strides = [1, 1]} : vector<100x32xf32> to vector<1x16xf32>
    %broadcast_in_dim3A_330 = vector.shape_cast %slice3A_329 : vector<1x16xf32> to vector<1x16xf32>
    %broadcast_in_dim3A_331 = vector.broadcast %broadcast_in_dim3A_330 : vector<1x16xf32> to vector<64x16xf32>
    %swap3A_332 = arith.constant 0 : index
    %swap3A_333 = arith.constant 1776 : index
    %swap3A_334 = vector.load %arg3[%swap3A_332, %swap3A_333] : memref<64x12800xf32, #tpu.memory_space<vmem>>, vector<64x16xf32>
    tpu.vector_store %arg3[%swap3A_332, %swap3A_333], %broadcast_in_dim3A_331 {strides = array<i32>} : memref<64x12800xf32, #tpu.memory_space<vmem>>, vector<64x16xf32>,
    %get3A_335 = arith.constant 0 : index
    %get3A_336 = arith.constant 1344 : index
    %get3A_337 = vector.load %arg1[%get3A_335, %get3A_336] : memref<64x9600xf32, #tpu.memory_space<vmem>>, vector<64x48xf32>
    %swap3A_338 = arith.constant 0 : index
    %swap3A_339 = arith.constant 1792 : index
    %swap3A_340 = vector.load %arg3[%swap3A_338, %swap3A_339] : memref<64x12800xf32, #tpu.memory_space<vmem>>, vector<64x48xf32>
    tpu.vector_store %arg3[%swap3A_338, %swap3A_339], %get3A_337 {strides = array<i32>} : memref<64x12800xf32, #tpu.memory_space<vmem>>, vector<64x48xf32>,
    %slice3A_341 = vector.extract_strided_slice %get3A_1 {offsets = [14, 0], sizes = [1, 16], strides = [1, 1]} : vector<100x32xf32> to vector<1x16xf32>
    %broadcast_in_dim3A_342 = vector.shape_cast %slice3A_341 : vector<1x16xf32> to vector<1x16xf32>
    %broadcast_in_dim3A_343 = vector.broadcast %broadcast_in_dim3A_342 : vector<1x16xf32> to vector<64x16xf32>
    %swap3A_344 = arith.constant 0 : index
    %swap3A_345 = arith.constant 1840 : index
    %swap3A_346 = vector.load %arg3[%swap3A_344, %swap3A_345] : memref<64x12800xf32, #tpu.memory_space<vmem>>, vector<64x16xf32>
    tpu.vector_store %arg3[%swap3A_344, %swap3A_345], %broadcast_in_dim3A_343 {strides = array<i32>} : memref<64x12800xf32, #tpu.memory_space<vmem>>, vector<64x16xf32>,
    %get3A_347 = arith.constant 0 : index
    %get3A_348 = arith.constant 1392 : index
    %get3A_349 = vector.load %arg1[%get3A_347, %get3A_348] : memref<64x9600xf32, #tpu.memory_space<vmem>>, vector<64x48xf32>
    %swap3A_350 = arith.constant 0 : index
    %swap3A_351 = arith.constant 1856 : index
    %swap3A_352 = vector.load %arg3[%swap3A_350, %swap3A_351] : memref<64x12800xf32, #tpu.memory_space<vmem>>, vector<64x48xf32>
    tpu.vector_store %arg3[%swap3A_350, %swap3A_351], %get3A_349 {strides = array<i32>} : memref<64x12800xf32, #tpu.memory_space<vmem>>, vector<64x48xf32>,
    %slice3A_353 = vector.extract_strided_slice %get3A_1 {offsets = [14, 16], sizes = [1, 16], strides = [1, 1]} : vector<100x32xf32> to vector<1x16xf32>
    %broadcast_in_dim3A_354 = vector.shape_cast %slice3A_353 : vector<1x16xf32> to vector<1x16xf32>
    %broadcast_in_dim3A_355 = vector.broadcast %broadcast_in_dim3A_354 : vector<1x16xf32> to vector<64x16xf32>
    %swap3A_356 = arith.constant 0 : index
    %swap3A_357 = arith.constant 1904 : index
    %swap3A_358 = vector.load %arg3[%swap3A_356, %swap3A_357] : memref<64x12800xf32, #tpu.memory_space<vmem>>, vector<64x16xf32>
    tpu.vector_store %arg3[%swap3A_356, %swap3A_357], %broadcast_in_dim3A_355 {strides = array<i32>} : memref<64x12800xf32, #tpu.memory_space<vmem>>, vector<64x16xf32>,
    %get3A_359 = arith.constant 0 : index
    %get3A_360 = arith.constant 1440 : index
    %get3A_361 = vector.load %arg1[%get3A_359, %get3A_360] : memref<64x9600xf32, #tpu.memory_space<vmem>>, vector<64x48xf32>
    %swap3A_362 = arith.constant 0 : index
    %swap3A_363 = arith.constant 1920 : index
    %swap3A_364 = vector.load %arg3[%swap3A_362, %swap3A_363] : memref<64x12800xf32, #tpu.memory_space<vmem>>, vector<64x48xf32>
    tpu.vector_store %arg3[%swap3A_362, %swap3A_363], %get3A_361 {strides = array<i32>} : memref<64x12800xf32, #tpu.memory_space<vmem>>, vector<64x48xf32>,
    %slice3A_365 = vector.extract_strided_slice %get3A_1 {offsets = [15, 0], sizes = [1, 16], strides = [1, 1]} : vector<100x32xf32> to vector<1x16xf32>
    %broadcast_in_dim3A_366 = vector.shape_cast %slice3A_365 : vector<1x16xf32> to vector<1x16xf32>
    %broadcast_in_dim3A_367 = vector.broadcast %broadcast_in_dim3A_366 : vector<1x16xf32> to vector<64x16xf32>
    %swap3A_368 = arith.constant 0 : index
    %swap3A_369 = arith.constant 1968 : index
    %swap3A_370 = vector.load %arg3[%swap3A_368, %swap3A_369] : memref<64x12800xf32, #tpu.memory_space<vmem>>, vector<64x16xf32>
    tpu.vector_store %arg3[%swap3A_368, %swap3A_369], %broadcast_in_dim3A_367 {strides = array<i32>} : memref<64x12800xf32, #tpu.memory_space<vmem>>, vector<64x16xf32>,
    %get3A_371 = arith.constant 0 : index
    %get3A_372 = arith.constant 1488 : index
    %get3A_373 = vector.load %arg1[%get3A_371, %get3A_372] : memref<64x9600xf32, #tpu.memory_space<vmem>>, vector<64x48xf32>
    %swap3A_374 = arith.constant 0 : index
    %swap3A_375 = arith.constant 1984 : index
    %swap3A_376 = vector.load %arg3[%swap3A_374, %swap3A_375] : memref<64x12800xf32, #tpu.memory_space<vmem>>, vector<64x48xf32>
    tpu.vector_store %arg3[%swap3A_374, %swap3A_375], %get3A_373 {strides = array<i32>} : memref<64x12800xf32, #tpu.memory_space<vmem>>, vector<64x48xf32>,
    %slice3A_377 = vector.extract_strided_slice %get3A_1 {offsets = [15, 16], sizes = [1, 16], strides = [1, 1]} : vector<100x32xf32> to vector<1x16xf32>
    %broadcast_in_dim3A_378 = vector.shape_cast %slice3A_377 : vector<1x16xf32> to vector<1x16xf32>
    %broadcast_in_dim3A_379 = vector.broadcast %broadcast_in_dim3A_378 : vector<1x16xf32> to vector<64x16xf32>
    %swap3A_380 = arith.constant 0 : index
    %swap3A_381 = arith.constant 2032 : index
    %swap3A_382 = vector.load %arg3[%swap3A_380, %swap3A_381] : memref<64x12800xf32, #tpu.memory_space<vmem>>, vector<64x16xf32>
    tpu.vector_store %arg3[%swap3A_380, %swap3A_381], %broadcast_in_dim3A_379 {strides = array<i32>} : memref<64x12800xf32, #tpu.memory_space<vmem>>, vector<64x16xf32>,
    %get3A_383 = arith.constant 0 : index
    %get3A_384 = arith.constant 1536 : index
    %get3A_385 = vector.load %arg1[%get3A_383, %get3A_384] : memref<64x9600xf32, #tpu.memory_space<vmem>>, vector<64x48xf32>
    %swap3A_386 = arith.constant 0 : index
    %swap3A_387 = arith.constant 2048 : index
    %swap3A_388 = vector.load %arg3[%swap3A_386, %swap3A_387] : memref<64x12800xf32, #tpu.memory_space<vmem>>, vector<64x48xf32>
    tpu.vector_store %arg3[%swap3A_386, %swap3A_387], %get3A_385 {strides = array<i32>} : memref<64x12800xf32, #tpu.memory_space<vmem>>, vector<64x48xf32>,
    %slice3A_389 = vector.extract_strided_slice %get3A_1 {offsets = [16, 0], sizes = [1, 16], strides = [1, 1]} : vector<100x32xf32> to vector<1x16xf32>
    %broadcast_in_dim3A_390 = vector.shape_cast %slice3A_389 : vector<1x16xf32> to vector<1x16xf32>
    %broadcast_in_dim3A_391 = vector.broadcast %broadcast_in_dim3A_390 : vector<1x16xf32> to vector<64x16xf32>
    %swap3A_392 = arith.constant 0 : index
    %swap3A_393 = arith.constant 2096 : index
    %swap3A_394 = vector.load %arg3[%swap3A_392, %swap3A_393] : memref<64x12800xf32, #tpu.memory_space<vmem>>, vector<64x16xf32>
    tpu.vector_store %arg3[%swap3A_392, %swap3A_393], %broadcast_in_dim3A_391 {strides = array<i32>} : memref<64x12800xf32, #tpu.memory_space<vmem>>, vector<64x16xf32>,
    %get3A_395 = arith.constant 0 : index
    %get3A_396 = arith.constant 1584 : index
    %get3A_397 = vector.load %arg1[%get3A_395, %get3A_396] : memref<64x9600xf32, #tpu.memory_space<vmem>>, vector<64x48xf32>
    %swap3A_398 = arith.constant 0 : index
    %swap3A_399 = arith.constant 2112 : index
    %swap3A_400 = vector.load %arg3[%swap3A_398, %swap3A_399] : memref<64x12800xf32, #tpu.memory_space<vmem>>, vector<64x48xf32>
    tpu.vector_store %arg3[%swap3A_398, %swap3A_399], %get3A_397 {strides = array<i32>} : memref<64x12800xf32, #tpu.memory_space<vmem>>, vector<64x48xf32>,
    %slice3A_401 = vector.extract_strided_slice %get3A_1 {offsets = [16, 16], sizes = [1, 16], strides = [1, 1]} : vector<100x32xf32> to vector<1x16xf32>
    %broadcast_in_dim3A_402 = vector.shape_cast %slice3A_401 : vector<1x16xf32> to vector<1x16xf32>
    %broadcast_in_dim3A_403 = vector.broadcast %broadcast_in_dim3A_402 : vector<1x16xf32> to vector<64x16xf32>
    %swap3A_404 = arith.constant 0 : index
    %swap3A_405 = arith.constant 2160 : index
    %swap3A_406 = vector.load %arg3[%swap3A_404, %swap3A_405] : memref<64x12800xf32, #tpu.memory_space<vmem>>, vector<64x16xf32>
    tpu.vector_store %arg3[%swap3A_404, %swap3A_405], %broadcast_in_dim3A_403 {strides = array<i32>} : memref<64x12800xf32, #tpu.memory_space<vmem>>, vector<64x16xf32>,
    %get3A_407 = arith.constant 0 : index
    %get3A_408 = arith.constant 1632 : index
    %get3A_409 = vector.load %arg1[%get3A_407, %get3A_408] : memref<64x9600xf32, #tpu.memory_space<vmem>>, vector<64x48xf32>
    %swap3A_410 = arith.constant 0 : index
    %swap3A_411 = arith.constant 2176 : index
    %swap3A_412 = vector.load %arg3[%swap3A_410, %swap3A_411] : memref<64x12800xf32, #tpu.memory_space<vmem>>, vector<64x48xf32>
    tpu.vector_store %arg3[%swap3A_410, %swap3A_411], %get3A_409 {strides = array<i32>} : memref<64x12800xf32, #tpu.memory_space<vmem>>, vector<64x48xf32>,
    %slice3A_413 = vector.extract_strided_slice %get3A_1 {offsets = [17, 0], sizes = [1, 16], strides = [1, 1]} : vector<100x32xf32> to vector<1x16xf32>
    %broadcast_in_dim3A_414 = vector.shape_cast %slice3A_413 : vector<1x16xf32> to vector<1x16xf32>
    %broadcast_in_dim3A_415 = vector.broadcast %broadcast_in_dim3A_414 : vector<1x16xf32> to vector<64x16xf32>
    %swap3A_416 = arith.constant 0 : index
    %swap3A_417 = arith.constant 2224 : index
    %swap3A_418 = vector.load %arg3[%swap3A_416, %swap3A_417] : memref<64x12800xf32, #tpu.memory_space<vmem>>, vector<64x16xf32>
    tpu.vector_store %arg3[%swap3A_416, %swap3A_417], %broadcast_in_dim3A_415 {strides = array<i32>} : memref<64x12800xf32, #tpu.memory_space<vmem>>, vector<64x16xf32>,
    %get3A_419 = arith.constant 0 : index
    %get3A_420 = arith.constant 1680 : index
    %get3A_421 = vector.load %arg1[%get3A_419, %get3A_420] : memref<64x9600xf32, #tpu.memory_space<vmem>>, vector<64x48xf32>
    %swap3A_422 = arith.constant 0 : index
    %swap3A_423 = arith.constant 2240 : index
    %swap3A_424 = vector.load %arg3[%swap3A_422, %swap3A_423] : memref<64x12800xf32, #tpu.memory_space<vmem>>, vector<64x48xf32>
    tpu.vector_store %arg3[%swap3A_422, %swap3A_423], %get3A_421 {strides = array<i32>} : memref<64x12800xf32, #tpu.memory_space<vmem>>, vector<64x48xf32>,
    %slice3A_425 = vector.extract_strided_slice %get3A_1 {offsets = [17, 16], sizes = [1, 16], strides = [1, 1]} : vector<100x32xf32> to vector<1x16xf32>
    %broadcast_in_dim3A_426 = vector.shape_cast %slice3A_425 : vector<1x16xf32> to vector<1x16xf32>
    %broadcast_in_dim3A_427 = vector.broadcast %broadcast_in_dim3A_426 : vector<1x16xf32> to vector<64x16xf32>
    %swap3A_428 = arith.constant 0 : index
    %swap3A_429 = arith.constant 2288 : index
    %swap3A_430 = vector.load %arg3[%swap3A_428, %swap3A_429] : memref<64x12800xf32, #tpu.memory_space<vmem>>, vector<64x16xf32>
    tpu.vector_store %arg3[%swap3A_428, %swap3A_429], %broadcast_in_dim3A_427 {strides = array<i32>} : memref<64x12800xf32, #tpu.memory_space<vmem>>, vector<64x16xf32>,
    %get3A_431 = arith.constant 0 : index
    %get3A_432 = arith.constant 1728 : index
    %get3A_433 = vector.load %arg1[%get3A_431, %get3A_432] : memref<64x9600xf32, #tpu.memory_space<vmem>>, vector<64x48xf32>
    %swap3A_434 = arith.constant 0 : index
    %swap3A_435 = arith.constant 2304 : index
    %swap3A_436 = vector.load %arg3[%swap3A_434, %swap3A_435] : memref<64x12800xf32, #tpu.memory_space<vmem>>, vector<64x48xf32>
    tpu.vector_store %arg3[%swap3A_434, %swap3A_435], %get3A_433 {strides = array<i32>} : memref<64x12800xf32, #tpu.memory_space<vmem>>, vector<64x48xf32>,
    %slice3A_437 = vector.extract_strided_slice %get3A_1 {offsets = [18, 0], sizes = [1, 16], strides = [1, 1]} : vector<100x32xf32> to vector<1x16xf32>
    %broadcast_in_dim3A_438 = vector.shape_cast %slice3A_437 : vector<1x16xf32> to vector<1x16xf32>
    %broadcast_in_dim3A_439 = vector.broadcast %broadcast_in_dim3A_438 : vector<1x16xf32> to vector<64x16xf32>
    %swap3A_440 = arith.constant 0 : index
    %swap3A_441 = arith.constant 2352 : index
    %swap3A_442 = vector.load %arg3[%swap3A_440, %swap3A_441] : memref<64x12800xf32, #tpu.memory_space<vmem>>, vector<64x16xf32>
    tpu.vector_store %arg3[%swap3A_440, %swap3A_441], %broadcast_in_dim3A_439 {strides = array<i32>} : memref<64x12800xf32, #tpu.memory_space<vmem>>, vector<64x16xf32>,
    %get3A_443 = arith.constant 0 : index
    %get3A_444 = arith.constant 1776 : index
    %get3A_445 = vector.load %arg1[%get3A_443, %get3A_444] : memref<64x9600xf32, #tpu.memory_space<vmem>>, vector<64x48xf32>
    %swap3A_446 = arith.constant 0 : index
    %swap3A_447 = arith.constant 2368 : index
    %swap3A_448 = vector.load %arg3[%swap3A_446, %swap3A_447] : memref<64x12800xf32, #tpu.memory_space<vmem>>, vector<64x48xf32>
    tpu.vector_store %arg3[%swap3A_446, %swap3A_447], %get3A_445 {strides = array<i32>} : memref<64x12800xf32, #tpu.memory_space<vmem>>, vector<64x48xf32>,
    %slice3A_449 = vector.extract_strided_slice %get3A_1 {offsets = [18, 16], sizes = [1, 16], strides = [1, 1]} : vector<100x32xf32> to vector<1x16xf32>
    %broadcast_in_dim3A_450 = vector.shape_cast %slice3A_449 : vector<1x16xf32> to vector<1x16xf32>
    %broadcast_in_dim3A_451 = vector.broadcast %broadcast_in_dim3A_450 : vector<1x16xf32> to vector<64x16xf32>
    %swap3A_452 = arith.constant 0 : index
    %swap3A_453 = arith.constant 2416 : index
    %swap3A_454 = vector.load %arg3[%swap3A_452, %swap3A_453] : memref<64x12800xf32, #tpu.memory_space<vmem>>, vector<64x16xf32>
    tpu.vector_store %arg3[%swap3A_452, %swap3A_453], %broadcast_in_dim3A_451 {strides = array<i32>} : memref<64x12800xf32, #tpu.memory_space<vmem>>, vector<64x16xf32>,
    %get3A_455 = arith.constant 0 : index
    %get3A_456 = arith.constant 1824 : index
    %get3A_457 = vector.load %arg1[%get3A_455, %get3A_456] : memref<64x9600xf32, #tpu.memory_space<vmem>>, vector<64x48xf32>
    %swap3A_458 = arith.constant 0 : index
    %swap3A_459 = arith.constant 2432 : index
    %swap3A_460 = vector.load %arg3[%swap3A_458, %swap3A_459] : memref<64x12800xf32, #tpu.memory_space<vmem>>, vector<64x48xf32>
    tpu.vector_store %arg3[%swap3A_458, %swap3A_459], %get3A_457 {strides = array<i32>} : memref<64x12800xf32, #tpu.memory_space<vmem>>, vector<64x48xf32>,
    %slice3A_461 = vector.extract_strided_slice %get3A_1 {offsets = [19, 0], sizes = [1, 16], strides = [1, 1]} : vector<100x32xf32> to vector<1x16xf32>
    %broadcast_in_dim3A_462 = vector.shape_cast %slice3A_461 : vector<1x16xf32> to vector<1x16xf32>
    %broadcast_in_dim3A_463 = vector.broadcast %broadcast_in_dim3A_462 : vector<1x16xf32> to vector<64x16xf32>
    %swap3A_464 = arith.constant 0 : index
    %swap3A_465 = arith.constant 2480 : index
    %swap3A_466 = vector.load %arg3[%swap3A_464, %swap3A_465] : memref<64x12800xf32, #tpu.memory_space<vmem>>, vector<64x16xf32>
    tpu.vector_store %arg3[%swap3A_464, %swap3A_465], %broadcast_in_dim3A_463 {strides = array<i32>} : memref<64x12800xf32, #tpu.memory_space<vmem>>, vector<64x16xf32>,
    %get3A_467 = arith.constant 0 : index
    %get3A_468 = arith.constant 1872 : index
    %get3A_469 = vector.load %arg1[%get3A_467, %get3A_468] : memref<64x9600xf32, #tpu.memory_space<vmem>>, vector<64x48xf32>
    %swap3A_470 = arith.constant 0 : index
    %swap3A_471 = arith.constant 2496 : index
    %swap3A_472 = vector.load %arg3[%swap3A_470, %swap3A_471] : memref<64x12800xf32, #tpu.memory_space<vmem>>, vector<64x48xf32>
    tpu.vector_store %arg3[%swap3A_470, %swap3A_471], %get3A_469 {strides = array<i32>} : memref<64x12800xf32, #tpu.memory_space<vmem>>, vector<64x48xf32>,
    %slice3A_473 = vector.extract_strided_slice %get3A_1 {offsets = [19, 16], sizes = [1, 16], strides = [1, 1]} : vector<100x32xf32> to vector<1x16xf32>
    %broadcast_in_dim3A_474 = vector.shape_cast %slice3A_473 : vector<1x16xf32> to vector<1x16xf32>
    %broadcast_in_dim3A_475 = vector.broadcast %broadcast_in_dim3A_474 : vector<1x16xf32> to vector<64x16xf32>
    %swap3A_476 = arith.constant 0 : index
    %swap3A_477 = arith.constant 2544 : index
    %swap3A_478 = vector.load %arg3[%swap3A_476, %swap3A_477] : memref<64x12800xf32, #tpu.memory_space<vmem>>, vector<64x16xf32>
    tpu.vector_store %arg3[%swap3A_476, %swap3A_477], %broadcast_in_dim3A_475 {strides = array<i32>} : memref<64x12800xf32, #tpu.memory_space<vmem>>, vector<64x16xf32>,
    %get3A_479 = arith.constant 0 : index
    %get3A_480 = arith.constant 1920 : index
    %get3A_481 = vector.load %arg1[%get3A_479, %get3A_480] : memref<64x9600xf32, #tpu.memory_space<vmem>>, vector<64x48xf32>
    %swap3A_482 = arith.constant 0 : index
    %swap3A_483 = arith.constant 2560 : index
    %swap3A_484 = vector.load %arg3[%swap3A_482, %swap3A_483] : memref<64x12800xf32, #tpu.memory_space<vmem>>, vector<64x48xf32>
    tpu.vector_store %arg3[%swap3A_482, %swap3A_483], %get3A_481 {strides = array<i32>} : memref<64x12800xf32, #tpu.memory_space<vmem>>, vector<64x48xf32>,
    %slice3A_485 = vector.extract_strided_slice %get3A_1 {offsets = [20, 0], sizes = [1, 16], strides = [1, 1]} : vector<100x32xf32> to vector<1x16xf32>
    %broadcast_in_dim3A_486 = vector.shape_cast %slice3A_485 : vector<1x16xf32> to vector<1x16xf32>
    %broadcast_in_dim3A_487 = vector.broadcast %broadcast_in_dim3A_486 : vector<1x16xf32> to vector<64x16xf32>
    %swap3A_488 = arith.constant 0 : index
    %swap3A_489 = arith.constant 2608 : index
    %swap3A_490 = vector.load %arg3[%swap3A_488, %swap3A_489] : memref<64x12800xf32, #tpu.memory_space<vmem>>, vector<64x16xf32>
    tpu.vector_store %arg3[%swap3A_488, %swap3A_489], %broadcast_in_dim3A_487 {strides = array<i32>} : memref<64x12800xf32, #tpu.memory_space<vmem>>, vector<64x16xf32>,
    %get3A_491 = arith.constant 0 : index
    %get3A_492 = arith.constant 1968 : index
    %get3A_493 = vector.load %arg1[%get3A_491, %get3A_492] : memref<64x9600xf32, #tpu.memory_space<vmem>>, vector<64x48xf32>
    %swap3A_494 = arith.constant 0 : index
    %swap3A_495 = arith.constant 2624 : index
    %swap3A_496 = vector.load %arg3[%swap3A_494, %swap3A_495] : memref<64x12800xf32, #tpu.memory_space<vmem>>, vector<64x48xf32>
    tpu.vector_store %arg3[%swap3A_494, %swap3A_495], %get3A_493 {strides = array<i32>} : memref<64x12800xf32, #tpu.memory_space<vmem>>, vector<64x48xf32>,
    %slice3A_497 = vector.extract_strided_slice %get3A_1 {offsets = [20, 16], sizes = [1, 16], strides = [1, 1]} : vector<100x32xf32> to vector<1x16xf32>
    %broadcast_in_dim3A_498 = vector.shape_cast %slice3A_497 : vector<1x16xf32> to vector<1x16xf32>
    %broadcast_in_dim3A_499 = vector.broadcast %broadcast_in_dim3A_498 : vector<1x16xf32> to vector<64x16xf32>
    %swap3A_500 = arith.constant 0 : index
    %swap3A_501 = arith.constant 2672 : index
    %swap3A_502 = vector.load %arg3[%swap3A_500, %swap3A_501] : memref<64x12800xf32, #tpu.memory_space<vmem>>, vector<64x16xf32>
    tpu.vector_store %arg3[%swap3A_500, %swap3A_501], %broadcast_in_dim3A_499 {strides = array<i32>} : memref<64x12800xf32, #tpu.memory_space<vmem>>, vector<64x16xf32>,
    %get3A_503 = arith.constant 0 : index
    %get3A_504 = arith.constant 2016 : index
    %get3A_505 = vector.load %arg1[%get3A_503, %get3A_504] : memref<64x9600xf32, #tpu.memory_space<vmem>>, vector<64x48xf32>
    %swap3A_506 = arith.constant 0 : index
    %swap3A_507 = arith.constant 2688 : index
    %swap3A_508 = vector.load %arg3[%swap3A_506, %swap3A_507] : memref<64x12800xf32, #tpu.memory_space<vmem>>, vector<64x48xf32>
    tpu.vector_store %arg3[%swap3A_506, %swap3A_507], %get3A_505 {strides = array<i32>} : memref<64x12800xf32, #tpu.memory_space<vmem>>, vector<64x48xf32>,
    %slice3A_509 = vector.extract_strided_slice %get3A_1 {offsets = [21, 0], sizes = [1, 16], strides = [1, 1]} : vector<100x32xf32> to vector<1x16xf32>
    %broadcast_in_dim3A_510 = vector.shape_cast %slice3A_509 : vector<1x16xf32> to vector<1x16xf32>
    %broadcast_in_dim3A_511 = vector.broadcast %broadcast_in_dim3A_510 : vector<1x16xf32> to vector<64x16xf32>
    %swap3A_512 = arith.constant 0 : index
    %swap3A_513 = arith.constant 2736 : index
    %swap3A_514 = vector.load %arg3[%swap3A_512, %swap3A_513] : memref<64x12800xf32, #tpu.memory_space<vmem>>, vector<64x16xf32>
    tpu.vector_store %arg3[%swap3A_512, %swap3A_513], %broadcast_in_dim3A_511 {strides = array<i32>} : memref<64x12800xf32, #tpu.memory_space<vmem>>, vector<64x16xf32>,
    %get3A_515 = arith.constant 0 : index
    %get3A_516 = arith.constant 2064 : index
    %get3A_517 = vector.load %arg1[%get3A_515, %get3A_516] : memref<64x9600xf32, #tpu.memory_space<vmem>>, vector<64x48xf32>
    %swap3A_518 = arith.constant 0 : index
    %swap3A_519 = arith.constant 2752 : index
    %swap3A_520 = vector.load %arg3[%swap3A_518, %swap3A_519] : memref<64x12800xf32, #tpu.memory_space<vmem>>, vector<64x48xf32>
    tpu.vector_store %arg3[%swap3A_518, %swap3A_519], %get3A_517 {strides = array<i32>} : memref<64x12800xf32, #tpu.memory_space<vmem>>, vector<64x48xf32>,
    %slice3A_521 = vector.extract_strided_slice %get3A_1 {offsets = [21, 16], sizes = [1, 16], strides = [1, 1]} : vector<100x32xf32> to vector<1x16xf32>
    %broadcast_in_dim3A_522 = vector.shape_cast %slice3A_521 : vector<1x16xf32> to vector<1x16xf32>
    %broadcast_in_dim3A_523 = vector.broadcast %broadcast_in_dim3A_522 : vector<1x16xf32> to vector<64x16xf32>
    %swap3A_524 = arith.constant 0 : index
    %swap3A_525 = arith.constant 2800 : index
    %swap3A_526 = vector.load %arg3[%swap3A_524, %swap3A_525] : memref<64x12800xf32, #tpu.memory_space<vmem>>, vector<64x16xf32>
    tpu.vector_store %arg3[%swap3A_524, %swap3A_525], %broadcast_in_dim3A_523 {strides = array<i32>} : memref<64x12800xf32, #tpu.memory_space<vmem>>, vector<64x16xf32>,
    %get3A_527 = arith.constant 0 : index
    %get3A_528 = arith.constant 2112 : index
    %get3A_529 = vector.load %arg1[%get3A_527, %get3A_528] : memref<64x9600xf32, #tpu.memory_space<vmem>>, vector<64x48xf32>
    %swap3A_530 = arith.constant 0 : index
    %swap3A_531 = arith.constant 2816 : index
    %swap3A_532 = vector.load %arg3[%swap3A_530, %swap3A_531] : memref<64x12800xf32, #tpu.memory_space<vmem>>, vector<64x48xf32>
    tpu.vector_store %arg3[%swap3A_530, %swap3A_531], %get3A_529 {strides = array<i32>} : memref<64x12800xf32, #tpu.memory_space<vmem>>, vector<64x48xf32>,
    %slice3A_533 = vector.extract_strided_slice %get3A_1 {offsets = [22, 0], sizes = [1, 16], strides = [1, 1]} : vector<100x32xf32> to vector<1x16xf32>
    %broadcast_in_dim3A_534 = vector.shape_cast %slice3A_533 : vector<1x16xf32> to vector<1x16xf32>
    %broadcast_in_dim3A_535 = vector.broadcast %broadcast_in_dim3A_534 : vector<1x16xf32> to vector<64x16xf32>
    %swap3A_536 = arith.constant 0 : index
    %swap3A_537 = arith.constant 2864 : index
    %swap3A_538 = vector.load %arg3[%swap3A_536, %swap3A_537] : memref<64x12800xf32, #tpu.memory_space<vmem>>, vector<64x16xf32>
    tpu.vector_store %arg3[%swap3A_536, %swap3A_537], %broadcast_in_dim3A_535 {strides = array<i32>} : memref<64x12800xf32, #tpu.memory_space<vmem>>, vector<64x16xf32>,
    %get3A_539 = arith.constant 0 : index
    %get3A_540 = arith.constant 2160 : index
    %get3A_541 = vector.load %arg1[%get3A_539, %get3A_540] : memref<64x9600xf32, #tpu.memory_space<vmem>>, vector<64x48xf32>
    %swap3A_542 = arith.constant 0 : index
    %swap3A_543 = arith.constant 2880 : index
    %swap3A_544 = vector.load %arg3[%swap3A_542, %swap3A_543] : memref<64x12800xf32, #tpu.memory_space<vmem>>, vector<64x48xf32>
    tpu.vector_store %arg3[%swap3A_542, %swap3A_543], %get3A_541 {strides = array<i32>} : memref<64x12800xf32, #tpu.memory_space<vmem>>, vector<64x48xf32>,
    %slice3A_545 = vector.extract_strided_slice %get3A_1 {offsets = [22, 16], sizes = [1, 16], strides = [1, 1]} : vector<100x32xf32> to vector<1x16xf32>
    %broadcast_in_dim3A_546 = vector.shape_cast %slice3A_545 : vector<1x16xf32> to vector<1x16xf32>
    %broadcast_in_dim3A_547 = vector.broadcast %broadcast_in_dim3A_546 : vector<1x16xf32> to vector<64x16xf32>
    %swap3A_548 = arith.constant 0 : index
    %swap3A_549 = arith.constant 2928 : index
    %swap3A_550 = vector.load %arg3[%swap3A_548, %swap3A_549] : memref<64x12800xf32, #tpu.memory_space<vmem>>, vector<64x16xf32>
    tpu.vector_store %arg3[%swap3A_548, %swap3A_549], %broadcast_in_dim3A_547 {strides = array<i32>} : memref<64x12800xf32, #tpu.memory_space<vmem>>, vector<64x16xf32>,
    %get3A_551 = arith.constant 0 : index
    %get3A_552 = arith.constant 2208 : index
    %get3A_553 = vector.load %arg1[%get3A_551, %get3A_552] : memref<64x9600xf32, #tpu.memory_space<vmem>>, vector<64x48xf32>
    %swap3A_554 = arith.constant 0 : index
    %swap3A_555 = arith.constant 2944 : index
    %swap3A_556 = vector.load %arg3[%swap3A_554, %swap3A_555] : memref<64x12800xf32, #tpu.memory_space<vmem>>, vector<64x48xf32>
    tpu.vector_store %arg3[%swap3A_554, %swap3A_555], %get3A_553 {strides = array<i32>} : memref<64x12800xf32, #tpu.memory_space<vmem>>, vector<64x48xf32>,
    %slice3A_557 = vector.extract_strided_slice %get3A_1 {offsets = [23, 0], sizes = [1, 16], strides = [1, 1]} : vector<100x32xf32> to vector<1x16xf32>
    %broadcast_in_dim3A_558 = vector.shape_cast %slice3A_557 : vector<1x16xf32> to vector<1x16xf32>
    %broadcast_in_dim3A_559 = vector.broadcast %broadcast_in_dim3A_558 : vector<1x16xf32> to vector<64x16xf32>
    %swap3A_560 = arith.constant 0 : index
    %swap3A_561 = arith.constant 2992 : index
    %swap3A_562 = vector.load %arg3[%swap3A_560, %swap3A_561] : memref<64x12800xf32, #tpu.memory_space<vmem>>, vector<64x16xf32>
    tpu.vector_store %arg3[%swap3A_560, %swap3A_561], %broadcast_in_dim3A_559 {strides = array<i32>} : memref<64x12800xf32, #tpu.memory_space<vmem>>, vector<64x16xf32>,
    %get3A_563 = arith.constant 0 : index
    %get3A_564 = arith.constant 2256 : index
    %get3A_565 = vector.load %arg1[%get3A_563, %get3A_564] : memref<64x9600xf32, #tpu.memory_space<vmem>>, vector<64x48xf32>
    %swap3A_566 = arith.constant 0 : index
    %swap3A_567 = arith.constant 3008 : index
    %swap3A_568 = vector.load %arg3[%swap3A_566, %swap3A_567] : memref<64x12800xf32, #tpu.memory_space<vmem>>, vector<64x48xf32>
    tpu.vector_store %arg3[%swap3A_566, %swap3A_567], %get3A_565 {strides = array<i32>} : memref<64x12800xf32, #tpu.memory_space<vmem>>, vector<64x48xf32>,
    %slice3A_569 = vector.extract_strided_slice %get3A_1 {offsets = [23, 16], sizes = [1, 16], strides = [1, 1]} : vector<100x32xf32> to vector<1x16xf32>
    %broadcast_in_dim3A_570 = vector.shape_cast %slice3A_569 : vector<1x16xf32> to vector<1x16xf32>
    %broadcast_in_dim3A_571 = vector.broadcast %broadcast_in_dim3A_570 : vector<1x16xf32> to vector<64x16xf32>
    %swap3A_572 = arith.constant 0 : index
    %swap3A_573 = arith.constant 3056 : index
    %swap3A_574 = vector.load %arg3[%swap3A_572, %swap3A_573] : memref<64x12800xf32, #tpu.memory_space<vmem>>, vector<64x16xf32>
    tpu.vector_store %arg3[%swap3A_572, %swap3A_573], %broadcast_in_dim3A_571 {strides = array<i32>} : memref<64x12800xf32, #tpu.memory_space<vmem>>, vector<64x16xf32>,
    %get3A_575 = arith.constant 0 : index
    %get3A_576 = arith.constant 2304 : index
    %get3A_577 = vector.load %arg1[%get3A_575, %get3A_576] : memref<64x9600xf32, #tpu.memory_space<vmem>>, vector<64x48xf32>
    %swap3A_578 = arith.constant 0 : index
    %swap3A_579 = arith.constant 3072 : index
    %swap3A_580 = vector.load %arg3[%swap3A_578, %swap3A_579] : memref<64x12800xf32, #tpu.memory_space<vmem>>, vector<64x48xf32>
    tpu.vector_store %arg3[%swap3A_578, %swap3A_579], %get3A_577 {strides = array<i32>} : memref<64x12800xf32, #tpu.memory_space<vmem>>, vector<64x48xf32>,
    %slice3A_581 = vector.extract_strided_slice %get3A_1 {offsets = [24, 0], sizes = [1, 16], strides = [1, 1]} : vector<100x32xf32> to vector<1x16xf32>
    %broadcast_in_dim3A_582 = vector.shape_cast %slice3A_581 : vector<1x16xf32> to vector<1x16xf32>
    %broadcast_in_dim3A_583 = vector.broadcast %broadcast_in_dim3A_582 : vector<1x16xf32> to vector<64x16xf32>
    %swap3A_584 = arith.constant 0 : index
    %swap3A_585 = arith.constant 3120 : index
    %swap3A_586 = vector.load %arg3[%swap3A_584, %swap3A_585] : memref<64x12800xf32, #tpu.memory_space<vmem>>, vector<64x16xf32>
    tpu.vector_store %arg3[%swap3A_584, %swap3A_585], %broadcast_in_dim3A_583 {strides = array<i32>} : memref<64x12800xf32, #tpu.memory_space<vmem>>, vector<64x16xf32>,
    %get3A_587 = arith.constant 0 : index
    %get3A_588 = arith.constant 2352 : index
    %get3A_589 = vector.load %arg1[%get3A_587, %get3A_588] : memref<64x9600xf32, #tpu.memory_space<vmem>>, vector<64x48xf32>
    %swap3A_590 = arith.constant 0 : index
    %swap3A_591 = arith.constant 3136 : index
    %swap3A_592 = vector.load %arg3[%swap3A_590, %swap3A_591] : memref<64x12800xf32, #tpu.memory_space<vmem>>, vector<64x48xf32>
    tpu.vector_store %arg3[%swap3A_590, %swap3A_591], %get3A_589 {strides = array<i32>} : memref<64x12800xf32, #tpu.memory_space<vmem>>, vector<64x48xf32>,
    %slice3A_593 = vector.extract_strided_slice %get3A_1 {offsets = [24, 16], sizes = [1, 16], strides = [1, 1]} : vector<100x32xf32> to vector<1x16xf32>
    %broadcast_in_dim3A_594 = vector.shape_cast %slice3A_593 : vector<1x16xf32> to vector<1x16xf32>
    %broadcast_in_dim3A_595 = vector.broadcast %broadcast_in_dim3A_594 : vector<1x16xf32> to vector<64x16xf32>
    %swap3A_596 = arith.constant 0 : index
    %swap3A_597 = arith.constant 3184 : index
    %swap3A_598 = vector.load %arg3[%swap3A_596, %swap3A_597] : memref<64x12800xf32, #tpu.memory_space<vmem>>, vector<64x16xf32>
    tpu.vector_store %arg3[%swap3A_596, %swap3A_597], %broadcast_in_dim3A_595 {strides = array<i32>} : memref<64x12800xf32, #tpu.memory_space<vmem>>, vector<64x16xf32>,
    %get3A_599 = arith.constant 0 : index
    %get3A_600 = arith.constant 2400 : index
    %get3A_601 = vector.load %arg1[%get3A_599, %get3A_600] : memref<64x9600xf32, #tpu.memory_space<vmem>>, vector<64x48xf32>
    %swap3A_602 = arith.constant 0 : index
    %swap3A_603 = arith.constant 3200 : index
    %swap3A_604 = vector.load %arg3[%swap3A_602, %swap3A_603] : memref<64x12800xf32, #tpu.memory_space<vmem>>, vector<64x48xf32>
    tpu.vector_store %arg3[%swap3A_602, %swap3A_603], %get3A_601 {strides = array<i32>} : memref<64x12800xf32, #tpu.memory_space<vmem>>, vector<64x48xf32>,
    %slice3A_605 = vector.extract_strided_slice %get3A_1 {offsets = [25, 0], sizes = [1, 16], strides = [1, 1]} : vector<100x32xf32> to vector<1x16xf32>
    %broadcast_in_dim3A_606 = vector.shape_cast %slice3A_605 : vector<1x16xf32> to vector<1x16xf32>
    %broadcast_in_dim3A_607 = vector.broadcast %broadcast_in_dim3A_606 : vector<1x16xf32> to vector<64x16xf32>
    %swap3A_608 = arith.constant 0 : index
    %swap3A_609 = arith.constant 3248 : index
    %swap3A_610 = vector.load %arg3[%swap3A_608, %swap3A_609] : memref<64x12800xf32, #tpu.memory_space<vmem>>, vector<64x16xf32>
    tpu.vector_store %arg3[%swap3A_608, %swap3A_609], %broadcast_in_dim3A_607 {strides = array<i32>} : memref<64x12800xf32, #tpu.memory_space<vmem>>, vector<64x16xf32>,
    %get3A_611 = arith.constant 0 : index
    %get3A_612 = arith.constant 2448 : index
    %get3A_613 = vector.load %arg1[%get3A_611, %get3A_612] : memref<64x9600xf32, #tpu.memory_space<vmem>>, vector<64x48xf32>
    %swap3A_614 = arith.constant 0 : index
    %swap3A_615 = arith.constant 3264 : index
    %swap3A_616 = vector.load %arg3[%swap3A_614, %swap3A_615] : memref<64x12800xf32, #tpu.memory_space<vmem>>, vector<64x48xf32>
    tpu.vector_store %arg3[%swap3A_614, %swap3A_615], %get3A_613 {strides = array<i32>} : memref<64x12800xf32, #tpu.memory_space<vmem>>, vector<64x48xf32>,
    %slice3A_617 = vector.extract_strided_slice %get3A_1 {offsets = [25, 16], sizes = [1, 16], strides = [1, 1]} : vector<100x32xf32> to vector<1x16xf32>
    %broadcast_in_dim3A_618 = vector.shape_cast %slice3A_617 : vector<1x16xf32> to vector<1x16xf32>
    %broadcast_in_dim3A_619 = vector.broadcast %broadcast_in_dim3A_618 : vector<1x16xf32> to vector<64x16xf32>
    %swap3A_620 = arith.constant 0 : index
    %swap3A_621 = arith.constant 3312 : index
    %swap3A_622 = vector.load %arg3[%swap3A_620, %swap3A_621] : memref<64x12800xf32, #tpu.memory_space<vmem>>, vector<64x16xf32>
    tpu.vector_store %arg3[%swap3A_620, %swap3A_621], %broadcast_in_dim3A_619 {strides = array<i32>} : memref<64x12800xf32, #tpu.memory_space<vmem>>, vector<64x16xf32>,
    %get3A_623 = arith.constant 0 : index
    %get3A_624 = arith.constant 2496 : index
    %get3A_625 = vector.load %arg1[%get3A_623, %get3A_624] : memref<64x9600xf32, #tpu.memory_space<vmem>>, vector<64x48xf32>
    %swap3A_626 = arith.constant 0 : index
    %swap3A_627 = arith.constant 3328 : index
    %swap3A_628 = vector.load %arg3[%swap3A_626, %swap3A_627] : memref<64x12800xf32, #tpu.memory_space<vmem>>, vector<64x48xf32>
    tpu.vector_store %arg3[%swap3A_626, %swap3A_627], %get3A_625 {strides = array<i32>} : memref<64x12800xf32, #tpu.memory_space<vmem>>, vector<64x48xf32>,
    %slice3A_629 = vector.extract_strided_slice %get3A_1 {offsets = [26, 0], sizes = [1, 16], strides = [1, 1]} : vector<100x32xf32> to vector<1x16xf32>
    %broadcast_in_dim3A_630 = vector.shape_cast %slice3A_629 : vector<1x16xf32> to vector<1x16xf32>
    %broadcast_in_dim3A_631 = vector.broadcast %broadcast_in_dim3A_630 : vector<1x16xf32> to vector<64x16xf32>
    %swap3A_632 = arith.constant 0 : index
    %swap3A_633 = arith.constant 3376 : index
    %swap3A_634 = vector.load %arg3[%swap3A_632, %swap3A_633] : memref<64x12800xf32, #tpu.memory_space<vmem>>, vector<64x16xf32>
    tpu.vector_store %arg3[%swap3A_632, %swap3A_633], %broadcast_in_dim3A_631 {strides = array<i32>} : memref<64x12800xf32, #tpu.memory_space<vmem>>, vector<64x16xf32>,
    %get3A_635 = arith.constant 0 : index
    %get3A_636 = arith.constant 2544 : index
    %get3A_637 = vector.load %arg1[%get3A_635, %get3A_636] : memref<64x9600xf32, #tpu.memory_space<vmem>>, vector<64x48xf32>
    %swap3A_638 = arith.constant 0 : index
    %swap3A_639 = arith.constant 3392 : index
    %swap3A_640 = vector.load %arg3[%swap3A_638, %swap3A_639] : memref<64x12800xf32, #tpu.memory_space<vmem>>, vector<64x48xf32>
    tpu.vector_store %arg3[%swap3A_638, %swap3A_639], %get3A_637 {strides = array<i32>} : memref<64x12800xf32, #tpu.memory_space<vmem>>, vector<64x48xf32>,
    %slice3A_641 = vector.extract_strided_slice %get3A_1 {offsets = [26, 16], sizes = [1, 16], strides = [1, 1]} : vector<100x32xf32> to vector<1x16xf32>
    %broadcast_in_dim3A_642 = vector.shape_cast %slice3A_641 : vector<1x16xf32> to vector<1x16xf32>
    %broadcast_in_dim3A_643 = vector.broadcast %broadcast_in_dim3A_642 : vector<1x16xf32> to vector<64x16xf32>
    %swap3A_644 = arith.constant 0 : index
    %swap3A_645 = arith.constant 3440 : index
    %swap3A_646 = vector.load %arg3[%swap3A_644, %swap3A_645] : memref<64x12800xf32, #tpu.memory_space<vmem>>, vector<64x16xf32>
    tpu.vector_store %arg3[%swap3A_644, %swap3A_645], %broadcast_in_dim3A_643 {strides = array<i32>} : memref<64x12800xf32, #tpu.memory_space<vmem>>, vector<64x16xf32>,
    %get3A_647 = arith.constant 0 : index
    %get3A_648 = arith.constant 2592 : index
    %get3A_649 = vector.load %arg1[%get3A_647, %get3A_648] : memref<64x9600xf32, #tpu.memory_space<vmem>>, vector<64x48xf32>
    %swap3A_650 = arith.constant 0 : index
    %swap3A_651 = arith.constant 3456 : index
    %swap3A_652 = vector.load %arg3[%swap3A_650, %swap3A_651] : memref<64x12800xf32, #tpu.memory_space<vmem>>, vector<64x48xf32>
    tpu.vector_store %arg3[%swap3A_650, %swap3A_651], %get3A_649 {strides = array<i32>} : memref<64x12800xf32, #tpu.memory_space<vmem>>, vector<64x48xf32>,
    %slice3A_653 = vector.extract_strided_slice %get3A_1 {offsets = [27, 0], sizes = [1, 16], strides = [1, 1]} : vector<100x32xf32> to vector<1x16xf32>
    %broadcast_in_dim3A_654 = vector.shape_cast %slice3A_653 : vector<1x16xf32> to vector<1x16xf32>
    %broadcast_in_dim3A_655 = vector.broadcast %broadcast_in_dim3A_654 : vector<1x16xf32> to vector<64x16xf32>
    %swap3A_656 = arith.constant 0 : index
    %swap3A_657 = arith.constant 3504 : index
    %swap3A_658 = vector.load %arg3[%swap3A_656, %swap3A_657] : memref<64x12800xf32, #tpu.memory_space<vmem>>, vector<64x16xf32>
    tpu.vector_store %arg3[%swap3A_656, %swap3A_657], %broadcast_in_dim3A_655 {strides = array<i32>} : memref<64x12800xf32, #tpu.memory_space<vmem>>, vector<64x16xf32>,
    %get3A_659 = arith.constant 0 : index
    %get3A_660 = arith.constant 2640 : index
    %get3A_661 = vector.load %arg1[%get3A_659, %get3A_660] : memref<64x9600xf32, #tpu.memory_space<vmem>>, vector<64x48xf32>
    %swap3A_662 = arith.constant 0 : index
    %swap3A_663 = arith.constant 3520 : index
    %swap3A_664 = vector.load %arg3[%swap3A_662, %swap3A_663] : memref<64x12800xf32, #tpu.memory_space<vmem>>, vector<64x48xf32>
    tpu.vector_store %arg3[%swap3A_662, %swap3A_663], %get3A_661 {strides = array<i32>} : memref<64x12800xf32, #tpu.memory_space<vmem>>, vector<64x48xf32>,
    %slice3A_665 = vector.extract_strided_slice %get3A_1 {offsets = [27, 16], sizes = [1, 16], strides = [1, 1]} : vector<100x32xf32> to vector<1x16xf32>
    %broadcast_in_dim3A_666 = vector.shape_cast %slice3A_665 : vector<1x16xf32> to vector<1x16xf32>
    %broadcast_in_dim3A_667 = vector.broadcast %broadcast_in_dim3A_666 : vector<1x16xf32> to vector<64x16xf32>
    %swap3A_668 = arith.constant 0 : index
    %swap3A_669 = arith.constant 3568 : index
    %swap3A_670 = vector.load %arg3[%swap3A_668, %swap3A_669] : memref<64x12800xf32, #tpu.memory_space<vmem>>, vector<64x16xf32>
    tpu.vector_store %arg3[%swap3A_668, %swap3A_669], %broadcast_in_dim3A_667 {strides = array<i32>} : memref<64x12800xf32, #tpu.memory_space<vmem>>, vector<64x16xf32>,
    %get3A_671 = arith.constant 0 : index
    %get3A_672 = arith.constant 2688 : index
    %get3A_673 = vector.load %arg1[%get3A_671, %get3A_672] : memref<64x9600xf32, #tpu.memory_space<vmem>>, vector<64x48xf32>
    %swap3A_674 = arith.constant 0 : index
    %swap3A_675 = arith.constant 3584 : index
    %swap3A_676 = vector.load %arg3[%swap3A_674, %swap3A_675] : memref<64x12800xf32, #tpu.memory_space<vmem>>, vector<64x48xf32>
    tpu.vector_store %arg3[%swap3A_674, %swap3A_675], %get3A_673 {strides = array<i32>} : memref<64x12800xf32, #tpu.memory_space<vmem>>, vector<64x48xf32>,
    %slice3A_677 = vector.extract_strided_slice %get3A_1 {offsets = [28, 0], sizes = [1, 16], strides = [1, 1]} : vector<100x32xf32> to vector<1x16xf32>
    %broadcast_in_dim3A_678 = vector.shape_cast %slice3A_677 : vector<1x16xf32> to vector<1x16xf32>
    %broadcast_in_dim3A_679 = vector.broadcast %broadcast_in_dim3A_678 : vector<1x16xf32> to vector<64x16xf32>
    %swap3A_680 = arith.constant 0 : index
    %swap3A_681 = arith.constant 3632 : index
    %swap3A_682 = vector.load %arg3[%swap3A_680, %swap3A_681] : memref<64x12800xf32, #tpu.memory_space<vmem>>, vector<64x16xf32>
    tpu.vector_store %arg3[%swap3A_680, %swap3A_681], %broadcast_in_dim3A_679 {strides = array<i32>} : memref<64x12800xf32, #tpu.memory_space<vmem>>, vector<64x16xf32>,
    %get3A_683 = arith.constant 0 : index
    %get3A_684 = arith.constant 2736 : index
    %get3A_685 = vector.load %arg1[%get3A_683, %get3A_684] : memref<64x9600xf32, #tpu.memory_space<vmem>>, vector<64x48xf32>
    %swap3A_686 = arith.constant 0 : index
    %swap3A_687 = arith.constant 3648 : index
    %swap3A_688 = vector.load %arg3[%swap3A_686, %swap3A_687] : memref<64x12800xf32, #tpu.memory_space<vmem>>, vector<64x48xf32>
    tpu.vector_store %arg3[%swap3A_686, %swap3A_687], %get3A_685 {strides = array<i32>} : memref<64x12800xf32, #tpu.memory_space<vmem>>, vector<64x48xf32>,
    %slice3A_689 = vector.extract_strided_slice %get3A_1 {offsets = [28, 16], sizes = [1, 16], strides = [1, 1]} : vector<100x32xf32> to vector<1x16xf32>
    %broadcast_in_dim3A_690 = vector.shape_cast %slice3A_689 : vector<1x16xf32> to vector<1x16xf32>
    %broadcast_in_dim3A_691 = vector.broadcast %broadcast_in_dim3A_690 : vector<1x16xf32> to vector<64x16xf32>
    %swap3A_692 = arith.constant 0 : index
    %swap3A_693 = arith.constant 3696 : index
    %swap3A_694 = vector.load %arg3[%swap3A_692, %swap3A_693] : memref<64x12800xf32, #tpu.memory_space<vmem>>, vector<64x16xf32>
    tpu.vector_store %arg3[%swap3A_692, %swap3A_693], %broadcast_in_dim3A_691 {strides = array<i32>} : memref<64x12800xf32, #tpu.memory_space<vmem>>, vector<64x16xf32>,
    %get3A_695 = arith.constant 0 : index
    %get3A_696 = arith.constant 2784 : index
    %get3A_697 = vector.load %arg1[%get3A_695, %get3A_696] : memref<64x9600xf32, #tpu.memory_space<vmem>>, vector<64x48xf32>
    %swap3A_698 = arith.constant 0 : index
    %swap3A_699 = arith.constant 3712 : index
    %swap3A_700 = vector.load %arg3[%swap3A_698, %swap3A_699] : memref<64x12800xf32, #tpu.memory_space<vmem>>, vector<64x48xf32>
    tpu.vector_store %arg3[%swap3A_698, %swap3A_699], %get3A_697 {strides = array<i32>} : memref<64x12800xf32, #tpu.memory_space<vmem>>, vector<64x48xf32>,
    %slice3A_701 = vector.extract_strided_slice %get3A_1 {offsets = [29, 0], sizes = [1, 16], strides = [1, 1]} : vector<100x32xf32> to vector<1x16xf32>
    %broadcast_in_dim3A_702 = vector.shape_cast %slice3A_701 : vector<1x16xf32> to vector<1x16xf32>
    %broadcast_in_dim3A_703 = vector.broadcast %broadcast_in_dim3A_702 : vector<1x16xf32> to vector<64x16xf32>
    %swap3A_704 = arith.constant 0 : index
    %swap3A_705 = arith.constant 3760 : index
    %swap3A_706 = vector.load %arg3[%swap3A_704, %swap3A_705] : memref<64x12800xf32, #tpu.memory_space<vmem>>, vector<64x16xf32>
    tpu.vector_store %arg3[%swap3A_704, %swap3A_705], %broadcast_in_dim3A_703 {strides = array<i32>} : memref<64x12800xf32, #tpu.memory_space<vmem>>, vector<64x16xf32>,
    %get3A_707 = arith.constant 0 : index
    %get3A_708 = arith.constant 2832 : index
    %get3A_709 = vector.load %arg1[%get3A_707, %get3A_708] : memref<64x9600xf32, #tpu.memory_space<vmem>>, vector<64x48xf32>
    %swap3A_710 = arith.constant 0 : index
    %swap3A_711 = arith.constant 3776 : index
    %swap3A_712 = vector.load %arg3[%swap3A_710, %swap3A_711] : memref<64x12800xf32, #tpu.memory_space<vmem>>, vector<64x48xf32>
    tpu.vector_store %arg3[%swap3A_710, %swap3A_711], %get3A_709 {strides = array<i32>} : memref<64x12800xf32, #tpu.memory_space<vmem>>, vector<64x48xf32>,
    %slice3A_713 = vector.extract_strided_slice %get3A_1 {offsets = [29, 16], sizes = [1, 16], strides = [1, 1]} : vector<100x32xf32> to vector<1x16xf32>
    %broadcast_in_dim3A_714 = vector.shape_cast %slice3A_713 : vector<1x16xf32> to vector<1x16xf32>
    %broadcast_in_dim3A_715 = vector.broadcast %broadcast_in_dim3A_714 : vector<1x16xf32> to vector<64x16xf32>
    %swap3A_716 = arith.constant 0 : index
    %swap3A_717 = arith.constant 3824 : index
    %swap3A_718 = vector.load %arg3[%swap3A_716, %swap3A_717] : memref<64x12800xf32, #tpu.memory_space<vmem>>, vector<64x16xf32>
    tpu.vector_store %arg3[%swap3A_716, %swap3A_717], %broadcast_in_dim3A_715 {strides = array<i32>} : memref<64x12800xf32, #tpu.memory_space<vmem>>, vector<64x16xf32>,
    %get3A_719 = arith.constant 0 : index
    %get3A_720 = arith.constant 2880 : index
    %get3A_721 = vector.load %arg1[%get3A_719, %get3A_720] : memref<64x9600xf32, #tpu.memory_space<vmem>>, vector<64x48xf32>
    %swap3A_722 = arith.constant 0 : index
    %swap3A_723 = arith.constant 3840 : index
    %swap3A_724 = vector.load %arg3[%swap3A_722, %swap3A_723] : memref<64x12800xf32, #tpu.memory_space<vmem>>, vector<64x48xf32>
    tpu.vector_store %arg3[%swap3A_722, %swap3A_723], %get3A_721 {strides = array<i32>} : memref<64x12800xf32, #tpu.memory_space<vmem>>, vector<64x48xf32>,
    %slice3A_725 = vector.extract_strided_slice %get3A_1 {offsets = [30, 0], sizes = [1, 16], strides = [1, 1]} : vector<100x32xf32> to vector<1x16xf32>
    %broadcast_in_dim3A_726 = vector.shape_cast %slice3A_725 : vector<1x16xf32> to vector<1x16xf32>
    %broadcast_in_dim3A_727 = vector.broadcast %broadcast_in_dim3A_726 : vector<1x16xf32> to vector<64x16xf32>
    %swap3A_728 = arith.constant 0 : index
    %swap3A_729 = arith.constant 3888 : index
    %swap3A_730 = vector.load %arg3[%swap3A_728, %swap3A_729] : memref<64x12800xf32, #tpu.memory_space<vmem>>, vector<64x16xf32>
    tpu.vector_store %arg3[%swap3A_728, %swap3A_729], %broadcast_in_dim3A_727 {strides = array<i32>} : memref<64x12800xf32, #tpu.memory_space<vmem>>, vector<64x16xf32>,
    %get3A_731 = arith.constant 0 : index
    %get3A_732 = arith.constant 2928 : index
    %get3A_733 = vector.load %arg1[%get3A_731, %get3A_732] : memref<64x9600xf32, #tpu.memory_space<vmem>>, vector<64x48xf32>
    %swap3A_734 = arith.constant 0 : index
    %swap3A_735 = arith.constant 3904 : index
    %swap3A_736 = vector.load %arg3[%swap3A_734, %swap3A_735] : memref<64x12800xf32, #tpu.memory_space<vmem>>, vector<64x48xf32>
    tpu.vector_store %arg3[%swap3A_734, %swap3A_735], %get3A_733 {strides = array<i32>} : memref<64x12800xf32, #tpu.memory_space<vmem>>, vector<64x48xf32>,
    %slice3A_737 = vector.extract_strided_slice %get3A_1 {offsets = [30, 16], sizes = [1, 16], strides = [1, 1]} : vector<100x32xf32> to vector<1x16xf32>
    %broadcast_in_dim3A_738 = vector.shape_cast %slice3A_737 : vector<1x16xf32> to vector<1x16xf32>
    %broadcast_in_dim3A_739 = vector.broadcast %broadcast_in_dim3A_738 : vector<1x16xf32> to vector<64x16xf32>
    %swap3A_740 = arith.constant 0 : index
    %swap3A_741 = arith.constant 3952 : index
    %swap3A_742 = vector.load %arg3[%swap3A_740, %swap3A_741] : memref<64x12800xf32, #tpu.memory_space<vmem>>, vector<64x16xf32>
    tpu.vector_store %arg3[%swap3A_740, %swap3A_741], %broadcast_in_dim3A_739 {strides = array<i32>} : memref<64x12800xf32, #tpu.memory_space<vmem>>, vector<64x16xf32>,
    %get3A_743 = arith.constant 0 : index
    %get3A_744 = arith.constant 2976 : index
    %get3A_745 = vector.load %arg1[%get3A_743, %get3A_744] : memref<64x9600xf32, #tpu.memory_space<vmem>>, vector<64x48xf32>
    %swap3A_746 = arith.constant 0 : index
    %swap3A_747 = arith.constant 3968 : index
    %swap3A_748 = vector.load %arg3[%swap3A_746, %swap3A_747] : memref<64x12800xf32, #tpu.memory_space<vmem>>, vector<64x48xf32>
    tpu.vector_store %arg3[%swap3A_746, %swap3A_747], %get3A_745 {strides = array<i32>} : memref<64x12800xf32, #tpu.memory_space<vmem>>, vector<64x48xf32>,
    %slice3A_749 = vector.extract_strided_slice %get3A_1 {offsets = [31, 0], sizes = [1, 16], strides = [1, 1]} : vector<100x32xf32> to vector<1x16xf32>
    %broadcast_in_dim3A_750 = vector.shape_cast %slice3A_749 : vector<1x16xf32> to vector<1x16xf32>
    %broadcast_in_dim3A_751 = vector.broadcast %broadcast_in_dim3A_750 : vector<1x16xf32> to vector<64x16xf32>
    %swap3A_752 = arith.constant 0 : index
    %swap3A_753 = arith.constant 4016 : index
    %swap3A_754 = vector.load %arg3[%swap3A_752, %swap3A_753] : memref<64x12800xf32, #tpu.memory_space<vmem>>, vector<64x16xf32>
    tpu.vector_store %arg3[%swap3A_752, %swap3A_753], %broadcast_in_dim3A_751 {strides = array<i32>} : memref<64x12800xf32, #tpu.memory_space<vmem>>, vector<64x16xf32>,
    %get3A_755 = arith.constant 0 : index
    %get3A_756 = arith.constant 3024 : index
    %get3A_757 = vector.load %arg1[%get3A_755, %get3A_756] : memref<64x9600xf32, #tpu.memory_space<vmem>>, vector<64x48xf32>
    %swap3A_758 = arith.constant 0 : index
    %swap3A_759 = arith.constant 4032 : index
    %swap3A_760 = vector.load %arg3[%swap3A_758, %swap3A_759] : memref<64x12800xf32, #tpu.memory_space<vmem>>, vector<64x48xf32>
    tpu.vector_store %arg3[%swap3A_758, %swap3A_759], %get3A_757 {strides = array<i32>} : memref<64x12800xf32, #tpu.memory_space<vmem>>, vector<64x48xf32>,
    %slice3A_761 = vector.extract_strided_slice %get3A_1 {offsets = [31, 16], sizes = [1, 16], strides = [1, 1]} : vector<100x32xf32> to vector<1x16xf32>
    %broadcast_in_dim3A_762 = vector.shape_cast %slice3A_761 : vector<1x16xf32> to vector<1x16xf32>
    %broadcast_in_dim3A_763 = vector.broadcast %broadcast_in_dim3A_762 : vector<1x16xf32> to vector<64x16xf32>
    %swap3A_764 = arith.constant 0 : index
    %swap3A_765 = arith.constant 4080 : index
    %swap3A_766 = vector.load %arg3[%swap3A_764, %swap3A_765] : memref<64x12800xf32, #tpu.memory_space<vmem>>, vector<64x16xf32>
    tpu.vector_store %arg3[%swap3A_764, %swap3A_765], %broadcast_in_dim3A_763 {strides = array<i32>} : memref<64x12800xf32, #tpu.memory_space<vmem>>, vector<64x16xf32>,
    %get3A_767 = arith.constant 0 : index
    %get3A_768 = arith.constant 3072 : index
    %get3A_769 = vector.load %arg1[%get3A_767, %get3A_768] : memref<64x9600xf32, #tpu.memory_space<vmem>>, vector<64x48xf32>
    %swap3A_770 = arith.constant 0 : index
    %swap3A_771 = arith.constant 4096 : index
    %swap3A_772 = vector.load %arg3[%swap3A_770, %swap3A_771] : memref<64x12800xf32, #tpu.memory_space<vmem>>, vector<64x48xf32>
    tpu.vector_store %arg3[%swap3A_770, %swap3A_771], %get3A_769 {strides = array<i32>} : memref<64x12800xf32, #tpu.memory_space<vmem>>, vector<64x48xf32>,
    %slice3A_773 = vector.extract_strided_slice %get3A_1 {offsets = [32, 0], sizes = [1, 16], strides = [1, 1]} : vector<100x32xf32> to vector<1x16xf32>
    %broadcast_in_dim3A_774 = vector.shape_cast %slice3A_773 : vector<1x16xf32> to vector<1x16xf32>
    %broadcast_in_dim3A_775 = vector.broadcast %broadcast_in_dim3A_774 : vector<1x16xf32> to vector<64x16xf32>
    %swap3A_776 = arith.constant 0 : index
    %swap3A_777 = arith.constant 4144 : index
    %swap3A_778 = vector.load %arg3[%swap3A_776, %swap3A_777] : memref<64x12800xf32, #tpu.memory_space<vmem>>, vector<64x16xf32>
    tpu.vector_store %arg3[%swap3A_776, %swap3A_777], %broadcast_in_dim3A_775 {strides = array<i32>} : memref<64x12800xf32, #tpu.memory_space<vmem>>, vector<64x16xf32>,
    %get3A_779 = arith.constant 0 : index
    %get3A_780 = arith.constant 3120 : index
    %get3A_781 = vector.load %arg1[%get3A_779, %get3A_780] : memref<64x9600xf32, #tpu.memory_space<vmem>>, vector<64x48xf32>
    %swap3A_782 = arith.constant 0 : index
    %swap3A_783 = arith.constant 4160 : index
    %swap3A_784 = vector.load %arg3[%swap3A_782, %swap3A_783] : memref<64x12800xf32, #tpu.memory_space<vmem>>, vector<64x48xf32>
    tpu.vector_store %arg3[%swap3A_782, %swap3A_783], %get3A_781 {strides = array<i32>} : memref<64x12800xf32, #tpu.memory_space<vmem>>, vector<64x48xf32>,
    %slice3A_785 = vector.extract_strided_slice %get3A_1 {offsets = [32, 16], sizes = [1, 16], strides = [1, 1]} : vector<100x32xf32> to vector<1x16xf32>
    %broadcast_in_dim3A_786 = vector.shape_cast %slice3A_785 : vector<1x16xf32> to vector<1x16xf32>
    %broadcast_in_dim3A_787 = vector.broadcast %broadcast_in_dim3A_786 : vector<1x16xf32> to vector<64x16xf32>
    %swap3A_788 = arith.constant 0 : index
    %swap3A_789 = arith.constant 4208 : index
    %swap3A_790 = vector.load %arg3[%swap3A_788, %swap3A_789] : memref<64x12800xf32, #tpu.memory_space<vmem>>, vector<64x16xf32>
    tpu.vector_store %arg3[%swap3A_788, %swap3A_789], %broadcast_in_dim3A_787 {strides = array<i32>} : memref<64x12800xf32, #tpu.memory_space<vmem>>, vector<64x16xf32>,
    %get3A_791 = arith.constant 0 : index
    %get3A_792 = arith.constant 3168 : index
    %get3A_793 = vector.load %arg1[%get3A_791, %get3A_792] : memref<64x9600xf32, #tpu.memory_space<vmem>>, vector<64x48xf32>
    %swap3A_794 = arith.constant 0 : index
    %swap3A_795 = arith.constant 4224 : index
    %swap3A_796 = vector.load %arg3[%swap3A_794, %swap3A_795] : memref<64x12800xf32, #tpu.memory_space<vmem>>, vector<64x48xf32>
    tpu.vector_store %arg3[%swap3A_794, %swap3A_795], %get3A_793 {strides = array<i32>} : memref<64x12800xf32, #tpu.memory_space<vmem>>, vector<64x48xf32>,
    %slice3A_797 = vector.extract_strided_slice %get3A_1 {offsets = [33, 0], sizes = [1, 16], strides = [1, 1]} : vector<100x32xf32> to vector<1x16xf32>
    %broadcast_in_dim3A_798 = vector.shape_cast %slice3A_797 : vector<1x16xf32> to vector<1x16xf32>
    %broadcast_in_dim3A_799 = vector.broadcast %broadcast_in_dim3A_798 : vector<1x16xf32> to vector<64x16xf32>
    %swap3A_800 = arith.constant 0 : index
    %swap3A_801 = arith.constant 4272 : index
    %swap3A_802 = vector.load %arg3[%swap3A_800, %swap3A_801] : memref<64x12800xf32, #tpu.memory_space<vmem>>, vector<64x16xf32>
    tpu.vector_store %arg3[%swap3A_800, %swap3A_801], %broadcast_in_dim3A_799 {strides = array<i32>} : memref<64x12800xf32, #tpu.memory_space<vmem>>, vector<64x16xf32>,
    %get3A_803 = arith.constant 0 : index
    %get3A_804 = arith.constant 3216 : index
    %get3A_805 = vector.load %arg1[%get3A_803, %get3A_804] : memref<64x9600xf32, #tpu.memory_space<vmem>>, vector<64x48xf32>
    %swap3A_806 = arith.constant 0 : index
    %swap3A_807 = arith.constant 4288 : index
    %swap3A_808 = vector.load %arg3[%swap3A_806, %swap3A_807] : memref<64x12800xf32, #tpu.memory_space<vmem>>, vector<64x48xf32>
    tpu.vector_store %arg3[%swap3A_806, %swap3A_807], %get3A_805 {strides = array<i32>} : memref<64x12800xf32, #tpu.memory_space<vmem>>, vector<64x48xf32>,
    %slice3A_809 = vector.extract_strided_slice %get3A_1 {offsets = [33, 16], sizes = [1, 16], strides = [1, 1]} : vector<100x32xf32> to vector<1x16xf32>
    %broadcast_in_dim3A_810 = vector.shape_cast %slice3A_809 : vector<1x16xf32> to vector<1x16xf32>
    %broadcast_in_dim3A_811 = vector.broadcast %broadcast_in_dim3A_810 : vector<1x16xf32> to vector<64x16xf32>
    %swap3A_812 = arith.constant 0 : index
    %swap3A_813 = arith.constant 4336 : index
    %swap3A_814 = vector.load %arg3[%swap3A_812, %swap3A_813] : memref<64x12800xf32, #tpu.memory_space<vmem>>, vector<64x16xf32>
    tpu.vector_store %arg3[%swap3A_812, %swap3A_813], %broadcast_in_dim3A_811 {strides = array<i32>} : memref<64x12800xf32, #tpu.memory_space<vmem>>, vector<64x16xf32>,
    %get3A_815 = arith.constant 0 : index
    %get3A_816 = arith.constant 3264 : index
    %get3A_817 = vector.load %arg1[%get3A_815, %get3A_816] : memref<64x9600xf32, #tpu.memory_space<vmem>>, vector<64x48xf32>
    %swap3A_818 = arith.constant 0 : index
    %swap3A_819 = arith.constant 4352 : index
    %swap3A_820 = vector.load %arg3[%swap3A_818, %swap3A_819] : memref<64x12800xf32, #tpu.memory_space<vmem>>, vector<64x48xf32>
    tpu.vector_store %arg3[%swap3A_818, %swap3A_819], %get3A_817 {strides = array<i32>} : memref<64x12800xf32, #tpu.memory_space<vmem>>, vector<64x48xf32>,
    %slice3A_821 = vector.extract_strided_slice %get3A_1 {offsets = [34, 0], sizes = [1, 16], strides = [1, 1]} : vector<100x32xf32> to vector<1x16xf32>
    %broadcast_in_dim3A_822 = vector.shape_cast %slice3A_821 : vector<1x16xf32> to vector<1x16xf32>
    %broadcast_in_dim3A_823 = vector.broadcast %broadcast_in_dim3A_822 : vector<1x16xf32> to vector<64x16xf32>
    %swap3A_824 = arith.constant 0 : index
    %swap3A_825 = arith.constant 4400 : index
    %swap3A_826 = vector.load %arg3[%swap3A_824, %swap3A_825] : memref<64x12800xf32, #tpu.memory_space<vmem>>, vector<64x16xf32>
    tpu.vector_store %arg3[%swap3A_824, %swap3A_825], %broadcast_in_dim3A_823 {strides = array<i32>} : memref<64x12800xf32, #tpu.memory_space<vmem>>, vector<64x16xf32>,
    %get3A_827 = arith.constant 0 : index
    %get3A_828 = arith.constant 3312 : index
    %get3A_829 = vector.load %arg1[%get3A_827, %get3A_828] : memref<64x9600xf32, #tpu.memory_space<vmem>>, vector<64x48xf32>
    %swap3A_830 = arith.constant 0 : index
    %swap3A_831 = arith.constant 4416 : index
    %swap3A_832 = vector.load %arg3[%swap3A_830, %swap3A_831] : memref<64x12800xf32, #tpu.memory_space<vmem>>, vector<64x48xf32>
    tpu.vector_store %arg3[%swap3A_830, %swap3A_831], %get3A_829 {strides = array<i32>} : memref<64x12800xf32, #tpu.memory_space<vmem>>, vector<64x48xf32>,
    %slice3A_833 = vector.extract_strided_slice %get3A_1 {offsets = [34, 16], sizes = [1, 16], strides = [1, 1]} : vector<100x32xf32> to vector<1x16xf32>
    %broadcast_in_dim3A_834 = vector.shape_cast %slice3A_833 : vector<1x16xf32> to vector<1x16xf32>
    %broadcast_in_dim3A_835 = vector.broadcast %broadcast_in_dim3A_834 : vector<1x16xf32> to vector<64x16xf32>
    %swap3A_836 = arith.constant 0 : index
    %swap3A_837 = arith.constant 4464 : index
    %swap3A_838 = vector.load %arg3[%swap3A_836, %swap3A_837] : memref<64x12800xf32, #tpu.memory_space<vmem>>, vector<64x16xf32>
    tpu.vector_store %arg3[%swap3A_836, %swap3A_837], %broadcast_in_dim3A_835 {strides = array<i32>} : memref<64x12800xf32, #tpu.memory_space<vmem>>, vector<64x16xf32>,
    %get3A_839 = arith.constant 0 : index
    %get3A_840 = arith.constant 3360 : index
    %get3A_841 = vector.load %arg1[%get3A_839, %get3A_840] : memref<64x9600xf32, #tpu.memory_space<vmem>>, vector<64x48xf32>
    %swap3A_842 = arith.constant 0 : index
    %swap3A_843 = arith.constant 4480 : index
    %swap3A_844 = vector.load %arg3[%swap3A_842, %swap3A_843] : memref<64x12800xf32, #tpu.memory_space<vmem>>, vector<64x48xf32>
    tpu.vector_store %arg3[%swap3A_842, %swap3A_843], %get3A_841 {strides = array<i32>} : memref<64x12800xf32, #tpu.memory_space<vmem>>, vector<64x48xf32>,
    %slice3A_845 = vector.extract_strided_slice %get3A_1 {offsets = [35, 0], sizes = [1, 16], strides = [1, 1]} : vector<100x32xf32> to vector<1x16xf32>
    %broadcast_in_dim3A_846 = vector.shape_cast %slice3A_845 : vector<1x16xf32> to vector<1x16xf32>
    %broadcast_in_dim3A_847 = vector.broadcast %broadcast_in_dim3A_846 : vector<1x16xf32> to vector<64x16xf32>
    %swap3A_848 = arith.constant 0 : index
    %swap3A_849 = arith.constant 4528 : index
    %swap3A_850 = vector.load %arg3[%swap3A_848, %swap3A_849] : memref<64x12800xf32, #tpu.memory_space<vmem>>, vector<64x16xf32>
    tpu.vector_store %arg3[%swap3A_848, %swap3A_849], %broadcast_in_dim3A_847 {strides = array<i32>} : memref<64x12800xf32, #tpu.memory_space<vmem>>, vector<64x16xf32>,
    %get3A_851 = arith.constant 0 : index
    %get3A_852 = arith.constant 3408 : index
    %get3A_853 = vector.load %arg1[%get3A_851, %get3A_852] : memref<64x9600xf32, #tpu.memory_space<vmem>>, vector<64x48xf32>
    %swap3A_854 = arith.constant 0 : index
    %swap3A_855 = arith.constant 4544 : index
    %swap3A_856 = vector.load %arg3[%swap3A_854, %swap3A_855] : memref<64x12800xf32, #tpu.memory_space<vmem>>, vector<64x48xf32>
    tpu.vector_store %arg3[%swap3A_854, %swap3A_855], %get3A_853 {strides = array<i32>} : memref<64x12800xf32, #tpu.memory_space<vmem>>, vector<64x48xf32>,
    %slice3A_857 = vector.extract_strided_slice %get3A_1 {offsets = [35, 16], sizes = [1, 16], strides = [1, 1]} : vector<100x32xf32> to vector<1x16xf32>
    %broadcast_in_dim3A_858 = vector.shape_cast %slice3A_857 : vector<1x16xf32> to vector<1x16xf32>
    %broadcast_in_dim3A_859 = vector.broadcast %broadcast_in_dim3A_858 : vector<1x16xf32> to vector<64x16xf32>
    %swap3A_860 = arith.constant 0 : index
    %swap3A_861 = arith.constant 4592 : index
    %swap3A_862 = vector.load %arg3[%swap3A_860, %swap3A_861] : memref<64x12800xf32, #tpu.memory_space<vmem>>, vector<64x16xf32>
    tpu.vector_store %arg3[%swap3A_860, %swap3A_861], %broadcast_in_dim3A_859 {strides = array<i32>} : memref<64x12800xf32, #tpu.memory_space<vmem>>, vector<64x16xf32>,
    %get3A_863 = arith.constant 0 : index
    %get3A_864 = arith.constant 3456 : index
    %get3A_865 = vector.load %arg1[%get3A_863, %get3A_864] : memref<64x9600xf32, #tpu.memory_space<vmem>>, vector<64x48xf32>
    %swap3A_866 = arith.constant 0 : index
    %swap3A_867 = arith.constant 4608 : index
    %swap3A_868 = vector.load %arg3[%swap3A_866, %swap3A_867] : memref<64x12800xf32, #tpu.memory_space<vmem>>, vector<64x48xf32>
    tpu.vector_store %arg3[%swap3A_866, %swap3A_867], %get3A_865 {strides = array<i32>} : memref<64x12800xf32, #tpu.memory_space<vmem>>, vector<64x48xf32>,
    %slice3A_869 = vector.extract_strided_slice %get3A_1 {offsets = [36, 0], sizes = [1, 16], strides = [1, 1]} : vector<100x32xf32> to vector<1x16xf32>
    %broadcast_in_dim3A_870 = vector.shape_cast %slice3A_869 : vector<1x16xf32> to vector<1x16xf32>
    %broadcast_in_dim3A_871 = vector.broadcast %broadcast_in_dim3A_870 : vector<1x16xf32> to vector<64x16xf32>
    %swap3A_872 = arith.constant 0 : index
    %swap3A_873 = arith.constant 4656 : index
    %swap3A_874 = vector.load %arg3[%swap3A_872, %swap3A_873] : memref<64x12800xf32, #tpu.memory_space<vmem>>, vector<64x16xf32>
    tpu.vector_store %arg3[%swap3A_872, %swap3A_873], %broadcast_in_dim3A_871 {strides = array<i32>} : memref<64x12800xf32, #tpu.memory_space<vmem>>, vector<64x16xf32>,
    %get3A_875 = arith.constant 0 : index
    %get3A_876 = arith.constant 3504 : index
    %get3A_877 = vector.load %arg1[%get3A_875, %get3A_876] : memref<64x9600xf32, #tpu.memory_space<vmem>>, vector<64x48xf32>
    %swap3A_878 = arith.constant 0 : index
    %swap3A_879 = arith.constant 4672 : index
    %swap3A_880 = vector.load %arg3[%swap3A_878, %swap3A_879] : memref<64x12800xf32, #tpu.memory_space<vmem>>, vector<64x48xf32>
    tpu.vector_store %arg3[%swap3A_878, %swap3A_879], %get3A_877 {strides = array<i32>} : memref<64x12800xf32, #tpu.memory_space<vmem>>, vector<64x48xf32>,
    %slice3A_881 = vector.extract_strided_slice %get3A_1 {offsets = [36, 16], sizes = [1, 16], strides = [1, 1]} : vector<100x32xf32> to vector<1x16xf32>
    %broadcast_in_dim3A_882 = vector.shape_cast %slice3A_881 : vector<1x16xf32> to vector<1x16xf32>
    %broadcast_in_dim3A_883 = vector.broadcast %broadcast_in_dim3A_882 : vector<1x16xf32> to vector<64x16xf32>
    %swap3A_884 = arith.constant 0 : index
    %swap3A_885 = arith.constant 4720 : index
    %swap3A_886 = vector.load %arg3[%swap3A_884, %swap3A_885] : memref<64x12800xf32, #tpu.memory_space<vmem>>, vector<64x16xf32>
    tpu.vector_store %arg3[%swap3A_884, %swap3A_885], %broadcast_in_dim3A_883 {strides = array<i32>} : memref<64x12800xf32, #tpu.memory_space<vmem>>, vector<64x16xf32>,
    %get3A_887 = arith.constant 0 : index
    %get3A_888 = arith.constant 3552 : index
    %get3A_889 = vector.load %arg1[%get3A_887, %get3A_888] : memref<64x9600xf32, #tpu.memory_space<vmem>>, vector<64x48xf32>
    %swap3A_890 = arith.constant 0 : index
    %swap3A_891 = arith.constant 4736 : index
    %swap3A_892 = vector.load %arg3[%swap3A_890, %swap3A_891] : memref<64x12800xf32, #tpu.memory_space<vmem>>, vector<64x48xf32>
    tpu.vector_store %arg3[%swap3A_890, %swap3A_891], %get3A_889 {strides = array<i32>} : memref<64x12800xf32, #tpu.memory_space<vmem>>, vector<64x48xf32>,
    %slice3A_893 = vector.extract_strided_slice %get3A_1 {offsets = [37, 0], sizes = [1, 16], strides = [1, 1]} : vector<100x32xf32> to vector<1x16xf32>
    %broadcast_in_dim3A_894 = vector.shape_cast %slice3A_893 : vector<1x16xf32> to vector<1x16xf32>
    %broadcast_in_dim3A_895 = vector.broadcast %broadcast_in_dim3A_894 : vector<1x16xf32> to vector<64x16xf32>
    %swap3A_896 = arith.constant 0 : index
    %swap3A_897 = arith.constant 4784 : index
    %swap3A_898 = vector.load %arg3[%swap3A_896, %swap3A_897] : memref<64x12800xf32, #tpu.memory_space<vmem>>, vector<64x16xf32>
    tpu.vector_store %arg3[%swap3A_896, %swap3A_897], %broadcast_in_dim3A_895 {strides = array<i32>} : memref<64x12800xf32, #tpu.memory_space<vmem>>, vector<64x16xf32>,
    %get3A_899 = arith.constant 0 : index
    %get3A_900 = arith.constant 3600 : index
    %get3A_901 = vector.load %arg1[%get3A_899, %get3A_900] : memref<64x9600xf32, #tpu.memory_space<vmem>>, vector<64x48xf32>
    %swap3A_902 = arith.constant 0 : index
    %swap3A_903 = arith.constant 4800 : index
    %swap3A_904 = vector.load %arg3[%swap3A_902, %swap3A_903] : memref<64x12800xf32, #tpu.memory_space<vmem>>, vector<64x48xf32>
    tpu.vector_store %arg3[%swap3A_902, %swap3A_903], %get3A_901 {strides = array<i32>} : memref<64x12800xf32, #tpu.memory_space<vmem>>, vector<64x48xf32>,
    %slice3A_905 = vector.extract_strided_slice %get3A_1 {offsets = [37, 16], sizes = [1, 16], strides = [1, 1]} : vector<100x32xf32> to vector<1x16xf32>
    %broadcast_in_dim3A_906 = vector.shape_cast %slice3A_905 : vector<1x16xf32> to vector<1x16xf32>
    %broadcast_in_dim3A_907 = vector.broadcast %broadcast_in_dim3A_906 : vector<1x16xf32> to vector<64x16xf32>
    %swap3A_908 = arith.constant 0 : index
    %swap3A_909 = arith.constant 4848 : index
    %swap3A_910 = vector.load %arg3[%swap3A_908, %swap3A_909] : memref<64x12800xf32, #tpu.memory_space<vmem>>, vector<64x16xf32>
    tpu.vector_store %arg3[%swap3A_908, %swap3A_909], %broadcast_in_dim3A_907 {strides = array<i32>} : memref<64x12800xf32, #tpu.memory_space<vmem>>, vector<64x16xf32>,
    %get3A_911 = arith.constant 0 : index
    %get3A_912 = arith.constant 3648 : index
    %get3A_913 = vector.load %arg1[%get3A_911, %get3A_912] : memref<64x9600xf32, #tpu.memory_space<vmem>>, vector<64x48xf32>
    %swap3A_914 = arith.constant 0 : index
    %swap3A_915 = arith.constant 4864 : index
    %swap3A_916 = vector.load %arg3[%swap3A_914, %swap3A_915] : memref<64x12800xf32, #tpu.memory_space<vmem>>, vector<64x48xf32>
    tpu.vector_store %arg3[%swap3A_914, %swap3A_915], %get3A_913 {strides = array<i32>} : memref<64x12800xf32, #tpu.memory_space<vmem>>, vector<64x48xf32>,
    %slice3A_917 = vector.extract_strided_slice %get3A_1 {offsets = [38, 0], sizes = [1, 16], strides = [1, 1]} : vector<100x32xf32> to vector<1x16xf32>
    %broadcast_in_dim3A_918 = vector.shape_cast %slice3A_917 : vector<1x16xf32> to vector<1x16xf32>
    %broadcast_in_dim3A_919 = vector.broadcast %broadcast_in_dim3A_918 : vector<1x16xf32> to vector<64x16xf32>
    %swap3A_920 = arith.constant 0 : index
    %swap3A_921 = arith.constant 4912 : index
    %swap3A_922 = vector.load %arg3[%swap3A_920, %swap3A_921] : memref<64x12800xf32, #tpu.memory_space<vmem>>, vector<64x16xf32>
    tpu.vector_store %arg3[%swap3A_920, %swap3A_921], %broadcast_in_dim3A_919 {strides = array<i32>} : memref<64x12800xf32, #tpu.memory_space<vmem>>, vector<64x16xf32>,
    %get3A_923 = arith.constant 0 : index
    %get3A_924 = arith.constant 3696 : index
    %get3A_925 = vector.load %arg1[%get3A_923, %get3A_924] : memref<64x9600xf32, #tpu.memory_space<vmem>>, vector<64x48xf32>
    %swap3A_926 = arith.constant 0 : index
    %swap3A_927 = arith.constant 4928 : index
    %swap3A_928 = vector.load %arg3[%swap3A_926, %swap3A_927] : memref<64x12800xf32, #tpu.memory_space<vmem>>, vector<64x48xf32>
    tpu.vector_store %arg3[%swap3A_926, %swap3A_927], %get3A_925 {strides = array<i32>} : memref<64x12800xf32, #tpu.memory_space<vmem>>, vector<64x48xf32>,
    %slice3A_929 = vector.extract_strided_slice %get3A_1 {offsets = [38, 16], sizes = [1, 16], strides = [1, 1]} : vector<100x32xf32> to vector<1x16xf32>
    %broadcast_in_dim3A_930 = vector.shape_cast %slice3A_929 : vector<1x16xf32> to vector<1x16xf32>
    %broadcast_in_dim3A_931 = vector.broadcast %broadcast_in_dim3A_930 : vector<1x16xf32> to vector<64x16xf32>
    %swap3A_932 = arith.constant 0 : index
    %swap3A_933 = arith.constant 4976 : index
    %swap3A_934 = vector.load %arg3[%swap3A_932, %swap3A_933] : memref<64x12800xf32, #tpu.memory_space<vmem>>, vector<64x16xf32>
    tpu.vector_store %arg3[%swap3A_932, %swap3A_933], %broadcast_in_dim3A_931 {strides = array<i32>} : memref<64x12800xf32, #tpu.memory_space<vmem>>, vector<64x16xf32>,
    %get3A_935 = arith.constant 0 : index
    %get3A_936 = arith.constant 3744 : index
    %get3A_937 = vector.load %arg1[%get3A_935, %get3A_936] : memref<64x9600xf32, #tpu.memory_space<vmem>>, vector<64x48xf32>
    %swap3A_938 = arith.constant 0 : index
    %swap3A_939 = arith.constant 4992 : index
    %swap3A_940 = vector.load %arg3[%swap3A_938, %swap3A_939] : memref<64x12800xf32, #tpu.memory_space<vmem>>, vector<64x48xf32>
    tpu.vector_store %arg3[%swap3A_938, %swap3A_939], %get3A_937 {strides = array<i32>} : memref<64x12800xf32, #tpu.memory_space<vmem>>, vector<64x48xf32>,
    %slice3A_941 = vector.extract_strided_slice %get3A_1 {offsets = [39, 0], sizes = [1, 16], strides = [1, 1]} : vector<100x32xf32> to vector<1x16xf32>
    %broadcast_in_dim3A_942 = vector.shape_cast %slice3A_941 : vector<1x16xf32> to vector<1x16xf32>
    %broadcast_in_dim3A_943 = vector.broadcast %broadcast_in_dim3A_942 : vector<1x16xf32> to vector<64x16xf32>
    %swap3A_944 = arith.constant 0 : index
    %swap3A_945 = arith.constant 5040 : index
    %swap3A_946 = vector.load %arg3[%swap3A_944, %swap3A_945] : memref<64x12800xf32, #tpu.memory_space<vmem>>, vector<64x16xf32>
    tpu.vector_store %arg3[%swap3A_944, %swap3A_945], %broadcast_in_dim3A_943 {strides = array<i32>} : memref<64x12800xf32, #tpu.memory_space<vmem>>, vector<64x16xf32>,
    %get3A_947 = arith.constant 0 : index
    %get3A_948 = arith.constant 3792 : index
    %get3A_949 = vector.load %arg1[%get3A_947, %get3A_948] : memref<64x9600xf32, #tpu.memory_space<vmem>>, vector<64x48xf32>
    %swap3A_950 = arith.constant 0 : index
    %swap3A_951 = arith.constant 5056 : index
    %swap3A_952 = vector.load %arg3[%swap3A_950, %swap3A_951] : memref<64x12800xf32, #tpu.memory_space<vmem>>, vector<64x48xf32>
    tpu.vector_store %arg3[%swap3A_950, %swap3A_951], %get3A_949 {strides = array<i32>} : memref<64x12800xf32, #tpu.memory_space<vmem>>, vector<64x48xf32>,
    %slice3A_953 = vector.extract_strided_slice %get3A_1 {offsets = [39, 16], sizes = [1, 16], strides = [1, 1]} : vector<100x32xf32> to vector<1x16xf32>
    %broadcast_in_dim3A_954 = vector.shape_cast %slice3A_953 : vector<1x16xf32> to vector<1x16xf32>
    %broadcast_in_dim3A_955 = vector.broadcast %broadcast_in_dim3A_954 : vector<1x16xf32> to vector<64x16xf32>
    %swap3A_956 = arith.constant 0 : index
    %swap3A_957 = arith.constant 5104 : index
    %swap3A_958 = vector.load %arg3[%swap3A_956, %swap3A_957] : memref<64x12800xf32, #tpu.memory_space<vmem>>, vector<64x16xf32>
    tpu.vector_store %arg3[%swap3A_956, %swap3A_957], %broadcast_in_dim3A_955 {strides = array<i32>} : memref<64x12800xf32, #tpu.memory_space<vmem>>, vector<64x16xf32>,
    %get3A_959 = arith.constant 0 : index
    %get3A_960 = arith.constant 3840 : index
    %get3A_961 = vector.load %arg1[%get3A_959, %get3A_960] : memref<64x9600xf32, #tpu.memory_space<vmem>>, vector<64x48xf32>
    %swap3A_962 = arith.constant 0 : index
    %swap3A_963 = arith.constant 5120 : index
    %swap3A_964 = vector.load %arg3[%swap3A_962, %swap3A_963] : memref<64x12800xf32, #tpu.memory_space<vmem>>, vector<64x48xf32>
    tpu.vector_store %arg3[%swap3A_962, %swap3A_963], %get3A_961 {strides = array<i32>} : memref<64x12800xf32, #tpu.memory_space<vmem>>, vector<64x48xf32>,
    %slice3A_965 = vector.extract_strided_slice %get3A_1 {offsets = [40, 0], sizes = [1, 16], strides = [1, 1]} : vector<100x32xf32> to vector<1x16xf32>
    %broadcast_in_dim3A_966 = vector.shape_cast %slice3A_965 : vector<1x16xf32> to vector<1x16xf32>
    %broadcast_in_dim3A_967 = vector.broadcast %broadcast_in_dim3A_966 : vector<1x16xf32> to vector<64x16xf32>
    %swap3A_968 = arith.constant 0 : index
    %swap3A_969 = arith.constant 5168 : index
    %swap3A_970 = vector.load %arg3[%swap3A_968, %swap3A_969] : memref<64x12800xf32, #tpu.memory_space<vmem>>, vector<64x16xf32>
    tpu.vector_store %arg3[%swap3A_968, %swap3A_969], %broadcast_in_dim3A_967 {strides = array<i32>} : memref<64x12800xf32, #tpu.memory_space<vmem>>, vector<64x16xf32>,
    %get3A_971 = arith.constant 0 : index
    %get3A_972 = arith.constant 3888 : index
    %get3A_973 = vector.load %arg1[%get3A_971, %get3A_972] : memref<64x9600xf32, #tpu.memory_space<vmem>>, vector<64x48xf32>
    %swap3A_974 = arith.constant 0 : index
    %swap3A_975 = arith.constant 5184 : index
    %swap3A_976 = vector.load %arg3[%swap3A_974, %swap3A_975] : memref<64x12800xf32, #tpu.memory_space<vmem>>, vector<64x48xf32>
    tpu.vector_store %arg3[%swap3A_974, %swap3A_975], %get3A_973 {strides = array<i32>} : memref<64x12800xf32, #tpu.memory_space<vmem>>, vector<64x48xf32>,
    %slice3A_977 = vector.extract_strided_slice %get3A_1 {offsets = [40, 16], sizes = [1, 16], strides = [1, 1]} : vector<100x32xf32> to vector<1x16xf32>
    %broadcast_in_dim3A_978 = vector.shape_cast %slice3A_977 : vector<1x16xf32> to vector<1x16xf32>
    %broadcast_in_dim3A_979 = vector.broadcast %broadcast_in_dim3A_978 : vector<1x16xf32> to vector<64x16xf32>
    %swap3A_980 = arith.constant 0 : index
    %swap3A_981 = arith.constant 5232 : index
    %swap3A_982 = vector.load %arg3[%swap3A_980, %swap3A_981] : memref<64x12800xf32, #tpu.memory_space<vmem>>, vector<64x16xf32>
    tpu.vector_store %arg3[%swap3A_980, %swap3A_981], %broadcast_in_dim3A_979 {strides = array<i32>} : memref<64x12800xf32, #tpu.memory_space<vmem>>, vector<64x16xf32>,
    %get3A_983 = arith.constant 0 : index
    %get3A_984 = arith.constant 3936 : index
    %get3A_985 = vector.load %arg1[%get3A_983, %get3A_984] : memref<64x9600xf32, #tpu.memory_space<vmem>>, vector<64x48xf32>
    %swap3A_986 = arith.constant 0 : index
    %swap3A_987 = arith.constant 5248 : index
    %swap3A_988 = vector.load %arg3[%swap3A_986, %swap3A_987] : memref<64x12800xf32, #tpu.memory_space<vmem>>, vector<64x48xf32>
    tpu.vector_store %arg3[%swap3A_986, %swap3A_987], %get3A_985 {strides = array<i32>} : memref<64x12800xf32, #tpu.memory_space<vmem>>, vector<64x48xf32>,
    %slice3A_989 = vector.extract_strided_slice %get3A_1 {offsets = [41, 0], sizes = [1, 16], strides = [1, 1]} : vector<100x32xf32> to vector<1x16xf32>
    %broadcast_in_dim3A_990 = vector.shape_cast %slice3A_989 : vector<1x16xf32> to vector<1x16xf32>
    %broadcast_in_dim3A_991 = vector.broadcast %broadcast_in_dim3A_990 : vector<1x16xf32> to vector<64x16xf32>
    %swap3A_992 = arith.constant 0 : index
    %swap3A_993 = arith.constant 5296 : index
    %swap3A_994 = vector.load %arg3[%swap3A_992, %swap3A_993] : memref<64x12800xf32, #tpu.memory_space<vmem>>, vector<64x16xf32>
    tpu.vector_store %arg3[%swap3A_992, %swap3A_993], %broadcast_in_dim3A_991 {strides = array<i32>} : memref<64x12800xf32, #tpu.memory_space<vmem>>, vector<64x16xf32>,
    %get3A_995 = arith.constant 0 : index
    %get3A_996 = arith.constant 3984 : index
    %get3A_997 = vector.load %arg1[%get3A_995, %get3A_996] : memref<64x9600xf32, #tpu.memory_space<vmem>>, vector<64x48xf32>
    %swap3A_998 = arith.constant 0 : index
    %swap3A_999 = arith.constant 5312 : index
    %swap3A_1000 = vector.load %arg3[%swap3A_998, %swap3A_999] : memref<64x12800xf32, #tpu.memory_space<vmem>>, vector<64x48xf32>
    tpu.vector_store %arg3[%swap3A_998, %swap3A_999], %get3A_997 {strides = array<i32>} : memref<64x12800xf32, #tpu.memory_space<vmem>>, vector<64x48xf32>,
    %slice3A_1001 = vector.extract_strided_slice %get3A_1 {offsets = [41, 16], sizes = [1, 16], strides = [1, 1]} : vector<100x32xf32> to vector<1x16xf32>
    %broadcast_in_dim3A_1002 = vector.shape_cast %slice3A_1001 : vector<1x16xf32> to vector<1x16xf32>
    %broadcast_in_dim3A_1003 = vector.broadcast %broadcast_in_dim3A_1002 : vector<1x16xf32> to vector<64x16xf32>
    %swap3A_1004 = arith.constant 0 : index
    %swap3A_1005 = arith.constant 5360 : index
    %swap3A_1006 = vector.load %arg3[%swap3A_1004, %swap3A_1005] : memref<64x12800xf32, #tpu.memory_space<vmem>>, vector<64x16xf32>
    tpu.vector_store %arg3[%swap3A_1004, %swap3A_1005], %broadcast_in_dim3A_1003 {strides = array<i32>} : memref<64x12800xf32, #tpu.memory_space<vmem>>, vector<64x16xf32>,
    %get3A_1007 = arith.constant 0 : index
    %get3A_1008 = arith.constant 4032 : index
    %get3A_1009 = vector.load %arg1[%get3A_1007, %get3A_1008] : memref<64x9600xf32, #tpu.memory_space<vmem>>, vector<64x48xf32>
    %swap3A_1010 = arith.constant 0 : index
    %swap3A_1011 = arith.constant 5376 : index
    %swap3A_1012 = vector.load %arg3[%swap3A_1010, %swap3A_1011] : memref<64x12800xf32, #tpu.memory_space<vmem>>, vector<64x48xf32>
    tpu.vector_store %arg3[%swap3A_1010, %swap3A_1011], %get3A_1009 {strides = array<i32>} : memref<64x12800xf32, #tpu.memory_space<vmem>>, vector<64x48xf32>,
    %slice3A_1013 = vector.extract_strided_slice %get3A_1 {offsets = [42, 0], sizes = [1, 16], strides = [1, 1]} : vector<100x32xf32> to vector<1x16xf32>
    %broadcast_in_dim3A_1014 = vector.shape_cast %slice3A_1013 : vector<1x16xf32> to vector<1x16xf32>
    %broadcast_in_dim3A_1015 = vector.broadcast %broadcast_in_dim3A_1014 : vector<1x16xf32> to vector<64x16xf32>
    %swap3A_1016 = arith.constant 0 : index
    %swap3A_1017 = arith.constant 5424 : index
    %swap3A_1018 = vector.load %arg3[%swap3A_1016, %swap3A_1017] : memref<64x12800xf32, #tpu.memory_space<vmem>>, vector<64x16xf32>
    tpu.vector_store %arg3[%swap3A_1016, %swap3A_1017], %broadcast_in_dim3A_1015 {strides = array<i32>} : memref<64x12800xf32, #tpu.memory_space<vmem>>, vector<64x16xf32>,
    %get3A_1019 = arith.constant 0 : index
    %get3A_1020 = arith.constant 4080 : index
    %get3A_1021 = vector.load %arg1[%get3A_1019, %get3A_1020] : memref<64x9600xf32, #tpu.memory_space<vmem>>, vector<64x48xf32>
    %swap3A_1022 = arith.constant 0 : index
    %swap3A_1023 = arith.constant 5440 : index
    %swap3A_1024 = vector.load %arg3[%swap3A_1022, %swap3A_1023] : memref<64x12800xf32, #tpu.memory_space<vmem>>, vector<64x48xf32>
    tpu.vector_store %arg3[%swap3A_1022, %swap3A_1023], %get3A_1021 {strides = array<i32>} : memref<64x12800xf32, #tpu.memory_space<vmem>>, vector<64x48xf32>,
    %slice3A_1025 = vector.extract_strided_slice %get3A_1 {offsets = [42, 16], sizes = [1, 16], strides = [1, 1]} : vector<100x32xf32> to vector<1x16xf32>
    %broadcast_in_dim3A_1026 = vector.shape_cast %slice3A_1025 : vector<1x16xf32> to vector<1x16xf32>
    %broadcast_in_dim3A_1027 = vector.broadcast %broadcast_in_dim3A_1026 : vector<1x16xf32> to vector<64x16xf32>
    %swap3A_1028 = arith.constant 0 : index
    %swap3A_1029 = arith.constant 5488 : index
    %swap3A_1030 = vector.load %arg3[%swap3A_1028, %swap3A_1029] : memref<64x12800xf32, #tpu.memory_space<vmem>>, vector<64x16xf32>
    tpu.vector_store %arg3[%swap3A_1028, %swap3A_1029], %broadcast_in_dim3A_1027 {strides = array<i32>} : memref<64x12800xf32, #tpu.memory_space<vmem>>, vector<64x16xf32>,
    %get3A_1031 = arith.constant 0 : index
    %get3A_1032 = arith.constant 4128 : index
    %get3A_1033 = vector.load %arg1[%get3A_1031, %get3A_1032] : memref<64x9600xf32, #tpu.memory_space<vmem>>, vector<64x48xf32>
    %swap3A_1034 = arith.constant 0 : index
    %swap3A_1035 = arith.constant 5504 : index
    %swap3A_1036 = vector.load %arg3[%swap3A_1034, %swap3A_1035] : memref<64x12800xf32, #tpu.memory_space<vmem>>, vector<64x48xf32>
    tpu.vector_store %arg3[%swap3A_1034, %swap3A_1035], %get3A_1033 {strides = array<i32>} : memref<64x12800xf32, #tpu.memory_space<vmem>>, vector<64x48xf32>,
    %slice3A_1037 = vector.extract_strided_slice %get3A_1 {offsets = [43, 0], sizes = [1, 16], strides = [1, 1]} : vector<100x32xf32> to vector<1x16xf32>
    %broadcast_in_dim3A_1038 = vector.shape_cast %slice3A_1037 : vector<1x16xf32> to vector<1x16xf32>
    %broadcast_in_dim3A_1039 = vector.broadcast %broadcast_in_dim3A_1038 : vector<1x16xf32> to vector<64x16xf32>
    %swap3A_1040 = arith.constant 0 : index
    %swap3A_1041 = arith.constant 5552 : index
    %swap3A_1042 = vector.load %arg3[%swap3A_1040, %swap3A_1041] : memref<64x12800xf32, #tpu.memory_space<vmem>>, vector<64x16xf32>
    tpu.vector_store %arg3[%swap3A_1040, %swap3A_1041], %broadcast_in_dim3A_1039 {strides = array<i32>} : memref<64x12800xf32, #tpu.memory_space<vmem>>, vector<64x16xf32>,
    %get3A_1043 = arith.constant 0 : index
    %get3A_1044 = arith.constant 4176 : index
    %get3A_1045 = vector.load %arg1[%get3A_1043, %get3A_1044] : memref<64x9600xf32, #tpu.memory_space<vmem>>, vector<64x48xf32>
    %swap3A_1046 = arith.constant 0 : index
    %swap3A_1047 = arith.constant 5568 : index
    %swap3A_1048 = vector.load %arg3[%swap3A_1046, %swap3A_1047] : memref<64x12800xf32, #tpu.memory_space<vmem>>, vector<64x48xf32>
    tpu.vector_store %arg3[%swap3A_1046, %swap3A_1047], %get3A_1045 {strides = array<i32>} : memref<64x12800xf32, #tpu.memory_space<vmem>>, vector<64x48xf32>,
    %slice3A_1049 = vector.extract_strided_slice %get3A_1 {offsets = [43, 16], sizes = [1, 16], strides = [1, 1]} : vector<100x32xf32> to vector<1x16xf32>
    %broadcast_in_dim3A_1050 = vector.shape_cast %slice3A_1049 : vector<1x16xf32> to vector<1x16xf32>
    %broadcast_in_dim3A_1051 = vector.broadcast %broadcast_in_dim3A_1050 : vector<1x16xf32> to vector<64x16xf32>
    %swap3A_1052 = arith.constant 0 : index
    %swap3A_1053 = arith.constant 5616 : index
    %swap3A_1054 = vector.load %arg3[%swap3A_1052, %swap3A_1053] : memref<64x12800xf32, #tpu.memory_space<vmem>>, vector<64x16xf32>
    tpu.vector_store %arg3[%swap3A_1052, %swap3A_1053], %broadcast_in_dim3A_1051 {strides = array<i32>} : memref<64x12800xf32, #tpu.memory_space<vmem>>, vector<64x16xf32>,
    %get3A_1055 = arith.constant 0 : index
    %get3A_1056 = arith.constant 4224 : index
    %get3A_1057 = vector.load %arg1[%get3A_1055, %get3A_1056] : memref<64x9600xf32, #tpu.memory_space<vmem>>, vector<64x48xf32>
    %swap3A_1058 = arith.constant 0 : index
    %swap3A_1059 = arith.constant 5632 : index
    %swap3A_1060 = vector.load %arg3[%swap3A_1058, %swap3A_1059] : memref<64x12800xf32, #tpu.memory_space<vmem>>, vector<64x48xf32>
    tpu.vector_store %arg3[%swap3A_1058, %swap3A_1059], %get3A_1057 {strides = array<i32>} : memref<64x12800xf32, #tpu.memory_space<vmem>>, vector<64x48xf32>,
    %slice3A_1061 = vector.extract_strided_slice %get3A_1 {offsets = [44, 0], sizes = [1, 16], strides = [1, 1]} : vector<100x32xf32> to vector<1x16xf32>
    %broadcast_in_dim3A_1062 = vector.shape_cast %slice3A_1061 : vector<1x16xf32> to vector<1x16xf32>
    %broadcast_in_dim3A_1063 = vector.broadcast %broadcast_in_dim3A_1062 : vector<1x16xf32> to vector<64x16xf32>
    %swap3A_1064 = arith.constant 0 : index
    %swap3A_1065 = arith.constant 5680 : index
    %swap3A_1066 = vector.load %arg3[%swap3A_1064, %swap3A_1065] : memref<64x12800xf32, #tpu.memory_space<vmem>>, vector<64x16xf32>
    tpu.vector_store %arg3[%swap3A_1064, %swap3A_1065], %broadcast_in_dim3A_1063 {strides = array<i32>} : memref<64x12800xf32, #tpu.memory_space<vmem>>, vector<64x16xf32>,
    %get3A_1067 = arith.constant 0 : index
    %get3A_1068 = arith.constant 4272 : index
    %get3A_1069 = vector.load %arg1[%get3A_1067, %get3A_1068] : memref<64x9600xf32, #tpu.memory_space<vmem>>, vector<64x48xf32>
    %swap3A_1070 = arith.constant 0 : index
    %swap3A_1071 = arith.constant 5696 : index
    %swap3A_1072 = vector.load %arg3[%swap3A_1070, %swap3A_1071] : memref<64x12800xf32, #tpu.memory_space<vmem>>, vector<64x48xf32>
    tpu.vector_store %arg3[%swap3A_1070, %swap3A_1071], %get3A_1069 {strides = array<i32>} : memref<64x12800xf32, #tpu.memory_space<vmem>>, vector<64x48xf32>,
    %slice3A_1073 = vector.extract_strided_slice %get3A_1 {offsets = [44, 16], sizes = [1, 16], strides = [1, 1]} : vector<100x32xf32> to vector<1x16xf32>
    %broadcast_in_dim3A_1074 = vector.shape_cast %slice3A_1073 : vector<1x16xf32> to vector<1x16xf32>
    %broadcast_in_dim3A_1075 = vector.broadcast %broadcast_in_dim3A_1074 : vector<1x16xf32> to vector<64x16xf32>
    %swap3A_1076 = arith.constant 0 : index
    %swap3A_1077 = arith.constant 5744 : index
    %swap3A_1078 = vector.load %arg3[%swap3A_1076, %swap3A_1077] : memref<64x12800xf32, #tpu.memory_space<vmem>>, vector<64x16xf32>
    tpu.vector_store %arg3[%swap3A_1076, %swap3A_1077], %broadcast_in_dim3A_1075 {strides = array<i32>} : memref<64x12800xf32, #tpu.memory_space<vmem>>, vector<64x16xf32>,
    %get3A_1079 = arith.constant 0 : index
    %get3A_1080 = arith.constant 4320 : index
    %get3A_1081 = vector.load %arg1[%get3A_1079, %get3A_1080] : memref<64x9600xf32, #tpu.memory_space<vmem>>, vector<64x48xf32>
    %swap3A_1082 = arith.constant 0 : index
    %swap3A_1083 = arith.constant 5760 : index
    %swap3A_1084 = vector.load %arg3[%swap3A_1082, %swap3A_1083] : memref<64x12800xf32, #tpu.memory_space<vmem>>, vector<64x48xf32>
    tpu.vector_store %arg3[%swap3A_1082, %swap3A_1083], %get3A_1081 {strides = array<i32>} : memref<64x12800xf32, #tpu.memory_space<vmem>>, vector<64x48xf32>,
    %slice3A_1085 = vector.extract_strided_slice %get3A_1 {offsets = [45, 0], sizes = [1, 16], strides = [1, 1]} : vector<100x32xf32> to vector<1x16xf32>
    %broadcast_in_dim3A_1086 = vector.shape_cast %slice3A_1085 : vector<1x16xf32> to vector<1x16xf32>
    %broadcast_in_dim3A_1087 = vector.broadcast %broadcast_in_dim3A_1086 : vector<1x16xf32> to vector<64x16xf32>
    %swap3A_1088 = arith.constant 0 : index
    %swap3A_1089 = arith.constant 5808 : index
    %swap3A_1090 = vector.load %arg3[%swap3A_1088, %swap3A_1089] : memref<64x12800xf32, #tpu.memory_space<vmem>>, vector<64x16xf32>
    tpu.vector_store %arg3[%swap3A_1088, %swap3A_1089], %broadcast_in_dim3A_1087 {strides = array<i32>} : memref<64x12800xf32, #tpu.memory_space<vmem>>, vector<64x16xf32>,
    %get3A_1091 = arith.constant 0 : index
    %get3A_1092 = arith.constant 4368 : index
    %get3A_1093 = vector.load %arg1[%get3A_1091, %get3A_1092] : memref<64x9600xf32, #tpu.memory_space<vmem>>, vector<64x48xf32>
    %swap3A_1094 = arith.constant 0 : index
    %swap3A_1095 = arith.constant 5824 : index
    %swap3A_1096 = vector.load %arg3[%swap3A_1094, %swap3A_1095] : memref<64x12800xf32, #tpu.memory_space<vmem>>, vector<64x48xf32>
    tpu.vector_store %arg3[%swap3A_1094, %swap3A_1095], %get3A_1093 {strides = array<i32>} : memref<64x12800xf32, #tpu.memory_space<vmem>>, vector<64x48xf32>,
    %slice3A_1097 = vector.extract_strided_slice %get3A_1 {offsets = [45, 16], sizes = [1, 16], strides = [1, 1]} : vector<100x32xf32> to vector<1x16xf32>
    %broadcast_in_dim3A_1098 = vector.shape_cast %slice3A_1097 : vector<1x16xf32> to vector<1x16xf32>
    %broadcast_in_dim3A_1099 = vector.broadcast %broadcast_in_dim3A_1098 : vector<1x16xf32> to vector<64x16xf32>
    %swap3A_1100 = arith.constant 0 : index
    %swap3A_1101 = arith.constant 5872 : index
    %swap3A_1102 = vector.load %arg3[%swap3A_1100, %swap3A_1101] : memref<64x12800xf32, #tpu.memory_space<vmem>>, vector<64x16xf32>
    tpu.vector_store %arg3[%swap3A_1100, %swap3A_1101], %broadcast_in_dim3A_1099 {strides = array<i32>} : memref<64x12800xf32, #tpu.memory_space<vmem>>, vector<64x16xf32>,
    %get3A_1103 = arith.constant 0 : index
    %get3A_1104 = arith.constant 4416 : index
    %get3A_1105 = vector.load %arg1[%get3A_1103, %get3A_1104] : memref<64x9600xf32, #tpu.memory_space<vmem>>, vector<64x48xf32>
    %swap3A_1106 = arith.constant 0 : index
    %swap3A_1107 = arith.constant 5888 : index
    %swap3A_1108 = vector.load %arg3[%swap3A_1106, %swap3A_1107] : memref<64x12800xf32, #tpu.memory_space<vmem>>, vector<64x48xf32>
    tpu.vector_store %arg3[%swap3A_1106, %swap3A_1107], %get3A_1105 {strides = array<i32>} : memref<64x12800xf32, #tpu.memory_space<vmem>>, vector<64x48xf32>,
    %slice3A_1109 = vector.extract_strided_slice %get3A_1 {offsets = [46, 0], sizes = [1, 16], strides = [1, 1]} : vector<100x32xf32> to vector<1x16xf32>
    %broadcast_in_dim3A_1110 = vector.shape_cast %slice3A_1109 : vector<1x16xf32> to vector<1x16xf32>
    %broadcast_in_dim3A_1111 = vector.broadcast %broadcast_in_dim3A_1110 : vector<1x16xf32> to vector<64x16xf32>
    %swap3A_1112 = arith.constant 0 : index
    %swap3A_1113 = arith.constant 5936 : index
    %swap3A_1114 = vector.load %arg3[%swap3A_1112, %swap3A_1113] : memref<64x12800xf32, #tpu.memory_space<vmem>>, vector<64x16xf32>
    tpu.vector_store %arg3[%swap3A_1112, %swap3A_1113], %broadcast_in_dim3A_1111 {strides = array<i32>} : memref<64x12800xf32, #tpu.memory_space<vmem>>, vector<64x16xf32>,
    %get3A_1115 = arith.constant 0 : index
    %get3A_1116 = arith.constant 4464 : index
    %get3A_1117 = vector.load %arg1[%get3A_1115, %get3A_1116] : memref<64x9600xf32, #tpu.memory_space<vmem>>, vector<64x48xf32>
    %swap3A_1118 = arith.constant 0 : index
    %swap3A_1119 = arith.constant 5952 : index
    %swap3A_1120 = vector.load %arg3[%swap3A_1118, %swap3A_1119] : memref<64x12800xf32, #tpu.memory_space<vmem>>, vector<64x48xf32>
    tpu.vector_store %arg3[%swap3A_1118, %swap3A_1119], %get3A_1117 {strides = array<i32>} : memref<64x12800xf32, #tpu.memory_space<vmem>>, vector<64x48xf32>,
    %slice3A_1121 = vector.extract_strided_slice %get3A_1 {offsets = [46, 16], sizes = [1, 16], strides = [1, 1]} : vector<100x32xf32> to vector<1x16xf32>
    %broadcast_in_dim3A_1122 = vector.shape_cast %slice3A_1121 : vector<1x16xf32> to vector<1x16xf32>
    %broadcast_in_dim3A_1123 = vector.broadcast %broadcast_in_dim3A_1122 : vector<1x16xf32> to vector<64x16xf32>
    %swap3A_1124 = arith.constant 0 : index
    %swap3A_1125 = arith.constant 6000 : index
    %swap3A_1126 = vector.load %arg3[%swap3A_1124, %swap3A_1125] : memref<64x12800xf32, #tpu.memory_space<vmem>>, vector<64x16xf32>
    tpu.vector_store %arg3[%swap3A_1124, %swap3A_1125], %broadcast_in_dim3A_1123 {strides = array<i32>} : memref<64x12800xf32, #tpu.memory_space<vmem>>, vector<64x16xf32>,
    %get3A_1127 = arith.constant 0 : index
    %get3A_1128 = arith.constant 4512 : index
    %get3A_1129 = vector.load %arg1[%get3A_1127, %get3A_1128] : memref<64x9600xf32, #tpu.memory_space<vmem>>, vector<64x48xf32>
    %swap3A_1130 = arith.constant 0 : index
    %swap3A_1131 = arith.constant 6016 : index
    %swap3A_1132 = vector.load %arg3[%swap3A_1130, %swap3A_1131] : memref<64x12800xf32, #tpu.memory_space<vmem>>, vector<64x48xf32>
    tpu.vector_store %arg3[%swap3A_1130, %swap3A_1131], %get3A_1129 {strides = array<i32>} : memref<64x12800xf32, #tpu.memory_space<vmem>>, vector<64x48xf32>,
    %slice3A_1133 = vector.extract_strided_slice %get3A_1 {offsets = [47, 0], sizes = [1, 16], strides = [1, 1]} : vector<100x32xf32> to vector<1x16xf32>
    %broadcast_in_dim3A_1134 = vector.shape_cast %slice3A_1133 : vector<1x16xf32> to vector<1x16xf32>
    %broadcast_in_dim3A_1135 = vector.broadcast %broadcast_in_dim3A_1134 : vector<1x16xf32> to vector<64x16xf32>
    %swap3A_1136 = arith.constant 0 : index
    %swap3A_1137 = arith.constant 6064 : index
    %swap3A_1138 = vector.load %arg3[%swap3A_1136, %swap3A_1137] : memref<64x12800xf32, #tpu.memory_space<vmem>>, vector<64x16xf32>
    tpu.vector_store %arg3[%swap3A_1136, %swap3A_1137], %broadcast_in_dim3A_1135 {strides = array<i32>} : memref<64x12800xf32, #tpu.memory_space<vmem>>, vector<64x16xf32>,
    %get3A_1139 = arith.constant 0 : index
    %get3A_1140 = arith.constant 4560 : index
    %get3A_1141 = vector.load %arg1[%get3A_1139, %get3A_1140] : memref<64x9600xf32, #tpu.memory_space<vmem>>, vector<64x48xf32>
    %swap3A_1142 = arith.constant 0 : index
    %swap3A_1143 = arith.constant 6080 : index
    %swap3A_1144 = vector.load %arg3[%swap3A_1142, %swap3A_1143] : memref<64x12800xf32, #tpu.memory_space<vmem>>, vector<64x48xf32>
    tpu.vector_store %arg3[%swap3A_1142, %swap3A_1143], %get3A_1141 {strides = array<i32>} : memref<64x12800xf32, #tpu.memory_space<vmem>>, vector<64x48xf32>,
    %slice3A_1145 = vector.extract_strided_slice %get3A_1 {offsets = [47, 16], sizes = [1, 16], strides = [1, 1]} : vector<100x32xf32> to vector<1x16xf32>
    %broadcast_in_dim3A_1146 = vector.shape_cast %slice3A_1145 : vector<1x16xf32> to vector<1x16xf32>
    %broadcast_in_dim3A_1147 = vector.broadcast %broadcast_in_dim3A_1146 : vector<1x16xf32> to vector<64x16xf32>
    %swap3A_1148 = arith.constant 0 : index
    %swap3A_1149 = arith.constant 6128 : index
    %swap3A_1150 = vector.load %arg3[%swap3A_1148, %swap3A_1149] : memref<64x12800xf32, #tpu.memory_space<vmem>>, vector<64x16xf32>
    tpu.vector_store %arg3[%swap3A_1148, %swap3A_1149], %broadcast_in_dim3A_1147 {strides = array<i32>} : memref<64x12800xf32, #tpu.memory_space<vmem>>, vector<64x16xf32>,
    %get3A_1151 = arith.constant 0 : index
    %get3A_1152 = arith.constant 4608 : index
    %get3A_1153 = vector.load %arg1[%get3A_1151, %get3A_1152] : memref<64x9600xf32, #tpu.memory_space<vmem>>, vector<64x48xf32>
    %swap3A_1154 = arith.constant 0 : index
    %swap3A_1155 = arith.constant 6144 : index
    %swap3A_1156 = vector.load %arg3[%swap3A_1154, %swap3A_1155] : memref<64x12800xf32, #tpu.memory_space<vmem>>, vector<64x48xf32>
    tpu.vector_store %arg3[%swap3A_1154, %swap3A_1155], %get3A_1153 {strides = array<i32>} : memref<64x12800xf32, #tpu.memory_space<vmem>>, vector<64x48xf32>,
    %slice3A_1157 = vector.extract_strided_slice %get3A_1 {offsets = [48, 0], sizes = [1, 16], strides = [1, 1]} : vector<100x32xf32> to vector<1x16xf32>
    %broadcast_in_dim3A_1158 = vector.shape_cast %slice3A_1157 : vector<1x16xf32> to vector<1x16xf32>
    %broadcast_in_dim3A_1159 = vector.broadcast %broadcast_in_dim3A_1158 : vector<1x16xf32> to vector<64x16xf32>
    %swap3A_1160 = arith.constant 0 : index
    %swap3A_1161 = arith.constant 6192 : index
    %swap3A_1162 = vector.load %arg3[%swap3A_1160, %swap3A_1161] : memref<64x12800xf32, #tpu.memory_space<vmem>>, vector<64x16xf32>
    tpu.vector_store %arg3[%swap3A_1160, %swap3A_1161], %broadcast_in_dim3A_1159 {strides = array<i32>} : memref<64x12800xf32, #tpu.memory_space<vmem>>, vector<64x16xf32>,
    %get3A_1163 = arith.constant 0 : index
    %get3A_1164 = arith.constant 4656 : index
    %get3A_1165 = vector.load %arg1[%get3A_1163, %get3A_1164] : memref<64x9600xf32, #tpu.memory_space<vmem>>, vector<64x48xf32>
    %swap3A_1166 = arith.constant 0 : index
    %swap3A_1167 = arith.constant 6208 : index
    %swap3A_1168 = vector.load %arg3[%swap3A_1166, %swap3A_1167] : memref<64x12800xf32, #tpu.memory_space<vmem>>, vector<64x48xf32>
    tpu.vector_store %arg3[%swap3A_1166, %swap3A_1167], %get3A_1165 {strides = array<i32>} : memref<64x12800xf32, #tpu.memory_space<vmem>>, vector<64x48xf32>,
    %slice3A_1169 = vector.extract_strided_slice %get3A_1 {offsets = [48, 16], sizes = [1, 16], strides = [1, 1]} : vector<100x32xf32> to vector<1x16xf32>
    %broadcast_in_dim3A_1170 = vector.shape_cast %slice3A_1169 : vector<1x16xf32> to vector<1x16xf32>
    %broadcast_in_dim3A_1171 = vector.broadcast %broadcast_in_dim3A_1170 : vector<1x16xf32> to vector<64x16xf32>
    %swap3A_1172 = arith.constant 0 : index
    %swap3A_1173 = arith.constant 6256 : index
    %swap3A_1174 = vector.load %arg3[%swap3A_1172, %swap3A_1173] : memref<64x12800xf32, #tpu.memory_space<vmem>>, vector<64x16xf32>
    tpu.vector_store %arg3[%swap3A_1172, %swap3A_1173], %broadcast_in_dim3A_1171 {strides = array<i32>} : memref<64x12800xf32, #tpu.memory_space<vmem>>, vector<64x16xf32>,
    %get3A_1175 = arith.constant 0 : index
    %get3A_1176 = arith.constant 4704 : index
    %get3A_1177 = vector.load %arg1[%get3A_1175, %get3A_1176] : memref<64x9600xf32, #tpu.memory_space<vmem>>, vector<64x48xf32>
    %swap3A_1178 = arith.constant 0 : index
    %swap3A_1179 = arith.constant 6272 : index
    %swap3A_1180 = vector.load %arg3[%swap3A_1178, %swap3A_1179] : memref<64x12800xf32, #tpu.memory_space<vmem>>, vector<64x48xf32>
    tpu.vector_store %arg3[%swap3A_1178, %swap3A_1179], %get3A_1177 {strides = array<i32>} : memref<64x12800xf32, #tpu.memory_space<vmem>>, vector<64x48xf32>,
    %slice3A_1181 = vector.extract_strided_slice %get3A_1 {offsets = [49, 0], sizes = [1, 16], strides = [1, 1]} : vector<100x32xf32> to vector<1x16xf32>
    %broadcast_in_dim3A_1182 = vector.shape_cast %slice3A_1181 : vector<1x16xf32> to vector<1x16xf32>
    %broadcast_in_dim3A_1183 = vector.broadcast %broadcast_in_dim3A_1182 : vector<1x16xf32> to vector<64x16xf32>
    %swap3A_1184 = arith.constant 0 : index
    %swap3A_1185 = arith.constant 6320 : index
    %swap3A_1186 = vector.load %arg3[%swap3A_1184, %swap3A_1185] : memref<64x12800xf32, #tpu.memory_space<vmem>>, vector<64x16xf32>
    tpu.vector_store %arg3[%swap3A_1184, %swap3A_1185], %broadcast_in_dim3A_1183 {strides = array<i32>} : memref<64x12800xf32, #tpu.memory_space<vmem>>, vector<64x16xf32>,
    %get3A_1187 = arith.constant 0 : index
    %get3A_1188 = arith.constant 4752 : index
    %get3A_1189 = vector.load %arg1[%get3A_1187, %get3A_1188] : memref<64x9600xf32, #tpu.memory_space<vmem>>, vector<64x48xf32>
    %swap3A_1190 = arith.constant 0 : index
    %swap3A_1191 = arith.constant 6336 : index
    %swap3A_1192 = vector.load %arg3[%swap3A_1190, %swap3A_1191] : memref<64x12800xf32, #tpu.memory_space<vmem>>, vector<64x48xf32>
    tpu.vector_store %arg3[%swap3A_1190, %swap3A_1191], %get3A_1189 {strides = array<i32>} : memref<64x12800xf32, #tpu.memory_space<vmem>>, vector<64x48xf32>,
    %slice3A_1193 = vector.extract_strided_slice %get3A_1 {offsets = [49, 16], sizes = [1, 16], strides = [1, 1]} : vector<100x32xf32> to vector<1x16xf32>
    %broadcast_in_dim3A_1194 = vector.shape_cast %slice3A_1193 : vector<1x16xf32> to vector<1x16xf32>
    %broadcast_in_dim3A_1195 = vector.broadcast %broadcast_in_dim3A_1194 : vector<1x16xf32> to vector<64x16xf32>
    %swap3A_1196 = arith.constant 0 : index
    %swap3A_1197 = arith.constant 6384 : index
    %swap3A_1198 = vector.load %arg3[%swap3A_1196, %swap3A_1197] : memref<64x12800xf32, #tpu.memory_space<vmem>>, vector<64x16xf32>
    tpu.vector_store %arg3[%swap3A_1196, %swap3A_1197], %broadcast_in_dim3A_1195 {strides = array<i32>} : memref<64x12800xf32, #tpu.memory_space<vmem>>, vector<64x16xf32>,
    %get3A_1199 = arith.constant 0 : index
    %get3A_1200 = arith.constant 4800 : index
    %get3A_1201 = vector.load %arg1[%get3A_1199, %get3A_1200] : memref<64x9600xf32, #tpu.memory_space<vmem>>, vector<64x48xf32>
    %swap3A_1202 = arith.constant 0 : index
    %swap3A_1203 = arith.constant 6400 : index
    %swap3A_1204 = vector.load %arg3[%swap3A_1202, %swap3A_1203] : memref<64x12800xf32, #tpu.memory_space<vmem>>, vector<64x48xf32>
    tpu.vector_store %arg3[%swap3A_1202, %swap3A_1203], %get3A_1201 {strides = array<i32>} : memref<64x12800xf32, #tpu.memory_space<vmem>>, vector<64x48xf32>,
    %slice3A_1205 = vector.extract_strided_slice %get3A_1 {offsets = [50, 0], sizes = [1, 16], strides = [1, 1]} : vector<100x32xf32> to vector<1x16xf32>
    %broadcast_in_dim3A_1206 = vector.shape_cast %slice3A_1205 : vector<1x16xf32> to vector<1x16xf32>
    %broadcast_in_dim3A_1207 = vector.broadcast %broadcast_in_dim3A_1206 : vector<1x16xf32> to vector<64x16xf32>
    %swap3A_1208 = arith.constant 0 : index
    %swap3A_1209 = arith.constant 6448 : index
    %swap3A_1210 = vector.load %arg3[%swap3A_1208, %swap3A_1209] : memref<64x12800xf32, #tpu.memory_space<vmem>>, vector<64x16xf32>
    tpu.vector_store %arg3[%swap3A_1208, %swap3A_1209], %broadcast_in_dim3A_1207 {strides = array<i32>} : memref<64x12800xf32, #tpu.memory_space<vmem>>, vector<64x16xf32>,
    %get3A_1211 = arith.constant 0 : index
    %get3A_1212 = arith.constant 4848 : index
    %get3A_1213 = vector.load %arg1[%get3A_1211, %get3A_1212] : memref<64x9600xf32, #tpu.memory_space<vmem>>, vector<64x48xf32>
    %swap3A_1214 = arith.constant 0 : index
    %swap3A_1215 = arith.constant 6464 : index
    %swap3A_1216 = vector.load %arg3[%swap3A_1214, %swap3A_1215] : memref<64x12800xf32, #tpu.memory_space<vmem>>, vector<64x48xf32>
    tpu.vector_store %arg3[%swap3A_1214, %swap3A_1215], %get3A_1213 {strides = array<i32>} : memref<64x12800xf32, #tpu.memory_space<vmem>>, vector<64x48xf32>,
    %slice3A_1217 = vector.extract_strided_slice %get3A_1 {offsets = [50, 16], sizes = [1, 16], strides = [1, 1]} : vector<100x32xf32> to vector<1x16xf32>
    %broadcast_in_dim3A_1218 = vector.shape_cast %slice3A_1217 : vector<1x16xf32> to vector<1x16xf32>
    %broadcast_in_dim3A_1219 = vector.broadcast %broadcast_in_dim3A_1218 : vector<1x16xf32> to vector<64x16xf32>
    %swap3A_1220 = arith.constant 0 : index
    %swap3A_1221 = arith.constant 6512 : index
    %swap3A_1222 = vector.load %arg3[%swap3A_1220, %swap3A_1221] : memref<64x12800xf32, #tpu.memory_space<vmem>>, vector<64x16xf32>
    tpu.vector_store %arg3[%swap3A_1220, %swap3A_1221], %broadcast_in_dim3A_1219 {strides = array<i32>} : memref<64x12800xf32, #tpu.memory_space<vmem>>, vector<64x16xf32>,
    %get3A_1223 = arith.constant 0 : index
    %get3A_1224 = arith.constant 4896 : index
    %get3A_1225 = vector.load %arg1[%get3A_1223, %get3A_1224] : memref<64x9600xf32, #tpu.memory_space<vmem>>, vector<64x48xf32>
    %swap3A_1226 = arith.constant 0 : index
    %swap3A_1227 = arith.constant 6528 : index
    %swap3A_1228 = vector.load %arg3[%swap3A_1226, %swap3A_1227] : memref<64x12800xf32, #tpu.memory_space<vmem>>, vector<64x48xf32>
    tpu.vector_store %arg3[%swap3A_1226, %swap3A_1227], %get3A_1225 {strides = array<i32>} : memref<64x12800xf32, #tpu.memory_space<vmem>>, vector<64x48xf32>,
    %slice3A_1229 = vector.extract_strided_slice %get3A_1 {offsets = [51, 0], sizes = [1, 16], strides = [1, 1]} : vector<100x32xf32> to vector<1x16xf32>
    %broadcast_in_dim3A_1230 = vector.shape_cast %slice3A_1229 : vector<1x16xf32> to vector<1x16xf32>
    %broadcast_in_dim3A_1231 = vector.broadcast %broadcast_in_dim3A_1230 : vector<1x16xf32> to vector<64x16xf32>
    %swap3A_1232 = arith.constant 0 : index
    %swap3A_1233 = arith.constant 6576 : index
    %swap3A_1234 = vector.load %arg3[%swap3A_1232, %swap3A_1233] : memref<64x12800xf32, #tpu.memory_space<vmem>>, vector<64x16xf32>
    tpu.vector_store %arg3[%swap3A_1232, %swap3A_1233], %broadcast_in_dim3A_1231 {strides = array<i32>} : memref<64x12800xf32, #tpu.memory_space<vmem>>, vector<64x16xf32>,
    %get3A_1235 = arith.constant 0 : index
    %get3A_1236 = arith.constant 4944 : index
    %get3A_1237 = vector.load %arg1[%get3A_1235, %get3A_1236] : memref<64x9600xf32, #tpu.memory_space<vmem>>, vector<64x48xf32>
    %swap3A_1238 = arith.constant 0 : index
    %swap3A_1239 = arith.constant 6592 : index
    %swap3A_1240 = vector.load %arg3[%swap3A_1238, %swap3A_1239] : memref<64x12800xf32, #tpu.memory_space<vmem>>, vector<64x48xf32>
    tpu.vector_store %arg3[%swap3A_1238, %swap3A_1239], %get3A_1237 {strides = array<i32>} : memref<64x12800xf32, #tpu.memory_space<vmem>>, vector<64x48xf32>,
    %slice3A_1241 = vector.extract_strided_slice %get3A_1 {offsets = [51, 16], sizes = [1, 16], strides = [1, 1]} : vector<100x32xf32> to vector<1x16xf32>
    %broadcast_in_dim3A_1242 = vector.shape_cast %slice3A_1241 : vector<1x16xf32> to vector<1x16xf32>
    %broadcast_in_dim3A_1243 = vector.broadcast %broadcast_in_dim3A_1242 : vector<1x16xf32> to vector<64x16xf32>
    %swap3A_1244 = arith.constant 0 : index
    %swap3A_1245 = arith.constant 6640 : index
    %swap3A_1246 = vector.load %arg3[%swap3A_1244, %swap3A_1245] : memref<64x12800xf32, #tpu.memory_space<vmem>>, vector<64x16xf32>
    tpu.vector_store %arg3[%swap3A_1244, %swap3A_1245], %broadcast_in_dim3A_1243 {strides = array<i32>} : memref<64x12800xf32, #tpu.memory_space<vmem>>, vector<64x16xf32>,
    %get3A_1247 = arith.constant 0 : index
    %get3A_1248 = arith.constant 4992 : index
    %get3A_1249 = vector.load %arg1[%get3A_1247, %get3A_1248] : memref<64x9600xf32, #tpu.memory_space<vmem>>, vector<64x48xf32>
    %swap3A_1250 = arith.constant 0 : index
    %swap3A_1251 = arith.constant 6656 : index
    %swap3A_1252 = vector.load %arg3[%swap3A_1250, %swap3A_1251] : memref<64x12800xf32, #tpu.memory_space<vmem>>, vector<64x48xf32>
    tpu.vector_store %arg3[%swap3A_1250, %swap3A_1251], %get3A_1249 {strides = array<i32>} : memref<64x12800xf32, #tpu.memory_space<vmem>>, vector<64x48xf32>,
    %slice3A_1253 = vector.extract_strided_slice %get3A_1 {offsets = [52, 0], sizes = [1, 16], strides = [1, 1]} : vector<100x32xf32> to vector<1x16xf32>
    %broadcast_in_dim3A_1254 = vector.shape_cast %slice3A_1253 : vector<1x16xf32> to vector<1x16xf32>
    %broadcast_in_dim3A_1255 = vector.broadcast %broadcast_in_dim3A_1254 : vector<1x16xf32> to vector<64x16xf32>
    %swap3A_1256 = arith.constant 0 : index
    %swap3A_1257 = arith.constant 6704 : index
    %swap3A_1258 = vector.load %arg3[%swap3A_1256, %swap3A_1257] : memref<64x12800xf32, #tpu.memory_space<vmem>>, vector<64x16xf32>
    tpu.vector_store %arg3[%swap3A_1256, %swap3A_1257], %broadcast_in_dim3A_1255 {strides = array<i32>} : memref<64x12800xf32, #tpu.memory_space<vmem>>, vector<64x16xf32>,
    %get3A_1259 = arith.constant 0 : index
    %get3A_1260 = arith.constant 5040 : index
    %get3A_1261 = vector.load %arg1[%get3A_1259, %get3A_1260] : memref<64x9600xf32, #tpu.memory_space<vmem>>, vector<64x48xf32>
    %swap3A_1262 = arith.constant 0 : index
    %swap3A_1263 = arith.constant 6720 : index
    %swap3A_1264 = vector.load %arg3[%swap3A_1262, %swap3A_1263] : memref<64x12800xf32, #tpu.memory_space<vmem>>, vector<64x48xf32>
    tpu.vector_store %arg3[%swap3A_1262, %swap3A_1263], %get3A_1261 {strides = array<i32>} : memref<64x12800xf32, #tpu.memory_space<vmem>>, vector<64x48xf32>,
    %slice3A_1265 = vector.extract_strided_slice %get3A_1 {offsets = [52, 16], sizes = [1, 16], strides = [1, 1]} : vector<100x32xf32> to vector<1x16xf32>
    %broadcast_in_dim3A_1266 = vector.shape_cast %slice3A_1265 : vector<1x16xf32> to vector<1x16xf32>
    %broadcast_in_dim3A_1267 = vector.broadcast %broadcast_in_dim3A_1266 : vector<1x16xf32> to vector<64x16xf32>
    %swap3A_1268 = arith.constant 0 : index
    %swap3A_1269 = arith.constant 6768 : index
    %swap3A_1270 = vector.load %arg3[%swap3A_1268, %swap3A_1269] : memref<64x12800xf32, #tpu.memory_space<vmem>>, vector<64x16xf32>
    tpu.vector_store %arg3[%swap3A_1268, %swap3A_1269], %broadcast_in_dim3A_1267 {strides = array<i32>} : memref<64x12800xf32, #tpu.memory_space<vmem>>, vector<64x16xf32>,
    %get3A_1271 = arith.constant 0 : index
    %get3A_1272 = arith.constant 5088 : index
    %get3A_1273 = vector.load %arg1[%get3A_1271, %get3A_1272] : memref<64x9600xf32, #tpu.memory_space<vmem>>, vector<64x48xf32>
    %swap3A_1274 = arith.constant 0 : index
    %swap3A_1275 = arith.constant 6784 : index
    %swap3A_1276 = vector.load %arg3[%swap3A_1274, %swap3A_1275] : memref<64x12800xf32, #tpu.memory_space<vmem>>, vector<64x48xf32>
    tpu.vector_store %arg3[%swap3A_1274, %swap3A_1275], %get3A_1273 {strides = array<i32>} : memref<64x12800xf32, #tpu.memory_space<vmem>>, vector<64x48xf32>,
    %slice3A_1277 = vector.extract_strided_slice %get3A_1 {offsets = [53, 0], sizes = [1, 16], strides = [1, 1]} : vector<100x32xf32> to vector<1x16xf32>
    %broadcast_in_dim3A_1278 = vector.shape_cast %slice3A_1277 : vector<1x16xf32> to vector<1x16xf32>
    %broadcast_in_dim3A_1279 = vector.broadcast %broadcast_in_dim3A_1278 : vector<1x16xf32> to vector<64x16xf32>
    %swap3A_1280 = arith.constant 0 : index
    %swap3A_1281 = arith.constant 6832 : index
    %swap3A_1282 = vector.load %arg3[%swap3A_1280, %swap3A_1281] : memref<64x12800xf32, #tpu.memory_space<vmem>>, vector<64x16xf32>
    tpu.vector_store %arg3[%swap3A_1280, %swap3A_1281], %broadcast_in_dim3A_1279 {strides = array<i32>} : memref<64x12800xf32, #tpu.memory_space<vmem>>, vector<64x16xf32>,
    %get3A_1283 = arith.constant 0 : index
    %get3A_1284 = arith.constant 5136 : index
    %get3A_1285 = vector.load %arg1[%get3A_1283, %get3A_1284] : memref<64x9600xf32, #tpu.memory_space<vmem>>, vector<64x48xf32>
    %swap3A_1286 = arith.constant 0 : index
    %swap3A_1287 = arith.constant 6848 : index
    %swap3A_1288 = vector.load %arg3[%swap3A_1286, %swap3A_1287] : memref<64x12800xf32, #tpu.memory_space<vmem>>, vector<64x48xf32>
    tpu.vector_store %arg3[%swap3A_1286, %swap3A_1287], %get3A_1285 {strides = array<i32>} : memref<64x12800xf32, #tpu.memory_space<vmem>>, vector<64x48xf32>,
    %slice3A_1289 = vector.extract_strided_slice %get3A_1 {offsets = [53, 16], sizes = [1, 16], strides = [1, 1]} : vector<100x32xf32> to vector<1x16xf32>
    %broadcast_in_dim3A_1290 = vector.shape_cast %slice3A_1289 : vector<1x16xf32> to vector<1x16xf32>
    %broadcast_in_dim3A_1291 = vector.broadcast %broadcast_in_dim3A_1290 : vector<1x16xf32> to vector<64x16xf32>
    %swap3A_1292 = arith.constant 0 : index
    %swap3A_1293 = arith.constant 6896 : index
    %swap3A_1294 = vector.load %arg3[%swap3A_1292, %swap3A_1293] : memref<64x12800xf32, #tpu.memory_space<vmem>>, vector<64x16xf32>
    tpu.vector_store %arg3[%swap3A_1292, %swap3A_1293], %broadcast_in_dim3A_1291 {strides = array<i32>} : memref<64x12800xf32, #tpu.memory_space<vmem>>, vector<64x16xf32>,
    %get3A_1295 = arith.constant 0 : index
    %get3A_1296 = arith.constant 5184 : index
    %get3A_1297 = vector.load %arg1[%get3A_1295, %get3A_1296] : memref<64x9600xf32, #tpu.memory_space<vmem>>, vector<64x48xf32>
    %swap3A_1298 = arith.constant 0 : index
    %swap3A_1299 = arith.constant 6912 : index
    %swap3A_1300 = vector.load %arg3[%swap3A_1298, %swap3A_1299] : memref<64x12800xf32, #tpu.memory_space<vmem>>, vector<64x48xf32>
    tpu.vector_store %arg3[%swap3A_1298, %swap3A_1299], %get3A_1297 {strides = array<i32>} : memref<64x12800xf32, #tpu.memory_space<vmem>>, vector<64x48xf32>,
    %slice3A_1301 = vector.extract_strided_slice %get3A_1 {offsets = [54, 0], sizes = [1, 16], strides = [1, 1]} : vector<100x32xf32> to vector<1x16xf32>
    %broadcast_in_dim3A_1302 = vector.shape_cast %slice3A_1301 : vector<1x16xf32> to vector<1x16xf32>
    %broadcast_in_dim3A_1303 = vector.broadcast %broadcast_in_dim3A_1302 : vector<1x16xf32> to vector<64x16xf32>
    %swap3A_1304 = arith.constant 0 : index
    %swap3A_1305 = arith.constant 6960 : index
    %swap3A_1306 = vector.load %arg3[%swap3A_1304, %swap3A_1305] : memref<64x12800xf32, #tpu.memory_space<vmem>>, vector<64x16xf32>
    tpu.vector_store %arg3[%swap3A_1304, %swap3A_1305], %broadcast_in_dim3A_1303 {strides = array<i32>} : memref<64x12800xf32, #tpu.memory_space<vmem>>, vector<64x16xf32>,
    %get3A_1307 = arith.constant 0 : index
    %get3A_1308 = arith.constant 5232 : index
    %get3A_1309 = vector.load %arg1[%get3A_1307, %get3A_1308] : memref<64x9600xf32, #tpu.memory_space<vmem>>, vector<64x48xf32>
    %swap3A_1310 = arith.constant 0 : index
    %swap3A_1311 = arith.constant 6976 : index
    %swap3A_1312 = vector.load %arg3[%swap3A_1310, %swap3A_1311] : memref<64x12800xf32, #tpu.memory_space<vmem>>, vector<64x48xf32>
    tpu.vector_store %arg3[%swap3A_1310, %swap3A_1311], %get3A_1309 {strides = array<i32>} : memref<64x12800xf32, #tpu.memory_space<vmem>>, vector<64x48xf32>,
    %slice3A_1313 = vector.extract_strided_slice %get3A_1 {offsets = [54, 16], sizes = [1, 16], strides = [1, 1]} : vector<100x32xf32> to vector<1x16xf32>
    %broadcast_in_dim3A_1314 = vector.shape_cast %slice3A_1313 : vector<1x16xf32> to vector<1x16xf32>
    %broadcast_in_dim3A_1315 = vector.broadcast %broadcast_in_dim3A_1314 : vector<1x16xf32> to vector<64x16xf32>
    %swap3A_1316 = arith.constant 0 : index
    %swap3A_1317 = arith.constant 7024 : index
    %swap3A_1318 = vector.load %arg3[%swap3A_1316, %swap3A_1317] : memref<64x12800xf32, #tpu.memory_space<vmem>>, vector<64x16xf32>
    tpu.vector_store %arg3[%swap3A_1316, %swap3A_1317], %broadcast_in_dim3A_1315 {strides = array<i32>} : memref<64x12800xf32, #tpu.memory_space<vmem>>, vector<64x16xf32>,
    %get3A_1319 = arith.constant 0 : index
    %get3A_1320 = arith.constant 5280 : index
    %get3A_1321 = vector.load %arg1[%get3A_1319, %get3A_1320] : memref<64x9600xf32, #tpu.memory_space<vmem>>, vector<64x48xf32>
    %swap3A_1322 = arith.constant 0 : index
    %swap3A_1323 = arith.constant 7040 : index
    %swap3A_1324 = vector.load %arg3[%swap3A_1322, %swap3A_1323] : memref<64x12800xf32, #tpu.memory_space<vmem>>, vector<64x48xf32>
    tpu.vector_store %arg3[%swap3A_1322, %swap3A_1323], %get3A_1321 {strides = array<i32>} : memref<64x12800xf32, #tpu.memory_space<vmem>>, vector<64x48xf32>,
    %slice3A_1325 = vector.extract_strided_slice %get3A_1 {offsets = [55, 0], sizes = [1, 16], strides = [1, 1]} : vector<100x32xf32> to vector<1x16xf32>
    %broadcast_in_dim3A_1326 = vector.shape_cast %slice3A_1325 : vector<1x16xf32> to vector<1x16xf32>
    %broadcast_in_dim3A_1327 = vector.broadcast %broadcast_in_dim3A_1326 : vector<1x16xf32> to vector<64x16xf32>
    %swap3A_1328 = arith.constant 0 : index
    %swap3A_1329 = arith.constant 7088 : index
    %swap3A_1330 = vector.load %arg3[%swap3A_1328, %swap3A_1329] : memref<64x12800xf32, #tpu.memory_space<vmem>>, vector<64x16xf32>
    tpu.vector_store %arg3[%swap3A_1328, %swap3A_1329], %broadcast_in_dim3A_1327 {strides = array<i32>} : memref<64x12800xf32, #tpu.memory_space<vmem>>, vector<64x16xf32>,
    %get3A_1331 = arith.constant 0 : index
    %get3A_1332 = arith.constant 5328 : index
    %get3A_1333 = vector.load %arg1[%get3A_1331, %get3A_1332] : memref<64x9600xf32, #tpu.memory_space<vmem>>, vector<64x48xf32>
    %swap3A_1334 = arith.constant 0 : index
    %swap3A_1335 = arith.constant 7104 : index
    %swap3A_1336 = vector.load %arg3[%swap3A_1334, %swap3A_1335] : memref<64x12800xf32, #tpu.memory_space<vmem>>, vector<64x48xf32>
    tpu.vector_store %arg3[%swap3A_1334, %swap3A_1335], %get3A_1333 {strides = array<i32>} : memref<64x12800xf32, #tpu.memory_space<vmem>>, vector<64x48xf32>,
    %slice3A_1337 = vector.extract_strided_slice %get3A_1 {offsets = [55, 16], sizes = [1, 16], strides = [1, 1]} : vector<100x32xf32> to vector<1x16xf32>
    %broadcast_in_dim3A_1338 = vector.shape_cast %slice3A_1337 : vector<1x16xf32> to vector<1x16xf32>
    %broadcast_in_dim3A_1339 = vector.broadcast %broadcast_in_dim3A_1338 : vector<1x16xf32> to vector<64x16xf32>
    %swap3A_1340 = arith.constant 0 : index
    %swap3A_1341 = arith.constant 7152 : index
    %swap3A_1342 = vector.load %arg3[%swap3A_1340, %swap3A_1341] : memref<64x12800xf32, #tpu.memory_space<vmem>>, vector<64x16xf32>
    tpu.vector_store %arg3[%swap3A_1340, %swap3A_1341], %broadcast_in_dim3A_1339 {strides = array<i32>} : memref<64x12800xf32, #tpu.memory_space<vmem>>, vector<64x16xf32>,
    %get3A_1343 = arith.constant 0 : index
    %get3A_1344 = arith.constant 5376 : index
    %get3A_1345 = vector.load %arg1[%get3A_1343, %get3A_1344] : memref<64x9600xf32, #tpu.memory_space<vmem>>, vector<64x48xf32>
    %swap3A_1346 = arith.constant 0 : index
    %swap3A_1347 = arith.constant 7168 : index
    %swap3A_1348 = vector.load %arg3[%swap3A_1346, %swap3A_1347] : memref<64x12800xf32, #tpu.memory_space<vmem>>, vector<64x48xf32>
    tpu.vector_store %arg3[%swap3A_1346, %swap3A_1347], %get3A_1345 {strides = array<i32>} : memref<64x12800xf32, #tpu.memory_space<vmem>>, vector<64x48xf32>,
    %slice3A_1349 = vector.extract_strided_slice %get3A_1 {offsets = [56, 0], sizes = [1, 16], strides = [1, 1]} : vector<100x32xf32> to vector<1x16xf32>
    %broadcast_in_dim3A_1350 = vector.shape_cast %slice3A_1349 : vector<1x16xf32> to vector<1x16xf32>
    %broadcast_in_dim3A_1351 = vector.broadcast %broadcast_in_dim3A_1350 : vector<1x16xf32> to vector<64x16xf32>
    %swap3A_1352 = arith.constant 0 : index
    %swap3A_1353 = arith.constant 7216 : index
    %swap3A_1354 = vector.load %arg3[%swap3A_1352, %swap3A_1353] : memref<64x12800xf32, #tpu.memory_space<vmem>>, vector<64x16xf32>
    tpu.vector_store %arg3[%swap3A_1352, %swap3A_1353], %broadcast_in_dim3A_1351 {strides = array<i32>} : memref<64x12800xf32, #tpu.memory_space<vmem>>, vector<64x16xf32>,
    %get3A_1355 = arith.constant 0 : index
    %get3A_1356 = arith.constant 5424 : index
    %get3A_1357 = vector.load %arg1[%get3A_1355, %get3A_1356] : memref<64x9600xf32, #tpu.memory_space<vmem>>, vector<64x48xf32>
    %swap3A_1358 = arith.constant 0 : index
    %swap3A_1359 = arith.constant 7232 : index
    %swap3A_1360 = vector.load %arg3[%swap3A_1358, %swap3A_1359] : memref<64x12800xf32, #tpu.memory_space<vmem>>, vector<64x48xf32>
    tpu.vector_store %arg3[%swap3A_1358, %swap3A_1359], %get3A_1357 {strides = array<i32>} : memref<64x12800xf32, #tpu.memory_space<vmem>>, vector<64x48xf32>,
    %slice3A_1361 = vector.extract_strided_slice %get3A_1 {offsets = [56, 16], sizes = [1, 16], strides = [1, 1]} : vector<100x32xf32> to vector<1x16xf32>
    %broadcast_in_dim3A_1362 = vector.shape_cast %slice3A_1361 : vector<1x16xf32> to vector<1x16xf32>
    %broadcast_in_dim3A_1363 = vector.broadcast %broadcast_in_dim3A_1362 : vector<1x16xf32> to vector<64x16xf32>
    %swap3A_1364 = arith.constant 0 : index
    %swap3A_1365 = arith.constant 7280 : index
    %swap3A_1366 = vector.load %arg3[%swap3A_1364, %swap3A_1365] : memref<64x12800xf32, #tpu.memory_space<vmem>>, vector<64x16xf32>
    tpu.vector_store %arg3[%swap3A_1364, %swap3A_1365], %broadcast_in_dim3A_1363 {strides = array<i32>} : memref<64x12800xf32, #tpu.memory_space<vmem>>, vector<64x16xf32>,
    %get3A_1367 = arith.constant 0 : index
    %get3A_1368 = arith.constant 5472 : index
    %get3A_1369 = vector.load %arg1[%get3A_1367, %get3A_1368] : memref<64x9600xf32, #tpu.memory_space<vmem>>, vector<64x48xf32>
    %swap3A_1370 = arith.constant 0 : index
    %swap3A_1371 = arith.constant 7296 : index
    %swap3A_1372 = vector.load %arg3[%swap3A_1370, %swap3A_1371] : memref<64x12800xf32, #tpu.memory_space<vmem>>, vector<64x48xf32>
    tpu.vector_store %arg3[%swap3A_1370, %swap3A_1371], %get3A_1369 {strides = array<i32>} : memref<64x12800xf32, #tpu.memory_space<vmem>>, vector<64x48xf32>,
    %slice3A_1373 = vector.extract_strided_slice %get3A_1 {offsets = [57, 0], sizes = [1, 16], strides = [1, 1]} : vector<100x32xf32> to vector<1x16xf32>
    %broadcast_in_dim3A_1374 = vector.shape_cast %slice3A_1373 : vector<1x16xf32> to vector<1x16xf32>
    %broadcast_in_dim3A_1375 = vector.broadcast %broadcast_in_dim3A_1374 : vector<1x16xf32> to vector<64x16xf32>
    %swap3A_1376 = arith.constant 0 : index
    %swap3A_1377 = arith.constant 7344 : index
    %swap3A_1378 = vector.load %arg3[%swap3A_1376, %swap3A_1377] : memref<64x12800xf32, #tpu.memory_space<vmem>>, vector<64x16xf32>
    tpu.vector_store %arg3[%swap3A_1376, %swap3A_1377], %broadcast_in_dim3A_1375 {strides = array<i32>} : memref<64x12800xf32, #tpu.memory_space<vmem>>, vector<64x16xf32>,
    %get3A_1379 = arith.constant 0 : index
    %get3A_1380 = arith.constant 5520 : index
    %get3A_1381 = vector.load %arg1[%get3A_1379, %get3A_1380] : memref<64x9600xf32, #tpu.memory_space<vmem>>, vector<64x48xf32>
    %swap3A_1382 = arith.constant 0 : index
    %swap3A_1383 = arith.constant 7360 : index
    %swap3A_1384 = vector.load %arg3[%swap3A_1382, %swap3A_1383] : memref<64x12800xf32, #tpu.memory_space<vmem>>, vector<64x48xf32>
    tpu.vector_store %arg3[%swap3A_1382, %swap3A_1383], %get3A_1381 {strides = array<i32>} : memref<64x12800xf32, #tpu.memory_space<vmem>>, vector<64x48xf32>,
    %slice3A_1385 = vector.extract_strided_slice %get3A_1 {offsets = [57, 16], sizes = [1, 16], strides = [1, 1]} : vector<100x32xf32> to vector<1x16xf32>
    %broadcast_in_dim3A_1386 = vector.shape_cast %slice3A_1385 : vector<1x16xf32> to vector<1x16xf32>
    %broadcast_in_dim3A_1387 = vector.broadcast %broadcast_in_dim3A_1386 : vector<1x16xf32> to vector<64x16xf32>
    %swap3A_1388 = arith.constant 0 : index
    %swap3A_1389 = arith.constant 7408 : index
    %swap3A_1390 = vector.load %arg3[%swap3A_1388, %swap3A_1389] : memref<64x12800xf32, #tpu.memory_space<vmem>>, vector<64x16xf32>
    tpu.vector_store %arg3[%swap3A_1388, %swap3A_1389], %broadcast_in_dim3A_1387 {strides = array<i32>} : memref<64x12800xf32, #tpu.memory_space<vmem>>, vector<64x16xf32>,
    %get3A_1391 = arith.constant 0 : index
    %get3A_1392 = arith.constant 5568 : index
    %get3A_1393 = vector.load %arg1[%get3A_1391, %get3A_1392] : memref<64x9600xf32, #tpu.memory_space<vmem>>, vector<64x48xf32>
    %swap3A_1394 = arith.constant 0 : index
    %swap3A_1395 = arith.constant 7424 : index
    %swap3A_1396 = vector.load %arg3[%swap3A_1394, %swap3A_1395] : memref<64x12800xf32, #tpu.memory_space<vmem>>, vector<64x48xf32>
    tpu.vector_store %arg3[%swap3A_1394, %swap3A_1395], %get3A_1393 {strides = array<i32>} : memref<64x12800xf32, #tpu.memory_space<vmem>>, vector<64x48xf32>,
    %slice3A_1397 = vector.extract_strided_slice %get3A_1 {offsets = [58, 0], sizes = [1, 16], strides = [1, 1]} : vector<100x32xf32> to vector<1x16xf32>
    %broadcast_in_dim3A_1398 = vector.shape_cast %slice3A_1397 : vector<1x16xf32> to vector<1x16xf32>
    %broadcast_in_dim3A_1399 = vector.broadcast %broadcast_in_dim3A_1398 : vector<1x16xf32> to vector<64x16xf32>
    %swap3A_1400 = arith.constant 0 : index
    %swap3A_1401 = arith.constant 7472 : index
    %swap3A_1402 = vector.load %arg3[%swap3A_1400, %swap3A_1401] : memref<64x12800xf32, #tpu.memory_space<vmem>>, vector<64x16xf32>
    tpu.vector_store %arg3[%swap3A_1400, %swap3A_1401], %broadcast_in_dim3A_1399 {strides = array<i32>} : memref<64x12800xf32, #tpu.memory_space<vmem>>, vector<64x16xf32>,
    %get3A_1403 = arith.constant 0 : index
    %get3A_1404 = arith.constant 5616 : index
    %get3A_1405 = vector.load %arg1[%get3A_1403, %get3A_1404] : memref<64x9600xf32, #tpu.memory_space<vmem>>, vector<64x48xf32>
    %swap3A_1406 = arith.constant 0 : index
    %swap3A_1407 = arith.constant 7488 : index
    %swap3A_1408 = vector.load %arg3[%swap3A_1406, %swap3A_1407] : memref<64x12800xf32, #tpu.memory_space<vmem>>, vector<64x48xf32>
    tpu.vector_store %arg3[%swap3A_1406, %swap3A_1407], %get3A_1405 {strides = array<i32>} : memref<64x12800xf32, #tpu.memory_space<vmem>>, vector<64x48xf32>,
    %slice3A_1409 = vector.extract_strided_slice %get3A_1 {offsets = [58, 16], sizes = [1, 16], strides = [1, 1]} : vector<100x32xf32> to vector<1x16xf32>
    %broadcast_in_dim3A_1410 = vector.shape_cast %slice3A_1409 : vector<1x16xf32> to vector<1x16xf32>
    %broadcast_in_dim3A_1411 = vector.broadcast %broadcast_in_dim3A_1410 : vector<1x16xf32> to vector<64x16xf32>
    %swap3A_1412 = arith.constant 0 : index
    %swap3A_1413 = arith.constant 7536 : index
    %swap3A_1414 = vector.load %arg3[%swap3A_1412, %swap3A_1413] : memref<64x12800xf32, #tpu.memory_space<vmem>>, vector<64x16xf32>
    tpu.vector_store %arg3[%swap3A_1412, %swap3A_1413], %broadcast_in_dim3A_1411 {strides = array<i32>} : memref<64x12800xf32, #tpu.memory_space<vmem>>, vector<64x16xf32>,
    %get3A_1415 = arith.constant 0 : index
    %get3A_1416 = arith.constant 5664 : index
    %get3A_1417 = vector.load %arg1[%get3A_1415, %get3A_1416] : memref<64x9600xf32, #tpu.memory_space<vmem>>, vector<64x48xf32>
    %swap3A_1418 = arith.constant 0 : index
    %swap3A_1419 = arith.constant 7552 : index
    %swap3A_1420 = vector.load %arg3[%swap3A_1418, %swap3A_1419] : memref<64x12800xf32, #tpu.memory_space<vmem>>, vector<64x48xf32>
    tpu.vector_store %arg3[%swap3A_1418, %swap3A_1419], %get3A_1417 {strides = array<i32>} : memref<64x12800xf32, #tpu.memory_space<vmem>>, vector<64x48xf32>,
    %slice3A_1421 = vector.extract_strided_slice %get3A_1 {offsets = [59, 0], sizes = [1, 16], strides = [1, 1]} : vector<100x32xf32> to vector<1x16xf32>
    %broadcast_in_dim3A_1422 = vector.shape_cast %slice3A_1421 : vector<1x16xf32> to vector<1x16xf32>
    %broadcast_in_dim3A_1423 = vector.broadcast %broadcast_in_dim3A_1422 : vector<1x16xf32> to vector<64x16xf32>
    %swap3A_1424 = arith.constant 0 : index
    %swap3A_1425 = arith.constant 7600 : index
    %swap3A_1426 = vector.load %arg3[%swap3A_1424, %swap3A_1425] : memref<64x12800xf32, #tpu.memory_space<vmem>>, vector<64x16xf32>
    tpu.vector_store %arg3[%swap3A_1424, %swap3A_1425], %broadcast_in_dim3A_1423 {strides = array<i32>} : memref<64x12800xf32, #tpu.memory_space<vmem>>, vector<64x16xf32>,
    %get3A_1427 = arith.constant 0 : index
    %get3A_1428 = arith.constant 5712 : index
    %get3A_1429 = vector.load %arg1[%get3A_1427, %get3A_1428] : memref<64x9600xf32, #tpu.memory_space<vmem>>, vector<64x48xf32>
    %swap3A_1430 = arith.constant 0 : index
    %swap3A_1431 = arith.constant 7616 : index
    %swap3A_1432 = vector.load %arg3[%swap3A_1430, %swap3A_1431] : memref<64x12800xf32, #tpu.memory_space<vmem>>, vector<64x48xf32>
    tpu.vector_store %arg3[%swap3A_1430, %swap3A_1431], %get3A_1429 {strides = array<i32>} : memref<64x12800xf32, #tpu.memory_space<vmem>>, vector<64x48xf32>,
    %slice3A_1433 = vector.extract_strided_slice %get3A_1 {offsets = [59, 16], sizes = [1, 16], strides = [1, 1]} : vector<100x32xf32> to vector<1x16xf32>
    %broadcast_in_dim3A_1434 = vector.shape_cast %slice3A_1433 : vector<1x16xf32> to vector<1x16xf32>
    %broadcast_in_dim3A_1435 = vector.broadcast %broadcast_in_dim3A_1434 : vector<1x16xf32> to vector<64x16xf32>
    %swap3A_1436 = arith.constant 0 : index
    %swap3A_1437 = arith.constant 7664 : index
    %swap3A_1438 = vector.load %arg3[%swap3A_1436, %swap3A_1437] : memref<64x12800xf32, #tpu.memory_space<vmem>>, vector<64x16xf32>
    tpu.vector_store %arg3[%swap3A_1436, %swap3A_1437], %broadcast_in_dim3A_1435 {strides = array<i32>} : memref<64x12800xf32, #tpu.memory_space<vmem>>, vector<64x16xf32>,
    %get3A_1439 = arith.constant 0 : index
    %get3A_1440 = arith.constant 5760 : index
    %get3A_1441 = vector.load %arg1[%get3A_1439, %get3A_1440] : memref<64x9600xf32, #tpu.memory_space<vmem>>, vector<64x48xf32>
    %swap3A_1442 = arith.constant 0 : index
    %swap3A_1443 = arith.constant 7680 : index
    %swap3A_1444 = vector.load %arg3[%swap3A_1442, %swap3A_1443] : memref<64x12800xf32, #tpu.memory_space<vmem>>, vector<64x48xf32>
    tpu.vector_store %arg3[%swap3A_1442, %swap3A_1443], %get3A_1441 {strides = array<i32>} : memref<64x12800xf32, #tpu.memory_space<vmem>>, vector<64x48xf32>,
    %slice3A_1445 = vector.extract_strided_slice %get3A_1 {offsets = [60, 0], sizes = [1, 16], strides = [1, 1]} : vector<100x32xf32> to vector<1x16xf32>
    %broadcast_in_dim3A_1446 = vector.shape_cast %slice3A_1445 : vector<1x16xf32> to vector<1x16xf32>
    %broadcast_in_dim3A_1447 = vector.broadcast %broadcast_in_dim3A_1446 : vector<1x16xf32> to vector<64x16xf32>
    %swap3A_1448 = arith.constant 0 : index
    %swap3A_1449 = arith.constant 7728 : index
    %swap3A_1450 = vector.load %arg3[%swap3A_1448, %swap3A_1449] : memref<64x12800xf32, #tpu.memory_space<vmem>>, vector<64x16xf32>
    tpu.vector_store %arg3[%swap3A_1448, %swap3A_1449], %broadcast_in_dim3A_1447 {strides = array<i32>} : memref<64x12800xf32, #tpu.memory_space<vmem>>, vector<64x16xf32>,
    %get3A_1451 = arith.constant 0 : index
    %get3A_1452 = arith.constant 5808 : index
    %get3A_1453 = vector.load %arg1[%get3A_1451, %get3A_1452] : memref<64x9600xf32, #tpu.memory_space<vmem>>, vector<64x48xf32>
    %swap3A_1454 = arith.constant 0 : index
    %swap3A_1455 = arith.constant 7744 : index
    %swap3A_1456 = vector.load %arg3[%swap3A_1454, %swap3A_1455] : memref<64x12800xf32, #tpu.memory_space<vmem>>, vector<64x48xf32>
    tpu.vector_store %arg3[%swap3A_1454, %swap3A_1455], %get3A_1453 {strides = array<i32>} : memref<64x12800xf32, #tpu.memory_space<vmem>>, vector<64x48xf32>,
    %slice3A_1457 = vector.extract_strided_slice %get3A_1 {offsets = [60, 16], sizes = [1, 16], strides = [1, 1]} : vector<100x32xf32> to vector<1x16xf32>
    %broadcast_in_dim3A_1458 = vector.shape_cast %slice3A_1457 : vector<1x16xf32> to vector<1x16xf32>
    %broadcast_in_dim3A_1459 = vector.broadcast %broadcast_in_dim3A_1458 : vector<1x16xf32> to vector<64x16xf32>
    %swap3A_1460 = arith.constant 0 : index
    %swap3A_1461 = arith.constant 7792 : index
    %swap3A_1462 = vector.load %arg3[%swap3A_1460, %swap3A_1461] : memref<64x12800xf32, #tpu.memory_space<vmem>>, vector<64x16xf32>
    tpu.vector_store %arg3[%swap3A_1460, %swap3A_1461], %broadcast_in_dim3A_1459 {strides = array<i32>} : memref<64x12800xf32, #tpu.memory_space<vmem>>, vector<64x16xf32>,
    %get3A_1463 = arith.constant 0 : index
    %get3A_1464 = arith.constant 5856 : index
    %get3A_1465 = vector.load %arg1[%get3A_1463, %get3A_1464] : memref<64x9600xf32, #tpu.memory_space<vmem>>, vector<64x48xf32>
    %swap3A_1466 = arith.constant 0 : index
    %swap3A_1467 = arith.constant 7808 : index
    %swap3A_1468 = vector.load %arg3[%swap3A_1466, %swap3A_1467] : memref<64x12800xf32, #tpu.memory_space<vmem>>, vector<64x48xf32>
    tpu.vector_store %arg3[%swap3A_1466, %swap3A_1467], %get3A_1465 {strides = array<i32>} : memref<64x12800xf32, #tpu.memory_space<vmem>>, vector<64x48xf32>,
    %slice3A_1469 = vector.extract_strided_slice %get3A_1 {offsets = [61, 0], sizes = [1, 16], strides = [1, 1]} : vector<100x32xf32> to vector<1x16xf32>
    %broadcast_in_dim3A_1470 = vector.shape_cast %slice3A_1469 : vector<1x16xf32> to vector<1x16xf32>
    %broadcast_in_dim3A_1471 = vector.broadcast %broadcast_in_dim3A_1470 : vector<1x16xf32> to vector<64x16xf32>
    %swap3A_1472 = arith.constant 0 : index
    %swap3A_1473 = arith.constant 7856 : index
    %swap3A_1474 = vector.load %arg3[%swap3A_1472, %swap3A_1473] : memref<64x12800xf32, #tpu.memory_space<vmem>>, vector<64x16xf32>
    tpu.vector_store %arg3[%swap3A_1472, %swap3A_1473], %broadcast_in_dim3A_1471 {strides = array<i32>} : memref<64x12800xf32, #tpu.memory_space<vmem>>, vector<64x16xf32>,
    %get3A_1475 = arith.constant 0 : index
    %get3A_1476 = arith.constant 5904 : index
    %get3A_1477 = vector.load %arg1[%get3A_1475, %get3A_1476] : memref<64x9600xf32, #tpu.memory_space<vmem>>, vector<64x48xf32>
    %swap3A_1478 = arith.constant 0 : index
    %swap3A_1479 = arith.constant 7872 : index
    %swap3A_1480 = vector.load %arg3[%swap3A_1478, %swap3A_1479] : memref<64x12800xf32, #tpu.memory_space<vmem>>, vector<64x48xf32>
    tpu.vector_store %arg3[%swap3A_1478, %swap3A_1479], %get3A_1477 {strides = array<i32>} : memref<64x12800xf32, #tpu.memory_space<vmem>>, vector<64x48xf32>,
    %slice3A_1481 = vector.extract_strided_slice %get3A_1 {offsets = [61, 16], sizes = [1, 16], strides = [1, 1]} : vector<100x32xf32> to vector<1x16xf32>
    %broadcast_in_dim3A_1482 = vector.shape_cast %slice3A_1481 : vector<1x16xf32> to vector<1x16xf32>
    %broadcast_in_dim3A_1483 = vector.broadcast %broadcast_in_dim3A_1482 : vector<1x16xf32> to vector<64x16xf32>
    %swap3A_1484 = arith.constant 0 : index
    %swap3A_1485 = arith.constant 7920 : index
    %swap3A_1486 = vector.load %arg3[%swap3A_1484, %swap3A_1485] : memref<64x12800xf32, #tpu.memory_space<vmem>>, vector<64x16xf32>
    tpu.vector_store %arg3[%swap3A_1484, %swap3A_1485], %broadcast_in_dim3A_1483 {strides = array<i32>} : memref<64x12800xf32, #tpu.memory_space<vmem>>, vector<64x16xf32>,
    %get3A_1487 = arith.constant 0 : index
    %get3A_1488 = arith.constant 5952 : index
    %get3A_1489 = vector.load %arg1[%get3A_1487, %get3A_1488] : memref<64x9600xf32, #tpu.memory_space<vmem>>, vector<64x48xf32>
    %swap3A_1490 = arith.constant 0 : index
    %swap3A_1491 = arith.constant 7936 : index
    %swap3A_1492 = vector.load %arg3[%swap3A_1490, %swap3A_1491] : memref<64x12800xf32, #tpu.memory_space<vmem>>, vector<64x48xf32>
    tpu.vector_store %arg3[%swap3A_1490, %swap3A_1491], %get3A_1489 {strides = array<i32>} : memref<64x12800xf32, #tpu.memory_space<vmem>>, vector<64x48xf32>,
    %slice3A_1493 = vector.extract_strided_slice %get3A_1 {offsets = [62, 0], sizes = [1, 16], strides = [1, 1]} : vector<100x32xf32> to vector<1x16xf32>
    %broadcast_in_dim3A_1494 = vector.shape_cast %slice3A_1493 : vector<1x16xf32> to vector<1x16xf32>
    %broadcast_in_dim3A_1495 = vector.broadcast %broadcast_in_dim3A_1494 : vector<1x16xf32> to vector<64x16xf32>
    %swap3A_1496 = arith.constant 0 : index
    %swap3A_1497 = arith.constant 7984 : index
    %swap3A_1498 = vector.load %arg3[%swap3A_1496, %swap3A_1497] : memref<64x12800xf32, #tpu.memory_space<vmem>>, vector<64x16xf32>
    tpu.vector_store %arg3[%swap3A_1496, %swap3A_1497], %broadcast_in_dim3A_1495 {strides = array<i32>} : memref<64x12800xf32, #tpu.memory_space<vmem>>, vector<64x16xf32>,
    %get3A_1499 = arith.constant 0 : index
    %get3A_1500 = arith.constant 6000 : index
    %get3A_1501 = vector.load %arg1[%get3A_1499, %get3A_1500] : memref<64x9600xf32, #tpu.memory_space<vmem>>, vector<64x48xf32>
    %swap3A_1502 = arith.constant 0 : index
    %swap3A_1503 = arith.constant 8000 : index
    %swap3A_1504 = vector.load %arg3[%swap3A_1502, %swap3A_1503] : memref<64x12800xf32, #tpu.memory_space<vmem>>, vector<64x48xf32>
    tpu.vector_store %arg3[%swap3A_1502, %swap3A_1503], %get3A_1501 {strides = array<i32>} : memref<64x12800xf32, #tpu.memory_space<vmem>>, vector<64x48xf32>,
    %slice3A_1505 = vector.extract_strided_slice %get3A_1 {offsets = [62, 16], sizes = [1, 16], strides = [1, 1]} : vector<100x32xf32> to vector<1x16xf32>
    %broadcast_in_dim3A_1506 = vector.shape_cast %slice3A_1505 : vector<1x16xf32> to vector<1x16xf32>
    %broadcast_in_dim3A_1507 = vector.broadcast %broadcast_in_dim3A_1506 : vector<1x16xf32> to vector<64x16xf32>
    %swap3A_1508 = arith.constant 0 : index
    %swap3A_1509 = arith.constant 8048 : index
    %swap3A_1510 = vector.load %arg3[%swap3A_1508, %swap3A_1509] : memref<64x12800xf32, #tpu.memory_space<vmem>>, vector<64x16xf32>
    tpu.vector_store %arg3[%swap3A_1508, %swap3A_1509], %broadcast_in_dim3A_1507 {strides = array<i32>} : memref<64x12800xf32, #tpu.memory_space<vmem>>, vector<64x16xf32>,
    %get3A_1511 = arith.constant 0 : index
    %get3A_1512 = arith.constant 6048 : index
    %get3A_1513 = vector.load %arg1[%get3A_1511, %get3A_1512] : memref<64x9600xf32, #tpu.memory_space<vmem>>, vector<64x48xf32>
    %swap3A_1514 = arith.constant 0 : index
    %swap3A_1515 = arith.constant 8064 : index
    %swap3A_1516 = vector.load %arg3[%swap3A_1514, %swap3A_1515] : memref<64x12800xf32, #tpu.memory_space<vmem>>, vector<64x48xf32>
    tpu.vector_store %arg3[%swap3A_1514, %swap3A_1515], %get3A_1513 {strides = array<i32>} : memref<64x12800xf32, #tpu.memory_space<vmem>>, vector<64x48xf32>,
    %slice3A_1517 = vector.extract_strided_slice %get3A_1 {offsets = [63, 0], sizes = [1, 16], strides = [1, 1]} : vector<100x32xf32> to vector<1x16xf32>
    %broadcast_in_dim3A_1518 = vector.shape_cast %slice3A_1517 : vector<1x16xf32> to vector<1x16xf32>
    %broadcast_in_dim3A_1519 = vector.broadcast %broadcast_in_dim3A_1518 : vector<1x16xf32> to vector<64x16xf32>
    %swap3A_1520 = arith.constant 0 : index
    %swap3A_1521 = arith.constant 8112 : index
    %swap3A_1522 = vector.load %arg3[%swap3A_1520, %swap3A_1521] : memref<64x12800xf32, #tpu.memory_space<vmem>>, vector<64x16xf32>
    tpu.vector_store %arg3[%swap3A_1520, %swap3A_1521], %broadcast_in_dim3A_1519 {strides = array<i32>} : memref<64x12800xf32, #tpu.memory_space<vmem>>, vector<64x16xf32>,
    %get3A_1523 = arith.constant 0 : index
    %get3A_1524 = arith.constant 6096 : index
    %get3A_1525 = vector.load %arg1[%get3A_1523, %get3A_1524] : memref<64x9600xf32, #tpu.memory_space<vmem>>, vector<64x48xf32>
    %swap3A_1526 = arith.constant 0 : index
    %swap3A_1527 = arith.constant 8128 : index
    %swap3A_1528 = vector.load %arg3[%swap3A_1526, %swap3A_1527] : memref<64x12800xf32, #tpu.memory_space<vmem>>, vector<64x48xf32>
    tpu.vector_store %arg3[%swap3A_1526, %swap3A_1527], %get3A_1525 {strides = array<i32>} : memref<64x12800xf32, #tpu.memory_space<vmem>>, vector<64x48xf32>,
    %slice3A_1529 = vector.extract_strided_slice %get3A_1 {offsets = [63, 16], sizes = [1, 16], strides = [1, 1]} : vector<100x32xf32> to vector<1x16xf32>
    %broadcast_in_dim3A_1530 = vector.shape_cast %slice3A_1529 : vector<1x16xf32> to vector<1x16xf32>
    %broadcast_in_dim3A_1531 = vector.broadcast %broadcast_in_dim3A_1530 : vector<1x16xf32> to vector<64x16xf32>
    %swap3A_1532 = arith.constant 0 : index
    %swap3A_1533 = arith.constant 8176 : index
    %swap3A_1534 = vector.load %arg3[%swap3A_1532, %swap3A_1533] : memref<64x12800xf32, #tpu.memory_space<vmem>>, vector<64x16xf32>
    tpu.vector_store %arg3[%swap3A_1532, %swap3A_1533], %broadcast_in_dim3A_1531 {strides = array<i32>} : memref<64x12800xf32, #tpu.memory_space<vmem>>, vector<64x16xf32>,
    %get3A_1535 = arith.constant 0 : index
    %get3A_1536 = arith.constant 6144 : index
    %get3A_1537 = vector.load %arg1[%get3A_1535, %get3A_1536] : memref<64x9600xf32, #tpu.memory_space<vmem>>, vector<64x48xf32>
    %swap3A_1538 = arith.constant 0 : index
    %swap3A_1539 = arith.constant 8192 : index
    %swap3A_1540 = vector.load %arg3[%swap3A_1538, %swap3A_1539] : memref<64x12800xf32, #tpu.memory_space<vmem>>, vector<64x48xf32>
    tpu.vector_store %arg3[%swap3A_1538, %swap3A_1539], %get3A_1537 {strides = array<i32>} : memref<64x12800xf32, #tpu.memory_space<vmem>>, vector<64x48xf32>,
    %slice3A_1541 = vector.extract_strided_slice %get3A_1 {offsets = [64, 0], sizes = [1, 16], strides = [1, 1]} : vector<100x32xf32> to vector<1x16xf32>
    %broadcast_in_dim3A_1542 = vector.shape_cast %slice3A_1541 : vector<1x16xf32> to vector<1x16xf32>
    %broadcast_in_dim3A_1543 = vector.broadcast %broadcast_in_dim3A_1542 : vector<1x16xf32> to vector<64x16xf32>
    %swap3A_1544 = arith.constant 0 : index
    %swap3A_1545 = arith.constant 8240 : index
    %swap3A_1546 = vector.load %arg3[%swap3A_1544, %swap3A_1545] : memref<64x12800xf32, #tpu.memory_space<vmem>>, vector<64x16xf32>
    tpu.vector_store %arg3[%swap3A_1544, %swap3A_1545], %broadcast_in_dim3A_1543 {strides = array<i32>} : memref<64x12800xf32, #tpu.memory_space<vmem>>, vector<64x16xf32>,
    %get3A_1547 = arith.constant 0 : index
    %get3A_1548 = arith.constant 6192 : index
    %get3A_1549 = vector.load %arg1[%get3A_1547, %get3A_1548] : memref<64x9600xf32, #tpu.memory_space<vmem>>, vector<64x48xf32>
    %swap3A_1550 = arith.constant 0 : index
    %swap3A_1551 = arith.constant 8256 : index
    %swap3A_1552 = vector.load %arg3[%swap3A_1550, %swap3A_1551] : memref<64x12800xf32, #tpu.memory_space<vmem>>, vector<64x48xf32>
    tpu.vector_store %arg3[%swap3A_1550, %swap3A_1551], %get3A_1549 {strides = array<i32>} : memref<64x12800xf32, #tpu.memory_space<vmem>>, vector<64x48xf32>,
    %slice3A_1553 = vector.extract_strided_slice %get3A_1 {offsets = [64, 16], sizes = [1, 16], strides = [1, 1]} : vector<100x32xf32> to vector<1x16xf32>
    %broadcast_in_dim3A_1554 = vector.shape_cast %slice3A_1553 : vector<1x16xf32> to vector<1x16xf32>
    %broadcast_in_dim3A_1555 = vector.broadcast %broadcast_in_dim3A_1554 : vector<1x16xf32> to vector<64x16xf32>
    %swap3A_1556 = arith.constant 0 : index
    %swap3A_1557 = arith.constant 8304 : index
    %swap3A_1558 = vector.load %arg3[%swap3A_1556, %swap3A_1557] : memref<64x12800xf32, #tpu.memory_space<vmem>>, vector<64x16xf32>
    tpu.vector_store %arg3[%swap3A_1556, %swap3A_1557], %broadcast_in_dim3A_1555 {strides = array<i32>} : memref<64x12800xf32, #tpu.memory_space<vmem>>, vector<64x16xf32>,
    %get3A_1559 = arith.constant 0 : index
    %get3A_1560 = arith.constant 6240 : index
    %get3A_1561 = vector.load %arg1[%get3A_1559, %get3A_1560] : memref<64x9600xf32, #tpu.memory_space<vmem>>, vector<64x48xf32>
    %swap3A_1562 = arith.constant 0 : index
    %swap3A_1563 = arith.constant 8320 : index
    %swap3A_1564 = vector.load %arg3[%swap3A_1562, %swap3A_1563] : memref<64x12800xf32, #tpu.memory_space<vmem>>, vector<64x48xf32>
    tpu.vector_store %arg3[%swap3A_1562, %swap3A_1563], %get3A_1561 {strides = array<i32>} : memref<64x12800xf32, #tpu.memory_space<vmem>>, vector<64x48xf32>,
    %slice3A_1565 = vector.extract_strided_slice %get3A_1 {offsets = [65, 0], sizes = [1, 16], strides = [1, 1]} : vector<100x32xf32> to vector<1x16xf32>
    %broadcast_in_dim3A_1566 = vector.shape_cast %slice3A_1565 : vector<1x16xf32> to vector<1x16xf32>
    %broadcast_in_dim3A_1567 = vector.broadcast %broadcast_in_dim3A_1566 : vector<1x16xf32> to vector<64x16xf32>
    %swap3A_1568 = arith.constant 0 : index
    %swap3A_1569 = arith.constant 8368 : index
    %swap3A_1570 = vector.load %arg3[%swap3A_1568, %swap3A_1569] : memref<64x12800xf32, #tpu.memory_space<vmem>>, vector<64x16xf32>
    tpu.vector_store %arg3[%swap3A_1568, %swap3A_1569], %broadcast_in_dim3A_1567 {strides = array<i32>} : memref<64x12800xf32, #tpu.memory_space<vmem>>, vector<64x16xf32>,
    %get3A_1571 = arith.constant 0 : index
    %get3A_1572 = arith.constant 6288 : index
    %get3A_1573 = vector.load %arg1[%get3A_1571, %get3A_1572] : memref<64x9600xf32, #tpu.memory_space<vmem>>, vector<64x48xf32>
    %swap3A_1574 = arith.constant 0 : index
    %swap3A_1575 = arith.constant 8384 : index
    %swap3A_1576 = vector.load %arg3[%swap3A_1574, %swap3A_1575] : memref<64x12800xf32, #tpu.memory_space<vmem>>, vector<64x48xf32>
    tpu.vector_store %arg3[%swap3A_1574, %swap3A_1575], %get3A_1573 {strides = array<i32>} : memref<64x12800xf32, #tpu.memory_space<vmem>>, vector<64x48xf32>,
    %slice3A_1577 = vector.extract_strided_slice %get3A_1 {offsets = [65, 16], sizes = [1, 16], strides = [1, 1]} : vector<100x32xf32> to vector<1x16xf32>
    %broadcast_in_dim3A_1578 = vector.shape_cast %slice3A_1577 : vector<1x16xf32> to vector<1x16xf32>
    %broadcast_in_dim3A_1579 = vector.broadcast %broadcast_in_dim3A_1578 : vector<1x16xf32> to vector<64x16xf32>
    %swap3A_1580 = arith.constant 0 : index
    %swap3A_1581 = arith.constant 8432 : index
    %swap3A_1582 = vector.load %arg3[%swap3A_1580, %swap3A_1581] : memref<64x12800xf32, #tpu.memory_space<vmem>>, vector<64x16xf32>
    tpu.vector_store %arg3[%swap3A_1580, %swap3A_1581], %broadcast_in_dim3A_1579 {strides = array<i32>} : memref<64x12800xf32, #tpu.memory_space<vmem>>, vector<64x16xf32>,
    %get3A_1583 = arith.constant 0 : index
    %get3A_1584 = arith.constant 6336 : index
    %get3A_1585 = vector.load %arg1[%get3A_1583, %get3A_1584] : memref<64x9600xf32, #tpu.memory_space<vmem>>, vector<64x48xf32>
    %swap3A_1586 = arith.constant 0 : index
    %swap3A_1587 = arith.constant 8448 : index
    %swap3A_1588 = vector.load %arg3[%swap3A_1586, %swap3A_1587] : memref<64x12800xf32, #tpu.memory_space<vmem>>, vector<64x48xf32>
    tpu.vector_store %arg3[%swap3A_1586, %swap3A_1587], %get3A_1585 {strides = array<i32>} : memref<64x12800xf32, #tpu.memory_space<vmem>>, vector<64x48xf32>,
    %slice3A_1589 = vector.extract_strided_slice %get3A_1 {offsets = [66, 0], sizes = [1, 16], strides = [1, 1]} : vector<100x32xf32> to vector<1x16xf32>
    %broadcast_in_dim3A_1590 = vector.shape_cast %slice3A_1589 : vector<1x16xf32> to vector<1x16xf32>
    %broadcast_in_dim3A_1591 = vector.broadcast %broadcast_in_dim3A_1590 : vector<1x16xf32> to vector<64x16xf32>
    %swap3A_1592 = arith.constant 0 : index
    %swap3A_1593 = arith.constant 8496 : index
    %swap3A_1594 = vector.load %arg3[%swap3A_1592, %swap3A_1593] : memref<64x12800xf32, #tpu.memory_space<vmem>>, vector<64x16xf32>
    tpu.vector_store %arg3[%swap3A_1592, %swap3A_1593], %broadcast_in_dim3A_1591 {strides = array<i32>} : memref<64x12800xf32, #tpu.memory_space<vmem>>, vector<64x16xf32>,
    %get3A_1595 = arith.constant 0 : index
    %get3A_1596 = arith.constant 6384 : index
    %get3A_1597 = vector.load %arg1[%get3A_1595, %get3A_1596] : memref<64x9600xf32, #tpu.memory_space<vmem>>, vector<64x48xf32>
    %swap3A_1598 = arith.constant 0 : index
    %swap3A_1599 = arith.constant 8512 : index
    %swap3A_1600 = vector.load %arg3[%swap3A_1598, %swap3A_1599] : memref<64x12800xf32, #tpu.memory_space<vmem>>, vector<64x48xf32>
    tpu.vector_store %arg3[%swap3A_1598, %swap3A_1599], %get3A_1597 {strides = array<i32>} : memref<64x12800xf32, #tpu.memory_space<vmem>>, vector<64x48xf32>,
    %slice3A_1601 = vector.extract_strided_slice %get3A_1 {offsets = [66, 16], sizes = [1, 16], strides = [1, 1]} : vector<100x32xf32> to vector<1x16xf32>
    %broadcast_in_dim3A_1602 = vector.shape_cast %slice3A_1601 : vector<1x16xf32> to vector<1x16xf32>
    %broadcast_in_dim3A_1603 = vector.broadcast %broadcast_in_dim3A_1602 : vector<1x16xf32> to vector<64x16xf32>
    %swap3A_1604 = arith.constant 0 : index
    %swap3A_1605 = arith.constant 8560 : index
    %swap3A_1606 = vector.load %arg3[%swap3A_1604, %swap3A_1605] : memref<64x12800xf32, #tpu.memory_space<vmem>>, vector<64x16xf32>
    tpu.vector_store %arg3[%swap3A_1604, %swap3A_1605], %broadcast_in_dim3A_1603 {strides = array<i32>} : memref<64x12800xf32, #tpu.memory_space<vmem>>, vector<64x16xf32>,
    %get3A_1607 = arith.constant 0 : index
    %get3A_1608 = arith.constant 6432 : index
    %get3A_1609 = vector.load %arg1[%get3A_1607, %get3A_1608] : memref<64x9600xf32, #tpu.memory_space<vmem>>, vector<64x48xf32>
    %swap3A_1610 = arith.constant 0 : index
    %swap3A_1611 = arith.constant 8576 : index
    %swap3A_1612 = vector.load %arg3[%swap3A_1610, %swap3A_1611] : memref<64x12800xf32, #tpu.memory_space<vmem>>, vector<64x48xf32>
    tpu.vector_store %arg3[%swap3A_1610, %swap3A_1611], %get3A_1609 {strides = array<i32>} : memref<64x12800xf32, #tpu.memory_space<vmem>>, vector<64x48xf32>,
    %slice3A_1613 = vector.extract_strided_slice %get3A_1 {offsets = [67, 0], sizes = [1, 16], strides = [1, 1]} : vector<100x32xf32> to vector<1x16xf32>
    %broadcast_in_dim3A_1614 = vector.shape_cast %slice3A_1613 : vector<1x16xf32> to vector<1x16xf32>
    %broadcast_in_dim3A_1615 = vector.broadcast %broadcast_in_dim3A_1614 : vector<1x16xf32> to vector<64x16xf32>
    %swap3A_1616 = arith.constant 0 : index
    %swap3A_1617 = arith.constant 8624 : index
    %swap3A_1618 = vector.load %arg3[%swap3A_1616, %swap3A_1617] : memref<64x12800xf32, #tpu.memory_space<vmem>>, vector<64x16xf32>
    tpu.vector_store %arg3[%swap3A_1616, %swap3A_1617], %broadcast_in_dim3A_1615 {strides = array<i32>} : memref<64x12800xf32, #tpu.memory_space<vmem>>, vector<64x16xf32>,
    %get3A_1619 = arith.constant 0 : index
    %get3A_1620 = arith.constant 6480 : index
    %get3A_1621 = vector.load %arg1[%get3A_1619, %get3A_1620] : memref<64x9600xf32, #tpu.memory_space<vmem>>, vector<64x48xf32>
    %swap3A_1622 = arith.constant 0 : index
    %swap3A_1623 = arith.constant 8640 : index
    %swap3A_1624 = vector.load %arg3[%swap3A_1622, %swap3A_1623] : memref<64x12800xf32, #tpu.memory_space<vmem>>, vector<64x48xf32>
    tpu.vector_store %arg3[%swap3A_1622, %swap3A_1623], %get3A_1621 {strides = array<i32>} : memref<64x12800xf32, #tpu.memory_space<vmem>>, vector<64x48xf32>,
    %slice3A_1625 = vector.extract_strided_slice %get3A_1 {offsets = [67, 16], sizes = [1, 16], strides = [1, 1]} : vector<100x32xf32> to vector<1x16xf32>
    %broadcast_in_dim3A_1626 = vector.shape_cast %slice3A_1625 : vector<1x16xf32> to vector<1x16xf32>
    %broadcast_in_dim3A_1627 = vector.broadcast %broadcast_in_dim3A_1626 : vector<1x16xf32> to vector<64x16xf32>
    %swap3A_1628 = arith.constant 0 : index
    %swap3A_1629 = arith.constant 8688 : index
    %swap3A_1630 = vector.load %arg3[%swap3A_1628, %swap3A_1629] : memref<64x12800xf32, #tpu.memory_space<vmem>>, vector<64x16xf32>
    tpu.vector_store %arg3[%swap3A_1628, %swap3A_1629], %broadcast_in_dim3A_1627 {strides = array<i32>} : memref<64x12800xf32, #tpu.memory_space<vmem>>, vector<64x16xf32>,
    %get3A_1631 = arith.constant 0 : index
    %get3A_1632 = arith.constant 6528 : index
    %get3A_1633 = vector.load %arg1[%get3A_1631, %get3A_1632] : memref<64x9600xf32, #tpu.memory_space<vmem>>, vector<64x48xf32>
    %swap3A_1634 = arith.constant 0 : index
    %swap3A_1635 = arith.constant 8704 : index
    %swap3A_1636 = vector.load %arg3[%swap3A_1634, %swap3A_1635] : memref<64x12800xf32, #tpu.memory_space<vmem>>, vector<64x48xf32>
    tpu.vector_store %arg3[%swap3A_1634, %swap3A_1635], %get3A_1633 {strides = array<i32>} : memref<64x12800xf32, #tpu.memory_space<vmem>>, vector<64x48xf32>,
    %slice3A_1637 = vector.extract_strided_slice %get3A_1 {offsets = [68, 0], sizes = [1, 16], strides = [1, 1]} : vector<100x32xf32> to vector<1x16xf32>
    %broadcast_in_dim3A_1638 = vector.shape_cast %slice3A_1637 : vector<1x16xf32> to vector<1x16xf32>
    %broadcast_in_dim3A_1639 = vector.broadcast %broadcast_in_dim3A_1638 : vector<1x16xf32> to vector<64x16xf32>
    %swap3A_1640 = arith.constant 0 : index
    %swap3A_1641 = arith.constant 8752 : index
    %swap3A_1642 = vector.load %arg3[%swap3A_1640, %swap3A_1641] : memref<64x12800xf32, #tpu.memory_space<vmem>>, vector<64x16xf32>
    tpu.vector_store %arg3[%swap3A_1640, %swap3A_1641], %broadcast_in_dim3A_1639 {strides = array<i32>} : memref<64x12800xf32, #tpu.memory_space<vmem>>, vector<64x16xf32>,
    %get3A_1643 = arith.constant 0 : index
    %get3A_1644 = arith.constant 6576 : index
    %get3A_1645 = vector.load %arg1[%get3A_1643, %get3A_1644] : memref<64x9600xf32, #tpu.memory_space<vmem>>, vector<64x48xf32>
    %swap3A_1646 = arith.constant 0 : index
    %swap3A_1647 = arith.constant 8768 : index
    %swap3A_1648 = vector.load %arg3[%swap3A_1646, %swap3A_1647] : memref<64x12800xf32, #tpu.memory_space<vmem>>, vector<64x48xf32>
    tpu.vector_store %arg3[%swap3A_1646, %swap3A_1647], %get3A_1645 {strides = array<i32>} : memref<64x12800xf32, #tpu.memory_space<vmem>>, vector<64x48xf32>,
    %slice3A_1649 = vector.extract_strided_slice %get3A_1 {offsets = [68, 16], sizes = [1, 16], strides = [1, 1]} : vector<100x32xf32> to vector<1x16xf32>
    %broadcast_in_dim3A_1650 = vector.shape_cast %slice3A_1649 : vector<1x16xf32> to vector<1x16xf32>
    %broadcast_in_dim3A_1651 = vector.broadcast %broadcast_in_dim3A_1650 : vector<1x16xf32> to vector<64x16xf32>
    %swap3A_1652 = arith.constant 0 : index
    %swap3A_1653 = arith.constant 8816 : index
    %swap3A_1654 = vector.load %arg3[%swap3A_1652, %swap3A_1653] : memref<64x12800xf32, #tpu.memory_space<vmem>>, vector<64x16xf32>
    tpu.vector_store %arg3[%swap3A_1652, %swap3A_1653], %broadcast_in_dim3A_1651 {strides = array<i32>} : memref<64x12800xf32, #tpu.memory_space<vmem>>, vector<64x16xf32>,
    %get3A_1655 = arith.constant 0 : index
    %get3A_1656 = arith.constant 6624 : index
    %get3A_1657 = vector.load %arg1[%get3A_1655, %get3A_1656] : memref<64x9600xf32, #tpu.memory_space<vmem>>, vector<64x48xf32>
    %swap3A_1658 = arith.constant 0 : index
    %swap3A_1659 = arith.constant 8832 : index
    %swap3A_1660 = vector.load %arg3[%swap3A_1658, %swap3A_1659] : memref<64x12800xf32, #tpu.memory_space<vmem>>, vector<64x48xf32>
    tpu.vector_store %arg3[%swap3A_1658, %swap3A_1659], %get3A_1657 {strides = array<i32>} : memref<64x12800xf32, #tpu.memory_space<vmem>>, vector<64x48xf32>,
    %slice3A_1661 = vector.extract_strided_slice %get3A_1 {offsets = [69, 0], sizes = [1, 16], strides = [1, 1]} : vector<100x32xf32> to vector<1x16xf32>
    %broadcast_in_dim3A_1662 = vector.shape_cast %slice3A_1661 : vector<1x16xf32> to vector<1x16xf32>
    %broadcast_in_dim3A_1663 = vector.broadcast %broadcast_in_dim3A_1662 : vector<1x16xf32> to vector<64x16xf32>
    %swap3A_1664 = arith.constant 0 : index
    %swap3A_1665 = arith.constant 8880 : index
    %swap3A_1666 = vector.load %arg3[%swap3A_1664, %swap3A_1665] : memref<64x12800xf32, #tpu.memory_space<vmem>>, vector<64x16xf32>
    tpu.vector_store %arg3[%swap3A_1664, %swap3A_1665], %broadcast_in_dim3A_1663 {strides = array<i32>} : memref<64x12800xf32, #tpu.memory_space<vmem>>, vector<64x16xf32>,
    %get3A_1667 = arith.constant 0 : index
    %get3A_1668 = arith.constant 6672 : index
    %get3A_1669 = vector.load %arg1[%get3A_1667, %get3A_1668] : memref<64x9600xf32, #tpu.memory_space<vmem>>, vector<64x48xf32>
    %swap3A_1670 = arith.constant 0 : index
    %swap3A_1671 = arith.constant 8896 : index
    %swap3A_1672 = vector.load %arg3[%swap3A_1670, %swap3A_1671] : memref<64x12800xf32, #tpu.memory_space<vmem>>, vector<64x48xf32>
    tpu.vector_store %arg3[%swap3A_1670, %swap3A_1671], %get3A_1669 {strides = array<i32>} : memref<64x12800xf32, #tpu.memory_space<vmem>>, vector<64x48xf32>,
    %slice3A_1673 = vector.extract_strided_slice %get3A_1 {offsets = [69, 16], sizes = [1, 16], strides = [1, 1]} : vector<100x32xf32> to vector<1x16xf32>
    %broadcast_in_dim3A_1674 = vector.shape_cast %slice3A_1673 : vector<1x16xf32> to vector<1x16xf32>
    %broadcast_in_dim3A_1675 = vector.broadcast %broadcast_in_dim3A_1674 : vector<1x16xf32> to vector<64x16xf32>
    %swap3A_1676 = arith.constant 0 : index
    %swap3A_1677 = arith.constant 8944 : index
    %swap3A_1678 = vector.load %arg3[%swap3A_1676, %swap3A_1677] : memref<64x12800xf32, #tpu.memory_space<vmem>>, vector<64x16xf32>
    tpu.vector_store %arg3[%swap3A_1676, %swap3A_1677], %broadcast_in_dim3A_1675 {strides = array<i32>} : memref<64x12800xf32, #tpu.memory_space<vmem>>, vector<64x16xf32>,
    %get3A_1679 = arith.constant 0 : index
    %get3A_1680 = arith.constant 6720 : index
    %get3A_1681 = vector.load %arg1[%get3A_1679, %get3A_1680] : memref<64x9600xf32, #tpu.memory_space<vmem>>, vector<64x48xf32>
    %swap3A_1682 = arith.constant 0 : index
    %swap3A_1683 = arith.constant 8960 : index
    %swap3A_1684 = vector.load %arg3[%swap3A_1682, %swap3A_1683] : memref<64x12800xf32, #tpu.memory_space<vmem>>, vector<64x48xf32>
    tpu.vector_store %arg3[%swap3A_1682, %swap3A_1683], %get3A_1681 {strides = array<i32>} : memref<64x12800xf32, #tpu.memory_space<vmem>>, vector<64x48xf32>,
    %slice3A_1685 = vector.extract_strided_slice %get3A_1 {offsets = [70, 0], sizes = [1, 16], strides = [1, 1]} : vector<100x32xf32> to vector<1x16xf32>
    %broadcast_in_dim3A_1686 = vector.shape_cast %slice3A_1685 : vector<1x16xf32> to vector<1x16xf32>
    %broadcast_in_dim3A_1687 = vector.broadcast %broadcast_in_dim3A_1686 : vector<1x16xf32> to vector<64x16xf32>
    %swap3A_1688 = arith.constant 0 : index
    %swap3A_1689 = arith.constant 9008 : index
    %swap3A_1690 = vector.load %arg3[%swap3A_1688, %swap3A_1689] : memref<64x12800xf32, #tpu.memory_space<vmem>>, vector<64x16xf32>
    tpu.vector_store %arg3[%swap3A_1688, %swap3A_1689], %broadcast_in_dim3A_1687 {strides = array<i32>} : memref<64x12800xf32, #tpu.memory_space<vmem>>, vector<64x16xf32>,
    %get3A_1691 = arith.constant 0 : index
    %get3A_1692 = arith.constant 6768 : index
    %get3A_1693 = vector.load %arg1[%get3A_1691, %get3A_1692] : memref<64x9600xf32, #tpu.memory_space<vmem>>, vector<64x48xf32>
    %swap3A_1694 = arith.constant 0 : index
    %swap3A_1695 = arith.constant 9024 : index
    %swap3A_1696 = vector.load %arg3[%swap3A_1694, %swap3A_1695] : memref<64x12800xf32, #tpu.memory_space<vmem>>, vector<64x48xf32>
    tpu.vector_store %arg3[%swap3A_1694, %swap3A_1695], %get3A_1693 {strides = array<i32>} : memref<64x12800xf32, #tpu.memory_space<vmem>>, vector<64x48xf32>,
    %slice3A_1697 = vector.extract_strided_slice %get3A_1 {offsets = [70, 16], sizes = [1, 16], strides = [1, 1]} : vector<100x32xf32> to vector<1x16xf32>
    %broadcast_in_dim3A_1698 = vector.shape_cast %slice3A_1697 : vector<1x16xf32> to vector<1x16xf32>
    %broadcast_in_dim3A_1699 = vector.broadcast %broadcast_in_dim3A_1698 : vector<1x16xf32> to vector<64x16xf32>
    %swap3A_1700 = arith.constant 0 : index
    %swap3A_1701 = arith.constant 9072 : index
    %swap3A_1702 = vector.load %arg3[%swap3A_1700, %swap3A_1701] : memref<64x12800xf32, #tpu.memory_space<vmem>>, vector<64x16xf32>
    tpu.vector_store %arg3[%swap3A_1700, %swap3A_1701], %broadcast_in_dim3A_1699 {strides = array<i32>} : memref<64x12800xf32, #tpu.memory_space<vmem>>, vector<64x16xf32>,
    %get3A_1703 = arith.constant 0 : index
    %get3A_1704 = arith.constant 6816 : index
    %get3A_1705 = vector.load %arg1[%get3A_1703, %get3A_1704] : memref<64x9600xf32, #tpu.memory_space<vmem>>, vector<64x48xf32>
    %swap3A_1706 = arith.constant 0 : index
    %swap3A_1707 = arith.constant 9088 : index
    %swap3A_1708 = vector.load %arg3[%swap3A_1706, %swap3A_1707] : memref<64x12800xf32, #tpu.memory_space<vmem>>, vector<64x48xf32>
    tpu.vector_store %arg3[%swap3A_1706, %swap3A_1707], %get3A_1705 {strides = array<i32>} : memref<64x12800xf32, #tpu.memory_space<vmem>>, vector<64x48xf32>,
    %slice3A_1709 = vector.extract_strided_slice %get3A_1 {offsets = [71, 0], sizes = [1, 16], strides = [1, 1]} : vector<100x32xf32> to vector<1x16xf32>
    %broadcast_in_dim3A_1710 = vector.shape_cast %slice3A_1709 : vector<1x16xf32> to vector<1x16xf32>
    %broadcast_in_dim3A_1711 = vector.broadcast %broadcast_in_dim3A_1710 : vector<1x16xf32> to vector<64x16xf32>
    %swap3A_1712 = arith.constant 0 : index
    %swap3A_1713 = arith.constant 9136 : index
    %swap3A_1714 = vector.load %arg3[%swap3A_1712, %swap3A_1713] : memref<64x12800xf32, #tpu.memory_space<vmem>>, vector<64x16xf32>
    tpu.vector_store %arg3[%swap3A_1712, %swap3A_1713], %broadcast_in_dim3A_1711 {strides = array<i32>} : memref<64x12800xf32, #tpu.memory_space<vmem>>, vector<64x16xf32>,
    %get3A_1715 = arith.constant 0 : index
    %get3A_1716 = arith.constant 6864 : index
    %get3A_1717 = vector.load %arg1[%get3A_1715, %get3A_1716] : memref<64x9600xf32, #tpu.memory_space<vmem>>, vector<64x48xf32>
    %swap3A_1718 = arith.constant 0 : index
    %swap3A_1719 = arith.constant 9152 : index
    %swap3A_1720 = vector.load %arg3[%swap3A_1718, %swap3A_1719] : memref<64x12800xf32, #tpu.memory_space<vmem>>, vector<64x48xf32>
    tpu.vector_store %arg3[%swap3A_1718, %swap3A_1719], %get3A_1717 {strides = array<i32>} : memref<64x12800xf32, #tpu.memory_space<vmem>>, vector<64x48xf32>,
    %slice3A_1721 = vector.extract_strided_slice %get3A_1 {offsets = [71, 16], sizes = [1, 16], strides = [1, 1]} : vector<100x32xf32> to vector<1x16xf32>
    %broadcast_in_dim3A_1722 = vector.shape_cast %slice3A_1721 : vector<1x16xf32> to vector<1x16xf32>
    %broadcast_in_dim3A_1723 = vector.broadcast %broadcast_in_dim3A_1722 : vector<1x16xf32> to vector<64x16xf32>
    %swap3A_1724 = arith.constant 0 : index
    %swap3A_1725 = arith.constant 9200 : index
    %swap3A_1726 = vector.load %arg3[%swap3A_1724, %swap3A_1725] : memref<64x12800xf32, #tpu.memory_space<vmem>>, vector<64x16xf32>
    tpu.vector_store %arg3[%swap3A_1724, %swap3A_1725], %broadcast_in_dim3A_1723 {strides = array<i32>} : memref<64x12800xf32, #tpu.memory_space<vmem>>, vector<64x16xf32>,
    %get3A_1727 = arith.constant 0 : index
    %get3A_1728 = arith.constant 6912 : index
    %get3A_1729 = vector.load %arg1[%get3A_1727, %get3A_1728] : memref<64x9600xf32, #tpu.memory_space<vmem>>, vector<64x48xf32>
    %swap3A_1730 = arith.constant 0 : index
    %swap3A_1731 = arith.constant 9216 : index
    %swap3A_1732 = vector.load %arg3[%swap3A_1730, %swap3A_1731] : memref<64x12800xf32, #tpu.memory_space<vmem>>, vector<64x48xf32>
    tpu.vector_store %arg3[%swap3A_1730, %swap3A_1731], %get3A_1729 {strides = array<i32>} : memref<64x12800xf32, #tpu.memory_space<vmem>>, vector<64x48xf32>,
    %slice3A_1733 = vector.extract_strided_slice %get3A_1 {offsets = [72, 0], sizes = [1, 16], strides = [1, 1]} : vector<100x32xf32> to vector<1x16xf32>
    %broadcast_in_dim3A_1734 = vector.shape_cast %slice3A_1733 : vector<1x16xf32> to vector<1x16xf32>
    %broadcast_in_dim3A_1735 = vector.broadcast %broadcast_in_dim3A_1734 : vector<1x16xf32> to vector<64x16xf32>
    %swap3A_1736 = arith.constant 0 : index
    %swap3A_1737 = arith.constant 9264 : index
    %swap3A_1738 = vector.load %arg3[%swap3A_1736, %swap3A_1737] : memref<64x12800xf32, #tpu.memory_space<vmem>>, vector<64x16xf32>
    tpu.vector_store %arg3[%swap3A_1736, %swap3A_1737], %broadcast_in_dim3A_1735 {strides = array<i32>} : memref<64x12800xf32, #tpu.memory_space<vmem>>, vector<64x16xf32>,
    %get3A_1739 = arith.constant 0 : index
    %get3A_1740 = arith.constant 6960 : index
    %get3A_1741 = vector.load %arg1[%get3A_1739, %get3A_1740] : memref<64x9600xf32, #tpu.memory_space<vmem>>, vector<64x48xf32>
    %swap3A_1742 = arith.constant 0 : index
    %swap3A_1743 = arith.constant 9280 : index
    %swap3A_1744 = vector.load %arg3[%swap3A_1742, %swap3A_1743] : memref<64x12800xf32, #tpu.memory_space<vmem>>, vector<64x48xf32>
    tpu.vector_store %arg3[%swap3A_1742, %swap3A_1743], %get3A_1741 {strides = array<i32>} : memref<64x12800xf32, #tpu.memory_space<vmem>>, vector<64x48xf32>,
    %slice3A_1745 = vector.extract_strided_slice %get3A_1 {offsets = [72, 16], sizes = [1, 16], strides = [1, 1]} : vector<100x32xf32> to vector<1x16xf32>
    %broadcast_in_dim3A_1746 = vector.shape_cast %slice3A_1745 : vector<1x16xf32> to vector<1x16xf32>
    %broadcast_in_dim3A_1747 = vector.broadcast %broadcast_in_dim3A_1746 : vector<1x16xf32> to vector<64x16xf32>
    %swap3A_1748 = arith.constant 0 : index
    %swap3A_1749 = arith.constant 9328 : index
    %swap3A_1750 = vector.load %arg3[%swap3A_1748, %swap3A_1749] : memref<64x12800xf32, #tpu.memory_space<vmem>>, vector<64x16xf32>
    tpu.vector_store %arg3[%swap3A_1748, %swap3A_1749], %broadcast_in_dim3A_1747 {strides = array<i32>} : memref<64x12800xf32, #tpu.memory_space<vmem>>, vector<64x16xf32>,
    %get3A_1751 = arith.constant 0 : index
    %get3A_1752 = arith.constant 7008 : index
    %get3A_1753 = vector.load %arg1[%get3A_1751, %get3A_1752] : memref<64x9600xf32, #tpu.memory_space<vmem>>, vector<64x48xf32>
    %swap3A_1754 = arith.constant 0 : index
    %swap3A_1755 = arith.constant 9344 : index
    %swap3A_1756 = vector.load %arg3[%swap3A_1754, %swap3A_1755] : memref<64x12800xf32, #tpu.memory_space<vmem>>, vector<64x48xf32>
    tpu.vector_store %arg3[%swap3A_1754, %swap3A_1755], %get3A_1753 {strides = array<i32>} : memref<64x12800xf32, #tpu.memory_space<vmem>>, vector<64x48xf32>,
    %slice3A_1757 = vector.extract_strided_slice %get3A_1 {offsets = [73, 0], sizes = [1, 16], strides = [1, 1]} : vector<100x32xf32> to vector<1x16xf32>
    %broadcast_in_dim3A_1758 = vector.shape_cast %slice3A_1757 : vector<1x16xf32> to vector<1x16xf32>
    %broadcast_in_dim3A_1759 = vector.broadcast %broadcast_in_dim3A_1758 : vector<1x16xf32> to vector<64x16xf32>
    %swap3A_1760 = arith.constant 0 : index
    %swap3A_1761 = arith.constant 9392 : index
    %swap3A_1762 = vector.load %arg3[%swap3A_1760, %swap3A_1761] : memref<64x12800xf32, #tpu.memory_space<vmem>>, vector<64x16xf32>
    tpu.vector_store %arg3[%swap3A_1760, %swap3A_1761], %broadcast_in_dim3A_1759 {strides = array<i32>} : memref<64x12800xf32, #tpu.memory_space<vmem>>, vector<64x16xf32>,
    %get3A_1763 = arith.constant 0 : index
    %get3A_1764 = arith.constant 7056 : index
    %get3A_1765 = vector.load %arg1[%get3A_1763, %get3A_1764] : memref<64x9600xf32, #tpu.memory_space<vmem>>, vector<64x48xf32>
    %swap3A_1766 = arith.constant 0 : index
    %swap3A_1767 = arith.constant 9408 : index
    %swap3A_1768 = vector.load %arg3[%swap3A_1766, %swap3A_1767] : memref<64x12800xf32, #tpu.memory_space<vmem>>, vector<64x48xf32>
    tpu.vector_store %arg3[%swap3A_1766, %swap3A_1767], %get3A_1765 {strides = array<i32>} : memref<64x12800xf32, #tpu.memory_space<vmem>>, vector<64x48xf32>,
    %slice3A_1769 = vector.extract_strided_slice %get3A_1 {offsets = [73, 16], sizes = [1, 16], strides = [1, 1]} : vector<100x32xf32> to vector<1x16xf32>
    %broadcast_in_dim3A_1770 = vector.shape_cast %slice3A_1769 : vector<1x16xf32> to vector<1x16xf32>
    %broadcast_in_dim3A_1771 = vector.broadcast %broadcast_in_dim3A_1770 : vector<1x16xf32> to vector<64x16xf32>
    %swap3A_1772 = arith.constant 0 : index
    %swap3A_1773 = arith.constant 9456 : index
    %swap3A_1774 = vector.load %arg3[%swap3A_1772, %swap3A_1773] : memref<64x12800xf32, #tpu.memory_space<vmem>>, vector<64x16xf32>
    tpu.vector_store %arg3[%swap3A_1772, %swap3A_1773], %broadcast_in_dim3A_1771 {strides = array<i32>} : memref<64x12800xf32, #tpu.memory_space<vmem>>, vector<64x16xf32>,
    %get3A_1775 = arith.constant 0 : index
    %get3A_1776 = arith.constant 7104 : index
    %get3A_1777 = vector.load %arg1[%get3A_1775, %get3A_1776] : memref<64x9600xf32, #tpu.memory_space<vmem>>, vector<64x48xf32>
    %swap3A_1778 = arith.constant 0 : index
    %swap3A_1779 = arith.constant 9472 : index
    %swap3A_1780 = vector.load %arg3[%swap3A_1778, %swap3A_1779] : memref<64x12800xf32, #tpu.memory_space<vmem>>, vector<64x48xf32>
    tpu.vector_store %arg3[%swap3A_1778, %swap3A_1779], %get3A_1777 {strides = array<i32>} : memref<64x12800xf32, #tpu.memory_space<vmem>>, vector<64x48xf32>,
    %slice3A_1781 = vector.extract_strided_slice %get3A_1 {offsets = [74, 0], sizes = [1, 16], strides = [1, 1]} : vector<100x32xf32> to vector<1x16xf32>
    %broadcast_in_dim3A_1782 = vector.shape_cast %slice3A_1781 : vector<1x16xf32> to vector<1x16xf32>
    %broadcast_in_dim3A_1783 = vector.broadcast %broadcast_in_dim3A_1782 : vector<1x16xf32> to vector<64x16xf32>
    %swap3A_1784 = arith.constant 0 : index
    %swap3A_1785 = arith.constant 9520 : index
    %swap3A_1786 = vector.load %arg3[%swap3A_1784, %swap3A_1785] : memref<64x12800xf32, #tpu.memory_space<vmem>>, vector<64x16xf32>
    tpu.vector_store %arg3[%swap3A_1784, %swap3A_1785], %broadcast_in_dim3A_1783 {strides = array<i32>} : memref<64x12800xf32, #tpu.memory_space<vmem>>, vector<64x16xf32>,
    %get3A_1787 = arith.constant 0 : index
    %get3A_1788 = arith.constant 7152 : index
    %get3A_1789 = vector.load %arg1[%get3A_1787, %get3A_1788] : memref<64x9600xf32, #tpu.memory_space<vmem>>, vector<64x48xf32>
    %swap3A_1790 = arith.constant 0 : index
    %swap3A_1791 = arith.constant 9536 : index
    %swap3A_1792 = vector.load %arg3[%swap3A_1790, %swap3A_1791] : memref<64x12800xf32, #tpu.memory_space<vmem>>, vector<64x48xf32>
    tpu.vector_store %arg3[%swap3A_1790, %swap3A_1791], %get3A_1789 {strides = array<i32>} : memref<64x12800xf32, #tpu.memory_space<vmem>>, vector<64x48xf32>,
    %slice3A_1793 = vector.extract_strided_slice %get3A_1 {offsets = [74, 16], sizes = [1, 16], strides = [1, 1]} : vector<100x32xf32> to vector<1x16xf32>
    %broadcast_in_dim3A_1794 = vector.shape_cast %slice3A_1793 : vector<1x16xf32> to vector<1x16xf32>
    %broadcast_in_dim3A_1795 = vector.broadcast %broadcast_in_dim3A_1794 : vector<1x16xf32> to vector<64x16xf32>
    %swap3A_1796 = arith.constant 0 : index
    %swap3A_1797 = arith.constant 9584 : index
    %swap3A_1798 = vector.load %arg3[%swap3A_1796, %swap3A_1797] : memref<64x12800xf32, #tpu.memory_space<vmem>>, vector<64x16xf32>
    tpu.vector_store %arg3[%swap3A_1796, %swap3A_1797], %broadcast_in_dim3A_1795 {strides = array<i32>} : memref<64x12800xf32, #tpu.memory_space<vmem>>, vector<64x16xf32>,
    %get3A_1799 = arith.constant 0 : index
    %get3A_1800 = arith.constant 7200 : index
    %get3A_1801 = vector.load %arg1[%get3A_1799, %get3A_1800] : memref<64x9600xf32, #tpu.memory_space<vmem>>, vector<64x48xf32>
    %swap3A_1802 = arith.constant 0 : index
    %swap3A_1803 = arith.constant 9600 : index
    %swap3A_1804 = vector.load %arg3[%swap3A_1802, %swap3A_1803] : memref<64x12800xf32, #tpu.memory_space<vmem>>, vector<64x48xf32>
    tpu.vector_store %arg3[%swap3A_1802, %swap3A_1803], %get3A_1801 {strides = array<i32>} : memref<64x12800xf32, #tpu.memory_space<vmem>>, vector<64x48xf32>,
    %slice3A_1805 = vector.extract_strided_slice %get3A_1 {offsets = [75, 0], sizes = [1, 16], strides = [1, 1]} : vector<100x32xf32> to vector<1x16xf32>
    %broadcast_in_dim3A_1806 = vector.shape_cast %slice3A_1805 : vector<1x16xf32> to vector<1x16xf32>
    %broadcast_in_dim3A_1807 = vector.broadcast %broadcast_in_dim3A_1806 : vector<1x16xf32> to vector<64x16xf32>
    %swap3A_1808 = arith.constant 0 : index
    %swap3A_1809 = arith.constant 9648 : index
    %swap3A_1810 = vector.load %arg3[%swap3A_1808, %swap3A_1809] : memref<64x12800xf32, #tpu.memory_space<vmem>>, vector<64x16xf32>
    tpu.vector_store %arg3[%swap3A_1808, %swap3A_1809], %broadcast_in_dim3A_1807 {strides = array<i32>} : memref<64x12800xf32, #tpu.memory_space<vmem>>, vector<64x16xf32>,
    %get3A_1811 = arith.constant 0 : index
    %get3A_1812 = arith.constant 7248 : index
    %get3A_1813 = vector.load %arg1[%get3A_1811, %get3A_1812] : memref<64x9600xf32, #tpu.memory_space<vmem>>, vector<64x48xf32>
    %swap3A_1814 = arith.constant 0 : index
    %swap3A_1815 = arith.constant 9664 : index
    %swap3A_1816 = vector.load %arg3[%swap3A_1814, %swap3A_1815] : memref<64x12800xf32, #tpu.memory_space<vmem>>, vector<64x48xf32>
    tpu.vector_store %arg3[%swap3A_1814, %swap3A_1815], %get3A_1813 {strides = array<i32>} : memref<64x12800xf32, #tpu.memory_space<vmem>>, vector<64x48xf32>,
    %slice3A_1817 = vector.extract_strided_slice %get3A_1 {offsets = [75, 16], sizes = [1, 16], strides = [1, 1]} : vector<100x32xf32> to vector<1x16xf32>
    %broadcast_in_dim3A_1818 = vector.shape_cast %slice3A_1817 : vector<1x16xf32> to vector<1x16xf32>
    %broadcast_in_dim3A_1819 = vector.broadcast %broadcast_in_dim3A_1818 : vector<1x16xf32> to vector<64x16xf32>
    %swap3A_1820 = arith.constant 0 : index
    %swap3A_1821 = arith.constant 9712 : index
    %swap3A_1822 = vector.load %arg3[%swap3A_1820, %swap3A_1821] : memref<64x12800xf32, #tpu.memory_space<vmem>>, vector<64x16xf32>
    tpu.vector_store %arg3[%swap3A_1820, %swap3A_1821], %broadcast_in_dim3A_1819 {strides = array<i32>} : memref<64x12800xf32, #tpu.memory_space<vmem>>, vector<64x16xf32>,
    %get3A_1823 = arith.constant 0 : index
    %get3A_1824 = arith.constant 7296 : index
    %get3A_1825 = vector.load %arg1[%get3A_1823, %get3A_1824] : memref<64x9600xf32, #tpu.memory_space<vmem>>, vector<64x48xf32>
    %swap3A_1826 = arith.constant 0 : index
    %swap3A_1827 = arith.constant 9728 : index
    %swap3A_1828 = vector.load %arg3[%swap3A_1826, %swap3A_1827] : memref<64x12800xf32, #tpu.memory_space<vmem>>, vector<64x48xf32>
    tpu.vector_store %arg3[%swap3A_1826, %swap3A_1827], %get3A_1825 {strides = array<i32>} : memref<64x12800xf32, #tpu.memory_space<vmem>>, vector<64x48xf32>,
    %slice3A_1829 = vector.extract_strided_slice %get3A_1 {offsets = [76, 0], sizes = [1, 16], strides = [1, 1]} : vector<100x32xf32> to vector<1x16xf32>
    %broadcast_in_dim3A_1830 = vector.shape_cast %slice3A_1829 : vector<1x16xf32> to vector<1x16xf32>
    %broadcast_in_dim3A_1831 = vector.broadcast %broadcast_in_dim3A_1830 : vector<1x16xf32> to vector<64x16xf32>
    %swap3A_1832 = arith.constant 0 : index
    %swap3A_1833 = arith.constant 9776 : index
    %swap3A_1834 = vector.load %arg3[%swap3A_1832, %swap3A_1833] : memref<64x12800xf32, #tpu.memory_space<vmem>>, vector<64x16xf32>
    tpu.vector_store %arg3[%swap3A_1832, %swap3A_1833], %broadcast_in_dim3A_1831 {strides = array<i32>} : memref<64x12800xf32, #tpu.memory_space<vmem>>, vector<64x16xf32>,
    %get3A_1835 = arith.constant 0 : index
    %get3A_1836 = arith.constant 7344 : index
    %get3A_1837 = vector.load %arg1[%get3A_1835, %get3A_1836] : memref<64x9600xf32, #tpu.memory_space<vmem>>, vector<64x48xf32>
    %swap3A_1838 = arith.constant 0 : index
    %swap3A_1839 = arith.constant 9792 : index
    %swap3A_1840 = vector.load %arg3[%swap3A_1838, %swap3A_1839] : memref<64x12800xf32, #tpu.memory_space<vmem>>, vector<64x48xf32>
    tpu.vector_store %arg3[%swap3A_1838, %swap3A_1839], %get3A_1837 {strides = array<i32>} : memref<64x12800xf32, #tpu.memory_space<vmem>>, vector<64x48xf32>,
    %slice3A_1841 = vector.extract_strided_slice %get3A_1 {offsets = [76, 16], sizes = [1, 16], strides = [1, 1]} : vector<100x32xf32> to vector<1x16xf32>
    %broadcast_in_dim3A_1842 = vector.shape_cast %slice3A_1841 : vector<1x16xf32> to vector<1x16xf32>
    %broadcast_in_dim3A_1843 = vector.broadcast %broadcast_in_dim3A_1842 : vector<1x16xf32> to vector<64x16xf32>
    %swap3A_1844 = arith.constant 0 : index
    %swap3A_1845 = arith.constant 9840 : index
    %swap3A_1846 = vector.load %arg3[%swap3A_1844, %swap3A_1845] : memref<64x12800xf32, #tpu.memory_space<vmem>>, vector<64x16xf32>
    tpu.vector_store %arg3[%swap3A_1844, %swap3A_1845], %broadcast_in_dim3A_1843 {strides = array<i32>} : memref<64x12800xf32, #tpu.memory_space<vmem>>, vector<64x16xf32>,
    %get3A_1847 = arith.constant 0 : index
    %get3A_1848 = arith.constant 7392 : index
    %get3A_1849 = vector.load %arg1[%get3A_1847, %get3A_1848] : memref<64x9600xf32, #tpu.memory_space<vmem>>, vector<64x48xf32>
    %swap3A_1850 = arith.constant 0 : index
    %swap3A_1851 = arith.constant 9856 : index
    %swap3A_1852 = vector.load %arg3[%swap3A_1850, %swap3A_1851] : memref<64x12800xf32, #tpu.memory_space<vmem>>, vector<64x48xf32>
    tpu.vector_store %arg3[%swap3A_1850, %swap3A_1851], %get3A_1849 {strides = array<i32>} : memref<64x12800xf32, #tpu.memory_space<vmem>>, vector<64x48xf32>,
    %slice3A_1853 = vector.extract_strided_slice %get3A_1 {offsets = [77, 0], sizes = [1, 16], strides = [1, 1]} : vector<100x32xf32> to vector<1x16xf32>
    %broadcast_in_dim3A_1854 = vector.shape_cast %slice3A_1853 : vector<1x16xf32> to vector<1x16xf32>
    %broadcast_in_dim3A_1855 = vector.broadcast %broadcast_in_dim3A_1854 : vector<1x16xf32> to vector<64x16xf32>
    %swap3A_1856 = arith.constant 0 : index
    %swap3A_1857 = arith.constant 9904 : index
    %swap3A_1858 = vector.load %arg3[%swap3A_1856, %swap3A_1857] : memref<64x12800xf32, #tpu.memory_space<vmem>>, vector<64x16xf32>
    tpu.vector_store %arg3[%swap3A_1856, %swap3A_1857], %broadcast_in_dim3A_1855 {strides = array<i32>} : memref<64x12800xf32, #tpu.memory_space<vmem>>, vector<64x16xf32>,
    %get3A_1859 = arith.constant 0 : index
    %get3A_1860 = arith.constant 7440 : index
    %get3A_1861 = vector.load %arg1[%get3A_1859, %get3A_1860] : memref<64x9600xf32, #tpu.memory_space<vmem>>, vector<64x48xf32>
    %swap3A_1862 = arith.constant 0 : index
    %swap3A_1863 = arith.constant 9920 : index
    %swap3A_1864 = vector.load %arg3[%swap3A_1862, %swap3A_1863] : memref<64x12800xf32, #tpu.memory_space<vmem>>, vector<64x48xf32>
    tpu.vector_store %arg3[%swap3A_1862, %swap3A_1863], %get3A_1861 {strides = array<i32>} : memref<64x12800xf32, #tpu.memory_space<vmem>>, vector<64x48xf32>,
    %slice3A_1865 = vector.extract_strided_slice %get3A_1 {offsets = [77, 16], sizes = [1, 16], strides = [1, 1]} : vector<100x32xf32> to vector<1x16xf32>
    %broadcast_in_dim3A_1866 = vector.shape_cast %slice3A_1865 : vector<1x16xf32> to vector<1x16xf32>
    %broadcast_in_dim3A_1867 = vector.broadcast %broadcast_in_dim3A_1866 : vector<1x16xf32> to vector<64x16xf32>
    %swap3A_1868 = arith.constant 0 : index
    %swap3A_1869 = arith.constant 9968 : index
    %swap3A_1870 = vector.load %arg3[%swap3A_1868, %swap3A_1869] : memref<64x12800xf32, #tpu.memory_space<vmem>>, vector<64x16xf32>
    tpu.vector_store %arg3[%swap3A_1868, %swap3A_1869], %broadcast_in_dim3A_1867 {strides = array<i32>} : memref<64x12800xf32, #tpu.memory_space<vmem>>, vector<64x16xf32>,
    %get3A_1871 = arith.constant 0 : index
    %get3A_1872 = arith.constant 7488 : index
    %get3A_1873 = vector.load %arg1[%get3A_1871, %get3A_1872] : memref<64x9600xf32, #tpu.memory_space<vmem>>, vector<64x48xf32>
    %swap3A_1874 = arith.constant 0 : index
    %swap3A_1875 = arith.constant 9984 : index
    %swap3A_1876 = vector.load %arg3[%swap3A_1874, %swap3A_1875] : memref<64x12800xf32, #tpu.memory_space<vmem>>, vector<64x48xf32>
    tpu.vector_store %arg3[%swap3A_1874, %swap3A_1875], %get3A_1873 {strides = array<i32>} : memref<64x12800xf32, #tpu.memory_space<vmem>>, vector<64x48xf32>,
    %slice3A_1877 = vector.extract_strided_slice %get3A_1 {offsets = [78, 0], sizes = [1, 16], strides = [1, 1]} : vector<100x32xf32> to vector<1x16xf32>
    %broadcast_in_dim3A_1878 = vector.shape_cast %slice3A_1877 : vector<1x16xf32> to vector<1x16xf32>
    %broadcast_in_dim3A_1879 = vector.broadcast %broadcast_in_dim3A_1878 : vector<1x16xf32> to vector<64x16xf32>
    %swap3A_1880 = arith.constant 0 : index
    %swap3A_1881 = arith.constant 10032 : index
    %swap3A_1882 = vector.load %arg3[%swap3A_1880, %swap3A_1881] : memref<64x12800xf32, #tpu.memory_space<vmem>>, vector<64x16xf32>
    tpu.vector_store %arg3[%swap3A_1880, %swap3A_1881], %broadcast_in_dim3A_1879 {strides = array<i32>} : memref<64x12800xf32, #tpu.memory_space<vmem>>, vector<64x16xf32>,
    %get3A_1883 = arith.constant 0 : index
    %get3A_1884 = arith.constant 7536 : index
    %get3A_1885 = vector.load %arg1[%get3A_1883, %get3A_1884] : memref<64x9600xf32, #tpu.memory_space<vmem>>, vector<64x48xf32>
    %swap3A_1886 = arith.constant 0 : index
    %swap3A_1887 = arith.constant 10048 : index
    %swap3A_1888 = vector.load %arg3[%swap3A_1886, %swap3A_1887] : memref<64x12800xf32, #tpu.memory_space<vmem>>, vector<64x48xf32>
    tpu.vector_store %arg3[%swap3A_1886, %swap3A_1887], %get3A_1885 {strides = array<i32>} : memref<64x12800xf32, #tpu.memory_space<vmem>>, vector<64x48xf32>,
    %slice3A_1889 = vector.extract_strided_slice %get3A_1 {offsets = [78, 16], sizes = [1, 16], strides = [1, 1]} : vector<100x32xf32> to vector<1x16xf32>
    %broadcast_in_dim3A_1890 = vector.shape_cast %slice3A_1889 : vector<1x16xf32> to vector<1x16xf32>
    %broadcast_in_dim3A_1891 = vector.broadcast %broadcast_in_dim3A_1890 : vector<1x16xf32> to vector<64x16xf32>
    %swap3A_1892 = arith.constant 0 : index
    %swap3A_1893 = arith.constant 10096 : index
    %swap3A_1894 = vector.load %arg3[%swap3A_1892, %swap3A_1893] : memref<64x12800xf32, #tpu.memory_space<vmem>>, vector<64x16xf32>
    tpu.vector_store %arg3[%swap3A_1892, %swap3A_1893], %broadcast_in_dim3A_1891 {strides = array<i32>} : memref<64x12800xf32, #tpu.memory_space<vmem>>, vector<64x16xf32>,
    %get3A_1895 = arith.constant 0 : index
    %get3A_1896 = arith.constant 7584 : index
    %get3A_1897 = vector.load %arg1[%get3A_1895, %get3A_1896] : memref<64x9600xf32, #tpu.memory_space<vmem>>, vector<64x48xf32>
    %swap3A_1898 = arith.constant 0 : index
    %swap3A_1899 = arith.constant 10112 : index
    %swap3A_1900 = vector.load %arg3[%swap3A_1898, %swap3A_1899] : memref<64x12800xf32, #tpu.memory_space<vmem>>, vector<64x48xf32>
    tpu.vector_store %arg3[%swap3A_1898, %swap3A_1899], %get3A_1897 {strides = array<i32>} : memref<64x12800xf32, #tpu.memory_space<vmem>>, vector<64x48xf32>,
    %slice3A_1901 = vector.extract_strided_slice %get3A_1 {offsets = [79, 0], sizes = [1, 16], strides = [1, 1]} : vector<100x32xf32> to vector<1x16xf32>
    %broadcast_in_dim3A_1902 = vector.shape_cast %slice3A_1901 : vector<1x16xf32> to vector<1x16xf32>
    %broadcast_in_dim3A_1903 = vector.broadcast %broadcast_in_dim3A_1902 : vector<1x16xf32> to vector<64x16xf32>
    %swap3A_1904 = arith.constant 0 : index
    %swap3A_1905 = arith.constant 10160 : index
    %swap3A_1906 = vector.load %arg3[%swap3A_1904, %swap3A_1905] : memref<64x12800xf32, #tpu.memory_space<vmem>>, vector<64x16xf32>
    tpu.vector_store %arg3[%swap3A_1904, %swap3A_1905], %broadcast_in_dim3A_1903 {strides = array<i32>} : memref<64x12800xf32, #tpu.memory_space<vmem>>, vector<64x16xf32>,
    %get3A_1907 = arith.constant 0 : index
    %get3A_1908 = arith.constant 7632 : index
    %get3A_1909 = vector.load %arg1[%get3A_1907, %get3A_1908] : memref<64x9600xf32, #tpu.memory_space<vmem>>, vector<64x48xf32>
    %swap3A_1910 = arith.constant 0 : index
    %swap3A_1911 = arith.constant 10176 : index
    %swap3A_1912 = vector.load %arg3[%swap3A_1910, %swap3A_1911] : memref<64x12800xf32, #tpu.memory_space<vmem>>, vector<64x48xf32>
    tpu.vector_store %arg3[%swap3A_1910, %swap3A_1911], %get3A_1909 {strides = array<i32>} : memref<64x12800xf32, #tpu.memory_space<vmem>>, vector<64x48xf32>,
    %slice3A_1913 = vector.extract_strided_slice %get3A_1 {offsets = [79, 16], sizes = [1, 16], strides = [1, 1]} : vector<100x32xf32> to vector<1x16xf32>
    %broadcast_in_dim3A_1914 = vector.shape_cast %slice3A_1913 : vector<1x16xf32> to vector<1x16xf32>
    %broadcast_in_dim3A_1915 = vector.broadcast %broadcast_in_dim3A_1914 : vector<1x16xf32> to vector<64x16xf32>
    %swap3A_1916 = arith.constant 0 : index
    %swap3A_1917 = arith.constant 10224 : index
    %swap3A_1918 = vector.load %arg3[%swap3A_1916, %swap3A_1917] : memref<64x12800xf32, #tpu.memory_space<vmem>>, vector<64x16xf32>
    tpu.vector_store %arg3[%swap3A_1916, %swap3A_1917], %broadcast_in_dim3A_1915 {strides = array<i32>} : memref<64x12800xf32, #tpu.memory_space<vmem>>, vector<64x16xf32>,
    %get3A_1919 = arith.constant 0 : index
    %get3A_1920 = arith.constant 7680 : index
    %get3A_1921 = vector.load %arg1[%get3A_1919, %get3A_1920] : memref<64x9600xf32, #tpu.memory_space<vmem>>, vector<64x48xf32>
    %swap3A_1922 = arith.constant 0 : index
    %swap3A_1923 = arith.constant 10240 : index
    %swap3A_1924 = vector.load %arg3[%swap3A_1922, %swap3A_1923] : memref<64x12800xf32, #tpu.memory_space<vmem>>, vector<64x48xf32>
    tpu.vector_store %arg3[%swap3A_1922, %swap3A_1923], %get3A_1921 {strides = array<i32>} : memref<64x12800xf32, #tpu.memory_space<vmem>>, vector<64x48xf32>,
    %slice3A_1925 = vector.extract_strided_slice %get3A_1 {offsets = [80, 0], sizes = [1, 16], strides = [1, 1]} : vector<100x32xf32> to vector<1x16xf32>
    %broadcast_in_dim3A_1926 = vector.shape_cast %slice3A_1925 : vector<1x16xf32> to vector<1x16xf32>
    %broadcast_in_dim3A_1927 = vector.broadcast %broadcast_in_dim3A_1926 : vector<1x16xf32> to vector<64x16xf32>
    %swap3A_1928 = arith.constant 0 : index
    %swap3A_1929 = arith.constant 10288 : index
    %swap3A_1930 = vector.load %arg3[%swap3A_1928, %swap3A_1929] : memref<64x12800xf32, #tpu.memory_space<vmem>>, vector<64x16xf32>
    tpu.vector_store %arg3[%swap3A_1928, %swap3A_1929], %broadcast_in_dim3A_1927 {strides = array<i32>} : memref<64x12800xf32, #tpu.memory_space<vmem>>, vector<64x16xf32>,
    %get3A_1931 = arith.constant 0 : index
    %get3A_1932 = arith.constant 7728 : index
    %get3A_1933 = vector.load %arg1[%get3A_1931, %get3A_1932] : memref<64x9600xf32, #tpu.memory_space<vmem>>, vector<64x48xf32>
    %swap3A_1934 = arith.constant 0 : index
    %swap3A_1935 = arith.constant 10304 : index
    %swap3A_1936 = vector.load %arg3[%swap3A_1934, %swap3A_1935] : memref<64x12800xf32, #tpu.memory_space<vmem>>, vector<64x48xf32>
    tpu.vector_store %arg3[%swap3A_1934, %swap3A_1935], %get3A_1933 {strides = array<i32>} : memref<64x12800xf32, #tpu.memory_space<vmem>>, vector<64x48xf32>,
    %slice3A_1937 = vector.extract_strided_slice %get3A_1 {offsets = [80, 16], sizes = [1, 16], strides = [1, 1]} : vector<100x32xf32> to vector<1x16xf32>
    %broadcast_in_dim3A_1938 = vector.shape_cast %slice3A_1937 : vector<1x16xf32> to vector<1x16xf32>
    %broadcast_in_dim3A_1939 = vector.broadcast %broadcast_in_dim3A_1938 : vector<1x16xf32> to vector<64x16xf32>
    %swap3A_1940 = arith.constant 0 : index
    %swap3A_1941 = arith.constant 10352 : index
    %swap3A_1942 = vector.load %arg3[%swap3A_1940, %swap3A_1941] : memref<64x12800xf32, #tpu.memory_space<vmem>>, vector<64x16xf32>
    tpu.vector_store %arg3[%swap3A_1940, %swap3A_1941], %broadcast_in_dim3A_1939 {strides = array<i32>} : memref<64x12800xf32, #tpu.memory_space<vmem>>, vector<64x16xf32>,
    %get3A_1943 = arith.constant 0 : index
    %get3A_1944 = arith.constant 7776 : index
    %get3A_1945 = vector.load %arg1[%get3A_1943, %get3A_1944] : memref<64x9600xf32, #tpu.memory_space<vmem>>, vector<64x48xf32>
    %swap3A_1946 = arith.constant 0 : index
    %swap3A_1947 = arith.constant 10368 : index
    %swap3A_1948 = vector.load %arg3[%swap3A_1946, %swap3A_1947] : memref<64x12800xf32, #tpu.memory_space<vmem>>, vector<64x48xf32>
    tpu.vector_store %arg3[%swap3A_1946, %swap3A_1947], %get3A_1945 {strides = array<i32>} : memref<64x12800xf32, #tpu.memory_space<vmem>>, vector<64x48xf32>,
    %slice3A_1949 = vector.extract_strided_slice %get3A_1 {offsets = [81, 0], sizes = [1, 16], strides = [1, 1]} : vector<100x32xf32> to vector<1x16xf32>
    %broadcast_in_dim3A_1950 = vector.shape_cast %slice3A_1949 : vector<1x16xf32> to vector<1x16xf32>
    %broadcast_in_dim3A_1951 = vector.broadcast %broadcast_in_dim3A_1950 : vector<1x16xf32> to vector<64x16xf32>
    %swap3A_1952 = arith.constant 0 : index
    %swap3A_1953 = arith.constant 10416 : index
    %swap3A_1954 = vector.load %arg3[%swap3A_1952, %swap3A_1953] : memref<64x12800xf32, #tpu.memory_space<vmem>>, vector<64x16xf32>
    tpu.vector_store %arg3[%swap3A_1952, %swap3A_1953], %broadcast_in_dim3A_1951 {strides = array<i32>} : memref<64x12800xf32, #tpu.memory_space<vmem>>, vector<64x16xf32>,
    %get3A_1955 = arith.constant 0 : index
    %get3A_1956 = arith.constant 7824 : index
    %get3A_1957 = vector.load %arg1[%get3A_1955, %get3A_1956] : memref<64x9600xf32, #tpu.memory_space<vmem>>, vector<64x48xf32>
    %swap3A_1958 = arith.constant 0 : index
    %swap3A_1959 = arith.constant 10432 : index
    %swap3A_1960 = vector.load %arg3[%swap3A_1958, %swap3A_1959] : memref<64x12800xf32, #tpu.memory_space<vmem>>, vector<64x48xf32>
    tpu.vector_store %arg3[%swap3A_1958, %swap3A_1959], %get3A_1957 {strides = array<i32>} : memref<64x12800xf32, #tpu.memory_space<vmem>>, vector<64x48xf32>,
    %slice3A_1961 = vector.extract_strided_slice %get3A_1 {offsets = [81, 16], sizes = [1, 16], strides = [1, 1]} : vector<100x32xf32> to vector<1x16xf32>
    %broadcast_in_dim3A_1962 = vector.shape_cast %slice3A_1961 : vector<1x16xf32> to vector<1x16xf32>
    %broadcast_in_dim3A_1963 = vector.broadcast %broadcast_in_dim3A_1962 : vector<1x16xf32> to vector<64x16xf32>
    %swap3A_1964 = arith.constant 0 : index
    %swap3A_1965 = arith.constant 10480 : index
    %swap3A_1966 = vector.load %arg3[%swap3A_1964, %swap3A_1965] : memref<64x12800xf32, #tpu.memory_space<vmem>>, vector<64x16xf32>
    tpu.vector_store %arg3[%swap3A_1964, %swap3A_1965], %broadcast_in_dim3A_1963 {strides = array<i32>} : memref<64x12800xf32, #tpu.memory_space<vmem>>, vector<64x16xf32>,
    %get3A_1967 = arith.constant 0 : index
    %get3A_1968 = arith.constant 7872 : index
    %get3A_1969 = vector.load %arg1[%get3A_1967, %get3A_1968] : memref<64x9600xf32, #tpu.memory_space<vmem>>, vector<64x48xf32>
    %swap3A_1970 = arith.constant 0 : index
    %swap3A_1971 = arith.constant 10496 : index
    %swap3A_1972 = vector.load %arg3[%swap3A_1970, %swap3A_1971] : memref<64x12800xf32, #tpu.memory_space<vmem>>, vector<64x48xf32>
    tpu.vector_store %arg3[%swap3A_1970, %swap3A_1971], %get3A_1969 {strides = array<i32>} : memref<64x12800xf32, #tpu.memory_space<vmem>>, vector<64x48xf32>,
    %slice3A_1973 = vector.extract_strided_slice %get3A_1 {offsets = [82, 0], sizes = [1, 16], strides = [1, 1]} : vector<100x32xf32> to vector<1x16xf32>
    %broadcast_in_dim3A_1974 = vector.shape_cast %slice3A_1973 : vector<1x16xf32> to vector<1x16xf32>
    %broadcast_in_dim3A_1975 = vector.broadcast %broadcast_in_dim3A_1974 : vector<1x16xf32> to vector<64x16xf32>
    %swap3A_1976 = arith.constant 0 : index
    %swap3A_1977 = arith.constant 10544 : index
    %swap3A_1978 = vector.load %arg3[%swap3A_1976, %swap3A_1977] : memref<64x12800xf32, #tpu.memory_space<vmem>>, vector<64x16xf32>
    tpu.vector_store %arg3[%swap3A_1976, %swap3A_1977], %broadcast_in_dim3A_1975 {strides = array<i32>} : memref<64x12800xf32, #tpu.memory_space<vmem>>, vector<64x16xf32>,
    %get3A_1979 = arith.constant 0 : index
    %get3A_1980 = arith.constant 7920 : index
    %get3A_1981 = vector.load %arg1[%get3A_1979, %get3A_1980] : memref<64x9600xf32, #tpu.memory_space<vmem>>, vector<64x48xf32>
    %swap3A_1982 = arith.constant 0 : index
    %swap3A_1983 = arith.constant 10560 : index
    %swap3A_1984 = vector.load %arg3[%swap3A_1982, %swap3A_1983] : memref<64x12800xf32, #tpu.memory_space<vmem>>, vector<64x48xf32>
    tpu.vector_store %arg3[%swap3A_1982, %swap3A_1983], %get3A_1981 {strides = array<i32>} : memref<64x12800xf32, #tpu.memory_space<vmem>>, vector<64x48xf32>,
    %slice3A_1985 = vector.extract_strided_slice %get3A_1 {offsets = [82, 16], sizes = [1, 16], strides = [1, 1]} : vector<100x32xf32> to vector<1x16xf32>
    %broadcast_in_dim3A_1986 = vector.shape_cast %slice3A_1985 : vector<1x16xf32> to vector<1x16xf32>
    %broadcast_in_dim3A_1987 = vector.broadcast %broadcast_in_dim3A_1986 : vector<1x16xf32> to vector<64x16xf32>
    %swap3A_1988 = arith.constant 0 : index
    %swap3A_1989 = arith.constant 10608 : index
    %swap3A_1990 = vector.load %arg3[%swap3A_1988, %swap3A_1989] : memref<64x12800xf32, #tpu.memory_space<vmem>>, vector<64x16xf32>
    tpu.vector_store %arg3[%swap3A_1988, %swap3A_1989], %broadcast_in_dim3A_1987 {strides = array<i32>} : memref<64x12800xf32, #tpu.memory_space<vmem>>, vector<64x16xf32>,
    %get3A_1991 = arith.constant 0 : index
    %get3A_1992 = arith.constant 7968 : index
    %get3A_1993 = vector.load %arg1[%get3A_1991, %get3A_1992] : memref<64x9600xf32, #tpu.memory_space<vmem>>, vector<64x48xf32>
    %swap3A_1994 = arith.constant 0 : index
    %swap3A_1995 = arith.constant 10624 : index
    %swap3A_1996 = vector.load %arg3[%swap3A_1994, %swap3A_1995] : memref<64x12800xf32, #tpu.memory_space<vmem>>, vector<64x48xf32>
    tpu.vector_store %arg3[%swap3A_1994, %swap3A_1995], %get3A_1993 {strides = array<i32>} : memref<64x12800xf32, #tpu.memory_space<vmem>>, vector<64x48xf32>,
    %slice3A_1997 = vector.extract_strided_slice %get3A_1 {offsets = [83, 0], sizes = [1, 16], strides = [1, 1]} : vector<100x32xf32> to vector<1x16xf32>
    %broadcast_in_dim3A_1998 = vector.shape_cast %slice3A_1997 : vector<1x16xf32> to vector<1x16xf32>
    %broadcast_in_dim3A_1999 = vector.broadcast %broadcast_in_dim3A_1998 : vector<1x16xf32> to vector<64x16xf32>
    %swap3A_2000 = arith.constant 0 : index
    %swap3A_2001 = arith.constant 10672 : index
    %swap3A_2002 = vector.load %arg3[%swap3A_2000, %swap3A_2001] : memref<64x12800xf32, #tpu.memory_space<vmem>>, vector<64x16xf32>
    tpu.vector_store %arg3[%swap3A_2000, %swap3A_2001], %broadcast_in_dim3A_1999 {strides = array<i32>} : memref<64x12800xf32, #tpu.memory_space<vmem>>, vector<64x16xf32>,
    %get3A_2003 = arith.constant 0 : index
    %get3A_2004 = arith.constant 8016 : index
    %get3A_2005 = vector.load %arg1[%get3A_2003, %get3A_2004] : memref<64x9600xf32, #tpu.memory_space<vmem>>, vector<64x48xf32>
    %swap3A_2006 = arith.constant 0 : index
    %swap3A_2007 = arith.constant 10688 : index
    %swap3A_2008 = vector.load %arg3[%swap3A_2006, %swap3A_2007] : memref<64x12800xf32, #tpu.memory_space<vmem>>, vector<64x48xf32>
    tpu.vector_store %arg3[%swap3A_2006, %swap3A_2007], %get3A_2005 {strides = array<i32>} : memref<64x12800xf32, #tpu.memory_space<vmem>>, vector<64x48xf32>,
    %slice3A_2009 = vector.extract_strided_slice %get3A_1 {offsets = [83, 16], sizes = [1, 16], strides = [1, 1]} : vector<100x32xf32> to vector<1x16xf32>
    %broadcast_in_dim3A_2010 = vector.shape_cast %slice3A_2009 : vector<1x16xf32> to vector<1x16xf32>
    %broadcast_in_dim3A_2011 = vector.broadcast %broadcast_in_dim3A_2010 : vector<1x16xf32> to vector<64x16xf32>
    %swap3A_2012 = arith.constant 0 : index
    %swap3A_2013 = arith.constant 10736 : index
    %swap3A_2014 = vector.load %arg3[%swap3A_2012, %swap3A_2013] : memref<64x12800xf32, #tpu.memory_space<vmem>>, vector<64x16xf32>
    tpu.vector_store %arg3[%swap3A_2012, %swap3A_2013], %broadcast_in_dim3A_2011 {strides = array<i32>} : memref<64x12800xf32, #tpu.memory_space<vmem>>, vector<64x16xf32>,
    %get3A_2015 = arith.constant 0 : index
    %get3A_2016 = arith.constant 8064 : index
    %get3A_2017 = vector.load %arg1[%get3A_2015, %get3A_2016] : memref<64x9600xf32, #tpu.memory_space<vmem>>, vector<64x48xf32>
    %swap3A_2018 = arith.constant 0 : index
    %swap3A_2019 = arith.constant 10752 : index
    %swap3A_2020 = vector.load %arg3[%swap3A_2018, %swap3A_2019] : memref<64x12800xf32, #tpu.memory_space<vmem>>, vector<64x48xf32>
    tpu.vector_store %arg3[%swap3A_2018, %swap3A_2019], %get3A_2017 {strides = array<i32>} : memref<64x12800xf32, #tpu.memory_space<vmem>>, vector<64x48xf32>,
    %slice3A_2021 = vector.extract_strided_slice %get3A_1 {offsets = [84, 0], sizes = [1, 16], strides = [1, 1]} : vector<100x32xf32> to vector<1x16xf32>
    %broadcast_in_dim3A_2022 = vector.shape_cast %slice3A_2021 : vector<1x16xf32> to vector<1x16xf32>
    %broadcast_in_dim3A_2023 = vector.broadcast %broadcast_in_dim3A_2022 : vector<1x16xf32> to vector<64x16xf32>
    %swap3A_2024 = arith.constant 0 : index
    %swap3A_2025 = arith.constant 10800 : index
    %swap3A_2026 = vector.load %arg3[%swap3A_2024, %swap3A_2025] : memref<64x12800xf32, #tpu.memory_space<vmem>>, vector<64x16xf32>
    tpu.vector_store %arg3[%swap3A_2024, %swap3A_2025], %broadcast_in_dim3A_2023 {strides = array<i32>} : memref<64x12800xf32, #tpu.memory_space<vmem>>, vector<64x16xf32>,
    %get3A_2027 = arith.constant 0 : index
    %get3A_2028 = arith.constant 8112 : index
    %get3A_2029 = vector.load %arg1[%get3A_2027, %get3A_2028] : memref<64x9600xf32, #tpu.memory_space<vmem>>, vector<64x48xf32>
    %swap3A_2030 = arith.constant 0 : index
    %swap3A_2031 = arith.constant 10816 : index
    %swap3A_2032 = vector.load %arg3[%swap3A_2030, %swap3A_2031] : memref<64x12800xf32, #tpu.memory_space<vmem>>, vector<64x48xf32>
    tpu.vector_store %arg3[%swap3A_2030, %swap3A_2031], %get3A_2029 {strides = array<i32>} : memref<64x12800xf32, #tpu.memory_space<vmem>>, vector<64x48xf32>,
    %slice3A_2033 = vector.extract_strided_slice %get3A_1 {offsets = [84, 16], sizes = [1, 16], strides = [1, 1]} : vector<100x32xf32> to vector<1x16xf32>
    %broadcast_in_dim3A_2034 = vector.shape_cast %slice3A_2033 : vector<1x16xf32> to vector<1x16xf32>
    %broadcast_in_dim3A_2035 = vector.broadcast %broadcast_in_dim3A_2034 : vector<1x16xf32> to vector<64x16xf32>
    %swap3A_2036 = arith.constant 0 : index
    %swap3A_2037 = arith.constant 10864 : index
    %swap3A_2038 = vector.load %arg3[%swap3A_2036, %swap3A_2037] : memref<64x12800xf32, #tpu.memory_space<vmem>>, vector<64x16xf32>
    tpu.vector_store %arg3[%swap3A_2036, %swap3A_2037], %broadcast_in_dim3A_2035 {strides = array<i32>} : memref<64x12800xf32, #tpu.memory_space<vmem>>, vector<64x16xf32>,
    %get3A_2039 = arith.constant 0 : index
    %get3A_2040 = arith.constant 8160 : index
    %get3A_2041 = vector.load %arg1[%get3A_2039, %get3A_2040] : memref<64x9600xf32, #tpu.memory_space<vmem>>, vector<64x48xf32>
    %swap3A_2042 = arith.constant 0 : index
    %swap3A_2043 = arith.constant 10880 : index
    %swap3A_2044 = vector.load %arg3[%swap3A_2042, %swap3A_2043] : memref<64x12800xf32, #tpu.memory_space<vmem>>, vector<64x48xf32>
    tpu.vector_store %arg3[%swap3A_2042, %swap3A_2043], %get3A_2041 {strides = array<i32>} : memref<64x12800xf32, #tpu.memory_space<vmem>>, vector<64x48xf32>,
    %slice3A_2045 = vector.extract_strided_slice %get3A_1 {offsets = [85, 0], sizes = [1, 16], strides = [1, 1]} : vector<100x32xf32> to vector<1x16xf32>
    %broadcast_in_dim3A_2046 = vector.shape_cast %slice3A_2045 : vector<1x16xf32> to vector<1x16xf32>
    %broadcast_in_dim3A_2047 = vector.broadcast %broadcast_in_dim3A_2046 : vector<1x16xf32> to vector<64x16xf32>
    %swap3A_2048 = arith.constant 0 : index
    %swap3A_2049 = arith.constant 10928 : index
    %swap3A_2050 = vector.load %arg3[%swap3A_2048, %swap3A_2049] : memref<64x12800xf32, #tpu.memory_space<vmem>>, vector<64x16xf32>
    tpu.vector_store %arg3[%swap3A_2048, %swap3A_2049], %broadcast_in_dim3A_2047 {strides = array<i32>} : memref<64x12800xf32, #tpu.memory_space<vmem>>, vector<64x16xf32>,
    %get3A_2051 = arith.constant 0 : index
    %get3A_2052 = arith.constant 8208 : index
    %get3A_2053 = vector.load %arg1[%get3A_2051, %get3A_2052] : memref<64x9600xf32, #tpu.memory_space<vmem>>, vector<64x48xf32>
    %swap3A_2054 = arith.constant 0 : index
    %swap3A_2055 = arith.constant 10944 : index
    %swap3A_2056 = vector.load %arg3[%swap3A_2054, %swap3A_2055] : memref<64x12800xf32, #tpu.memory_space<vmem>>, vector<64x48xf32>
    tpu.vector_store %arg3[%swap3A_2054, %swap3A_2055], %get3A_2053 {strides = array<i32>} : memref<64x12800xf32, #tpu.memory_space<vmem>>, vector<64x48xf32>,
    %slice3A_2057 = vector.extract_strided_slice %get3A_1 {offsets = [85, 16], sizes = [1, 16], strides = [1, 1]} : vector<100x32xf32> to vector<1x16xf32>
    %broadcast_in_dim3A_2058 = vector.shape_cast %slice3A_2057 : vector<1x16xf32> to vector<1x16xf32>
    %broadcast_in_dim3A_2059 = vector.broadcast %broadcast_in_dim3A_2058 : vector<1x16xf32> to vector<64x16xf32>
    %swap3A_2060 = arith.constant 0 : index
    %swap3A_2061 = arith.constant 10992 : index
    %swap3A_2062 = vector.load %arg3[%swap3A_2060, %swap3A_2061] : memref<64x12800xf32, #tpu.memory_space<vmem>>, vector<64x16xf32>
    tpu.vector_store %arg3[%swap3A_2060, %swap3A_2061], %broadcast_in_dim3A_2059 {strides = array<i32>} : memref<64x12800xf32, #tpu.memory_space<vmem>>, vector<64x16xf32>,
    %get3A_2063 = arith.constant 0 : index
    %get3A_2064 = arith.constant 8256 : index
    %get3A_2065 = vector.load %arg1[%get3A_2063, %get3A_2064] : memref<64x9600xf32, #tpu.memory_space<vmem>>, vector<64x48xf32>
    %swap3A_2066 = arith.constant 0 : index
    %swap3A_2067 = arith.constant 11008 : index
    %swap3A_2068 = vector.load %arg3[%swap3A_2066, %swap3A_2067] : memref<64x12800xf32, #tpu.memory_space<vmem>>, vector<64x48xf32>
    tpu.vector_store %arg3[%swap3A_2066, %swap3A_2067], %get3A_2065 {strides = array<i32>} : memref<64x12800xf32, #tpu.memory_space<vmem>>, vector<64x48xf32>,
    %slice3A_2069 = vector.extract_strided_slice %get3A_1 {offsets = [86, 0], sizes = [1, 16], strides = [1, 1]} : vector<100x32xf32> to vector<1x16xf32>
    %broadcast_in_dim3A_2070 = vector.shape_cast %slice3A_2069 : vector<1x16xf32> to vector<1x16xf32>
    %broadcast_in_dim3A_2071 = vector.broadcast %broadcast_in_dim3A_2070 : vector<1x16xf32> to vector<64x16xf32>
    %swap3A_2072 = arith.constant 0 : index
    %swap3A_2073 = arith.constant 11056 : index
    %swap3A_2074 = vector.load %arg3[%swap3A_2072, %swap3A_2073] : memref<64x12800xf32, #tpu.memory_space<vmem>>, vector<64x16xf32>
    tpu.vector_store %arg3[%swap3A_2072, %swap3A_2073], %broadcast_in_dim3A_2071 {strides = array<i32>} : memref<64x12800xf32, #tpu.memory_space<vmem>>, vector<64x16xf32>,
    %get3A_2075 = arith.constant 0 : index
    %get3A_2076 = arith.constant 8304 : index
    %get3A_2077 = vector.load %arg1[%get3A_2075, %get3A_2076] : memref<64x9600xf32, #tpu.memory_space<vmem>>, vector<64x48xf32>
    %swap3A_2078 = arith.constant 0 : index
    %swap3A_2079 = arith.constant 11072 : index
    %swap3A_2080 = vector.load %arg3[%swap3A_2078, %swap3A_2079] : memref<64x12800xf32, #tpu.memory_space<vmem>>, vector<64x48xf32>
    tpu.vector_store %arg3[%swap3A_2078, %swap3A_2079], %get3A_2077 {strides = array<i32>} : memref<64x12800xf32, #tpu.memory_space<vmem>>, vector<64x48xf32>,
    %slice3A_2081 = vector.extract_strided_slice %get3A_1 {offsets = [86, 16], sizes = [1, 16], strides = [1, 1]} : vector<100x32xf32> to vector<1x16xf32>
    %broadcast_in_dim3A_2082 = vector.shape_cast %slice3A_2081 : vector<1x16xf32> to vector<1x16xf32>
    %broadcast_in_dim3A_2083 = vector.broadcast %broadcast_in_dim3A_2082 : vector<1x16xf32> to vector<64x16xf32>
    %swap3A_2084 = arith.constant 0 : index
    %swap3A_2085 = arith.constant 11120 : index
    %swap3A_2086 = vector.load %arg3[%swap3A_2084, %swap3A_2085] : memref<64x12800xf32, #tpu.memory_space<vmem>>, vector<64x16xf32>
    tpu.vector_store %arg3[%swap3A_2084, %swap3A_2085], %broadcast_in_dim3A_2083 {strides = array<i32>} : memref<64x12800xf32, #tpu.memory_space<vmem>>, vector<64x16xf32>,
    %get3A_2087 = arith.constant 0 : index
    %get3A_2088 = arith.constant 8352 : index
    %get3A_2089 = vector.load %arg1[%get3A_2087, %get3A_2088] : memref<64x9600xf32, #tpu.memory_space<vmem>>, vector<64x48xf32>
    %swap3A_2090 = arith.constant 0 : index
    %swap3A_2091 = arith.constant 11136 : index
    %swap3A_2092 = vector.load %arg3[%swap3A_2090, %swap3A_2091] : memref<64x12800xf32, #tpu.memory_space<vmem>>, vector<64x48xf32>
    tpu.vector_store %arg3[%swap3A_2090, %swap3A_2091], %get3A_2089 {strides = array<i32>} : memref<64x12800xf32, #tpu.memory_space<vmem>>, vector<64x48xf32>,
    %slice3A_2093 = vector.extract_strided_slice %get3A_1 {offsets = [87, 0], sizes = [1, 16], strides = [1, 1]} : vector<100x32xf32> to vector<1x16xf32>
    %broadcast_in_dim3A_2094 = vector.shape_cast %slice3A_2093 : vector<1x16xf32> to vector<1x16xf32>
    %broadcast_in_dim3A_2095 = vector.broadcast %broadcast_in_dim3A_2094 : vector<1x16xf32> to vector<64x16xf32>
    %swap3A_2096 = arith.constant 0 : index
    %swap3A_2097 = arith.constant 11184 : index
    %swap3A_2098 = vector.load %arg3[%swap3A_2096, %swap3A_2097] : memref<64x12800xf32, #tpu.memory_space<vmem>>, vector<64x16xf32>
    tpu.vector_store %arg3[%swap3A_2096, %swap3A_2097], %broadcast_in_dim3A_2095 {strides = array<i32>} : memref<64x12800xf32, #tpu.memory_space<vmem>>, vector<64x16xf32>,
    %get3A_2099 = arith.constant 0 : index
    %get3A_2100 = arith.constant 8400 : index
    %get3A_2101 = vector.load %arg1[%get3A_2099, %get3A_2100] : memref<64x9600xf32, #tpu.memory_space<vmem>>, vector<64x48xf32>
    %swap3A_2102 = arith.constant 0 : index
    %swap3A_2103 = arith.constant 11200 : index
    %swap3A_2104 = vector.load %arg3[%swap3A_2102, %swap3A_2103] : memref<64x12800xf32, #tpu.memory_space<vmem>>, vector<64x48xf32>
    tpu.vector_store %arg3[%swap3A_2102, %swap3A_2103], %get3A_2101 {strides = array<i32>} : memref<64x12800xf32, #tpu.memory_space<vmem>>, vector<64x48xf32>,
    %slice3A_2105 = vector.extract_strided_slice %get3A_1 {offsets = [87, 16], sizes = [1, 16], strides = [1, 1]} : vector<100x32xf32> to vector<1x16xf32>
    %broadcast_in_dim3A_2106 = vector.shape_cast %slice3A_2105 : vector<1x16xf32> to vector<1x16xf32>
    %broadcast_in_dim3A_2107 = vector.broadcast %broadcast_in_dim3A_2106 : vector<1x16xf32> to vector<64x16xf32>
    %swap3A_2108 = arith.constant 0 : index
    %swap3A_2109 = arith.constant 11248 : index
    %swap3A_2110 = vector.load %arg3[%swap3A_2108, %swap3A_2109] : memref<64x12800xf32, #tpu.memory_space<vmem>>, vector<64x16xf32>
    tpu.vector_store %arg3[%swap3A_2108, %swap3A_2109], %broadcast_in_dim3A_2107 {strides = array<i32>} : memref<64x12800xf32, #tpu.memory_space<vmem>>, vector<64x16xf32>,
    %get3A_2111 = arith.constant 0 : index
    %get3A_2112 = arith.constant 8448 : index
    %get3A_2113 = vector.load %arg1[%get3A_2111, %get3A_2112] : memref<64x9600xf32, #tpu.memory_space<vmem>>, vector<64x48xf32>
    %swap3A_2114 = arith.constant 0 : index
    %swap3A_2115 = arith.constant 11264 : index
    %swap3A_2116 = vector.load %arg3[%swap3A_2114, %swap3A_2115] : memref<64x12800xf32, #tpu.memory_space<vmem>>, vector<64x48xf32>
    tpu.vector_store %arg3[%swap3A_2114, %swap3A_2115], %get3A_2113 {strides = array<i32>} : memref<64x12800xf32, #tpu.memory_space<vmem>>, vector<64x48xf32>,
    %slice3A_2117 = vector.extract_strided_slice %get3A_1 {offsets = [88, 0], sizes = [1, 16], strides = [1, 1]} : vector<100x32xf32> to vector<1x16xf32>
    %broadcast_in_dim3A_2118 = vector.shape_cast %slice3A_2117 : vector<1x16xf32> to vector<1x16xf32>
    %broadcast_in_dim3A_2119 = vector.broadcast %broadcast_in_dim3A_2118 : vector<1x16xf32> to vector<64x16xf32>
    %swap3A_2120 = arith.constant 0 : index
    %swap3A_2121 = arith.constant 11312 : index
    %swap3A_2122 = vector.load %arg3[%swap3A_2120, %swap3A_2121] : memref<64x12800xf32, #tpu.memory_space<vmem>>, vector<64x16xf32>
    tpu.vector_store %arg3[%swap3A_2120, %swap3A_2121], %broadcast_in_dim3A_2119 {strides = array<i32>} : memref<64x12800xf32, #tpu.memory_space<vmem>>, vector<64x16xf32>,
    %get3A_2123 = arith.constant 0 : index
    %get3A_2124 = arith.constant 8496 : index
    %get3A_2125 = vector.load %arg1[%get3A_2123, %get3A_2124] : memref<64x9600xf32, #tpu.memory_space<vmem>>, vector<64x48xf32>
    %swap3A_2126 = arith.constant 0 : index
    %swap3A_2127 = arith.constant 11328 : index
    %swap3A_2128 = vector.load %arg3[%swap3A_2126, %swap3A_2127] : memref<64x12800xf32, #tpu.memory_space<vmem>>, vector<64x48xf32>
    tpu.vector_store %arg3[%swap3A_2126, %swap3A_2127], %get3A_2125 {strides = array<i32>} : memref<64x12800xf32, #tpu.memory_space<vmem>>, vector<64x48xf32>,
    %slice3A_2129 = vector.extract_strided_slice %get3A_1 {offsets = [88, 16], sizes = [1, 16], strides = [1, 1]} : vector<100x32xf32> to vector<1x16xf32>
    %broadcast_in_dim3A_2130 = vector.shape_cast %slice3A_2129 : vector<1x16xf32> to vector<1x16xf32>
    %broadcast_in_dim3A_2131 = vector.broadcast %broadcast_in_dim3A_2130 : vector<1x16xf32> to vector<64x16xf32>
    %swap3A_2132 = arith.constant 0 : index
    %swap3A_2133 = arith.constant 11376 : index
    %swap3A_2134 = vector.load %arg3[%swap3A_2132, %swap3A_2133] : memref<64x12800xf32, #tpu.memory_space<vmem>>, vector<64x16xf32>
    tpu.vector_store %arg3[%swap3A_2132, %swap3A_2133], %broadcast_in_dim3A_2131 {strides = array<i32>} : memref<64x12800xf32, #tpu.memory_space<vmem>>, vector<64x16xf32>,
    %get3A_2135 = arith.constant 0 : index
    %get3A_2136 = arith.constant 8544 : index
    %get3A_2137 = vector.load %arg1[%get3A_2135, %get3A_2136] : memref<64x9600xf32, #tpu.memory_space<vmem>>, vector<64x48xf32>
    %swap3A_2138 = arith.constant 0 : index
    %swap3A_2139 = arith.constant 11392 : index
    %swap3A_2140 = vector.load %arg3[%swap3A_2138, %swap3A_2139] : memref<64x12800xf32, #tpu.memory_space<vmem>>, vector<64x48xf32>
    tpu.vector_store %arg3[%swap3A_2138, %swap3A_2139], %get3A_2137 {strides = array<i32>} : memref<64x12800xf32, #tpu.memory_space<vmem>>, vector<64x48xf32>,
    %slice3A_2141 = vector.extract_strided_slice %get3A_1 {offsets = [89, 0], sizes = [1, 16], strides = [1, 1]} : vector<100x32xf32> to vector<1x16xf32>
    %broadcast_in_dim3A_2142 = vector.shape_cast %slice3A_2141 : vector<1x16xf32> to vector<1x16xf32>
    %broadcast_in_dim3A_2143 = vector.broadcast %broadcast_in_dim3A_2142 : vector<1x16xf32> to vector<64x16xf32>
    %swap3A_2144 = arith.constant 0 : index
    %swap3A_2145 = arith.constant 11440 : index
    %swap3A_2146 = vector.load %arg3[%swap3A_2144, %swap3A_2145] : memref<64x12800xf32, #tpu.memory_space<vmem>>, vector<64x16xf32>
    tpu.vector_store %arg3[%swap3A_2144, %swap3A_2145], %broadcast_in_dim3A_2143 {strides = array<i32>} : memref<64x12800xf32, #tpu.memory_space<vmem>>, vector<64x16xf32>,
    %get3A_2147 = arith.constant 0 : index
    %get3A_2148 = arith.constant 8592 : index
    %get3A_2149 = vector.load %arg1[%get3A_2147, %get3A_2148] : memref<64x9600xf32, #tpu.memory_space<vmem>>, vector<64x48xf32>
    %swap3A_2150 = arith.constant 0 : index
    %swap3A_2151 = arith.constant 11456 : index
    %swap3A_2152 = vector.load %arg3[%swap3A_2150, %swap3A_2151] : memref<64x12800xf32, #tpu.memory_space<vmem>>, vector<64x48xf32>
    tpu.vector_store %arg3[%swap3A_2150, %swap3A_2151], %get3A_2149 {strides = array<i32>} : memref<64x12800xf32, #tpu.memory_space<vmem>>, vector<64x48xf32>,
    %slice3A_2153 = vector.extract_strided_slice %get3A_1 {offsets = [89, 16], sizes = [1, 16], strides = [1, 1]} : vector<100x32xf32> to vector<1x16xf32>
    %broadcast_in_dim3A_2154 = vector.shape_cast %slice3A_2153 : vector<1x16xf32> to vector<1x16xf32>
    %broadcast_in_dim3A_2155 = vector.broadcast %broadcast_in_dim3A_2154 : vector<1x16xf32> to vector<64x16xf32>
    %swap3A_2156 = arith.constant 0 : index
    %swap3A_2157 = arith.constant 11504 : index
    %swap3A_2158 = vector.load %arg3[%swap3A_2156, %swap3A_2157] : memref<64x12800xf32, #tpu.memory_space<vmem>>, vector<64x16xf32>
    tpu.vector_store %arg3[%swap3A_2156, %swap3A_2157], %broadcast_in_dim3A_2155 {strides = array<i32>} : memref<64x12800xf32, #tpu.memory_space<vmem>>, vector<64x16xf32>,
    %get3A_2159 = arith.constant 0 : index
    %get3A_2160 = arith.constant 8640 : index
    %get3A_2161 = vector.load %arg1[%get3A_2159, %get3A_2160] : memref<64x9600xf32, #tpu.memory_space<vmem>>, vector<64x48xf32>
    %swap3A_2162 = arith.constant 0 : index
    %swap3A_2163 = arith.constant 11520 : index
    %swap3A_2164 = vector.load %arg3[%swap3A_2162, %swap3A_2163] : memref<64x12800xf32, #tpu.memory_space<vmem>>, vector<64x48xf32>
    tpu.vector_store %arg3[%swap3A_2162, %swap3A_2163], %get3A_2161 {strides = array<i32>} : memref<64x12800xf32, #tpu.memory_space<vmem>>, vector<64x48xf32>,
    %slice3A_2165 = vector.extract_strided_slice %get3A_1 {offsets = [90, 0], sizes = [1, 16], strides = [1, 1]} : vector<100x32xf32> to vector<1x16xf32>
    %broadcast_in_dim3A_2166 = vector.shape_cast %slice3A_2165 : vector<1x16xf32> to vector<1x16xf32>
    %broadcast_in_dim3A_2167 = vector.broadcast %broadcast_in_dim3A_2166 : vector<1x16xf32> to vector<64x16xf32>
    %swap3A_2168 = arith.constant 0 : index
    %swap3A_2169 = arith.constant 11568 : index
    %swap3A_2170 = vector.load %arg3[%swap3A_2168, %swap3A_2169] : memref<64x12800xf32, #tpu.memory_space<vmem>>, vector<64x16xf32>
    tpu.vector_store %arg3[%swap3A_2168, %swap3A_2169], %broadcast_in_dim3A_2167 {strides = array<i32>} : memref<64x12800xf32, #tpu.memory_space<vmem>>, vector<64x16xf32>,
    %get3A_2171 = arith.constant 0 : index
    %get3A_2172 = arith.constant 8688 : index
    %get3A_2173 = vector.load %arg1[%get3A_2171, %get3A_2172] : memref<64x9600xf32, #tpu.memory_space<vmem>>, vector<64x48xf32>
    %swap3A_2174 = arith.constant 0 : index
    %swap3A_2175 = arith.constant 11584 : index
    %swap3A_2176 = vector.load %arg3[%swap3A_2174, %swap3A_2175] : memref<64x12800xf32, #tpu.memory_space<vmem>>, vector<64x48xf32>
    tpu.vector_store %arg3[%swap3A_2174, %swap3A_2175], %get3A_2173 {strides = array<i32>} : memref<64x12800xf32, #tpu.memory_space<vmem>>, vector<64x48xf32>,
    %slice3A_2177 = vector.extract_strided_slice %get3A_1 {offsets = [90, 16], sizes = [1, 16], strides = [1, 1]} : vector<100x32xf32> to vector<1x16xf32>
    %broadcast_in_dim3A_2178 = vector.shape_cast %slice3A_2177 : vector<1x16xf32> to vector<1x16xf32>
    %broadcast_in_dim3A_2179 = vector.broadcast %broadcast_in_dim3A_2178 : vector<1x16xf32> to vector<64x16xf32>
    %swap3A_2180 = arith.constant 0 : index
    %swap3A_2181 = arith.constant 11632 : index
    %swap3A_2182 = vector.load %arg3[%swap3A_2180, %swap3A_2181] : memref<64x12800xf32, #tpu.memory_space<vmem>>, vector<64x16xf32>
    tpu.vector_store %arg3[%swap3A_2180, %swap3A_2181], %broadcast_in_dim3A_2179 {strides = array<i32>} : memref<64x12800xf32, #tpu.memory_space<vmem>>, vector<64x16xf32>,
    %get3A_2183 = arith.constant 0 : index
    %get3A_2184 = arith.constant 8736 : index
    %get3A_2185 = vector.load %arg1[%get3A_2183, %get3A_2184] : memref<64x9600xf32, #tpu.memory_space<vmem>>, vector<64x48xf32>
    %swap3A_2186 = arith.constant 0 : index
    %swap3A_2187 = arith.constant 11648 : index
    %swap3A_2188 = vector.load %arg3[%swap3A_2186, %swap3A_2187] : memref<64x12800xf32, #tpu.memory_space<vmem>>, vector<64x48xf32>
    tpu.vector_store %arg3[%swap3A_2186, %swap3A_2187], %get3A_2185 {strides = array<i32>} : memref<64x12800xf32, #tpu.memory_space<vmem>>, vector<64x48xf32>,
    %slice3A_2189 = vector.extract_strided_slice %get3A_1 {offsets = [91, 0], sizes = [1, 16], strides = [1, 1]} : vector<100x32xf32> to vector<1x16xf32>
    %broadcast_in_dim3A_2190 = vector.shape_cast %slice3A_2189 : vector<1x16xf32> to vector<1x16xf32>
    %broadcast_in_dim3A_2191 = vector.broadcast %broadcast_in_dim3A_2190 : vector<1x16xf32> to vector<64x16xf32>
    %swap3A_2192 = arith.constant 0 : index
    %swap3A_2193 = arith.constant 11696 : index
    %swap3A_2194 = vector.load %arg3[%swap3A_2192, %swap3A_2193] : memref<64x12800xf32, #tpu.memory_space<vmem>>, vector<64x16xf32>
    tpu.vector_store %arg3[%swap3A_2192, %swap3A_2193], %broadcast_in_dim3A_2191 {strides = array<i32>} : memref<64x12800xf32, #tpu.memory_space<vmem>>, vector<64x16xf32>,
    %get3A_2195 = arith.constant 0 : index
    %get3A_2196 = arith.constant 8784 : index
    %get3A_2197 = vector.load %arg1[%get3A_2195, %get3A_2196] : memref<64x9600xf32, #tpu.memory_space<vmem>>, vector<64x48xf32>
    %swap3A_2198 = arith.constant 0 : index
    %swap3A_2199 = arith.constant 11712 : index
    %swap3A_2200 = vector.load %arg3[%swap3A_2198, %swap3A_2199] : memref<64x12800xf32, #tpu.memory_space<vmem>>, vector<64x48xf32>
    tpu.vector_store %arg3[%swap3A_2198, %swap3A_2199], %get3A_2197 {strides = array<i32>} : memref<64x12800xf32, #tpu.memory_space<vmem>>, vector<64x48xf32>,
    %slice3A_2201 = vector.extract_strided_slice %get3A_1 {offsets = [91, 16], sizes = [1, 16], strides = [1, 1]} : vector<100x32xf32> to vector<1x16xf32>
    %broadcast_in_dim3A_2202 = vector.shape_cast %slice3A_2201 : vector<1x16xf32> to vector<1x16xf32>
    %broadcast_in_dim3A_2203 = vector.broadcast %broadcast_in_dim3A_2202 : vector<1x16xf32> to vector<64x16xf32>
    %swap3A_2204 = arith.constant 0 : index
    %swap3A_2205 = arith.constant 11760 : index
    %swap3A_2206 = vector.load %arg3[%swap3A_2204, %swap3A_2205] : memref<64x12800xf32, #tpu.memory_space<vmem>>, vector<64x16xf32>
    tpu.vector_store %arg3[%swap3A_2204, %swap3A_2205], %broadcast_in_dim3A_2203 {strides = array<i32>} : memref<64x12800xf32, #tpu.memory_space<vmem>>, vector<64x16xf32>,
    %get3A_2207 = arith.constant 0 : index
    %get3A_2208 = arith.constant 8832 : index
    %get3A_2209 = vector.load %arg1[%get3A_2207, %get3A_2208] : memref<64x9600xf32, #tpu.memory_space<vmem>>, vector<64x48xf32>
    %swap3A_2210 = arith.constant 0 : index
    %swap3A_2211 = arith.constant 11776 : index
    %swap3A_2212 = vector.load %arg3[%swap3A_2210, %swap3A_2211] : memref<64x12800xf32, #tpu.memory_space<vmem>>, vector<64x48xf32>
    tpu.vector_store %arg3[%swap3A_2210, %swap3A_2211], %get3A_2209 {strides = array<i32>} : memref<64x12800xf32, #tpu.memory_space<vmem>>, vector<64x48xf32>,
    %slice3A_2213 = vector.extract_strided_slice %get3A_1 {offsets = [92, 0], sizes = [1, 16], strides = [1, 1]} : vector<100x32xf32> to vector<1x16xf32>
    %broadcast_in_dim3A_2214 = vector.shape_cast %slice3A_2213 : vector<1x16xf32> to vector<1x16xf32>
    %broadcast_in_dim3A_2215 = vector.broadcast %broadcast_in_dim3A_2214 : vector<1x16xf32> to vector<64x16xf32>
    %swap3A_2216 = arith.constant 0 : index
    %swap3A_2217 = arith.constant 11824 : index
    %swap3A_2218 = vector.load %arg3[%swap3A_2216, %swap3A_2217] : memref<64x12800xf32, #tpu.memory_space<vmem>>, vector<64x16xf32>
    tpu.vector_store %arg3[%swap3A_2216, %swap3A_2217], %broadcast_in_dim3A_2215 {strides = array<i32>} : memref<64x12800xf32, #tpu.memory_space<vmem>>, vector<64x16xf32>,
    %get3A_2219 = arith.constant 0 : index
    %get3A_2220 = arith.constant 8880 : index
    %get3A_2221 = vector.load %arg1[%get3A_2219, %get3A_2220] : memref<64x9600xf32, #tpu.memory_space<vmem>>, vector<64x48xf32>
    %swap3A_2222 = arith.constant 0 : index
    %swap3A_2223 = arith.constant 11840 : index
    %swap3A_2224 = vector.load %arg3[%swap3A_2222, %swap3A_2223] : memref<64x12800xf32, #tpu.memory_space<vmem>>, vector<64x48xf32>
    tpu.vector_store %arg3[%swap3A_2222, %swap3A_2223], %get3A_2221 {strides = array<i32>} : memref<64x12800xf32, #tpu.memory_space<vmem>>, vector<64x48xf32>,
    %slice3A_2225 = vector.extract_strided_slice %get3A_1 {offsets = [92, 16], sizes = [1, 16], strides = [1, 1]} : vector<100x32xf32> to vector<1x16xf32>
    %broadcast_in_dim3A_2226 = vector.shape_cast %slice3A_2225 : vector<1x16xf32> to vector<1x16xf32>
    %broadcast_in_dim3A_2227 = vector.broadcast %broadcast_in_dim3A_2226 : vector<1x16xf32> to vector<64x16xf32>
    %swap3A_2228 = arith.constant 0 : index
    %swap3A_2229 = arith.constant 11888 : index
    %swap3A_2230 = vector.load %arg3[%swap3A_2228, %swap3A_2229] : memref<64x12800xf32, #tpu.memory_space<vmem>>, vector<64x16xf32>
    tpu.vector_store %arg3[%swap3A_2228, %swap3A_2229], %broadcast_in_dim3A_2227 {strides = array<i32>} : memref<64x12800xf32, #tpu.memory_space<vmem>>, vector<64x16xf32>,
    %get3A_2231 = arith.constant 0 : index
    %get3A_2232 = arith.constant 8928 : index
    %get3A_2233 = vector.load %arg1[%get3A_2231, %get3A_2232] : memref<64x9600xf32, #tpu.memory_space<vmem>>, vector<64x48xf32>
    %swap3A_2234 = arith.constant 0 : index
    %swap3A_2235 = arith.constant 11904 : index
    %swap3A_2236 = vector.load %arg3[%swap3A_2234, %swap3A_2235] : memref<64x12800xf32, #tpu.memory_space<vmem>>, vector<64x48xf32>
    tpu.vector_store %arg3[%swap3A_2234, %swap3A_2235], %get3A_2233 {strides = array<i32>} : memref<64x12800xf32, #tpu.memory_space<vmem>>, vector<64x48xf32>,
    %slice3A_2237 = vector.extract_strided_slice %get3A_1 {offsets = [93, 0], sizes = [1, 16], strides = [1, 1]} : vector<100x32xf32> to vector<1x16xf32>
    %broadcast_in_dim3A_2238 = vector.shape_cast %slice3A_2237 : vector<1x16xf32> to vector<1x16xf32>
    %broadcast_in_dim3A_2239 = vector.broadcast %broadcast_in_dim3A_2238 : vector<1x16xf32> to vector<64x16xf32>
    %swap3A_2240 = arith.constant 0 : index
    %swap3A_2241 = arith.constant 11952 : index
    %swap3A_2242 = vector.load %arg3[%swap3A_2240, %swap3A_2241] : memref<64x12800xf32, #tpu.memory_space<vmem>>, vector<64x16xf32>
    tpu.vector_store %arg3[%swap3A_2240, %swap3A_2241], %broadcast_in_dim3A_2239 {strides = array<i32>} : memref<64x12800xf32, #tpu.memory_space<vmem>>, vector<64x16xf32>,
    %get3A_2243 = arith.constant 0 : index
    %get3A_2244 = arith.constant 8976 : index
    %get3A_2245 = vector.load %arg1[%get3A_2243, %get3A_2244] : memref<64x9600xf32, #tpu.memory_space<vmem>>, vector<64x48xf32>
    %swap3A_2246 = arith.constant 0 : index
    %swap3A_2247 = arith.constant 11968 : index
    %swap3A_2248 = vector.load %arg3[%swap3A_2246, %swap3A_2247] : memref<64x12800xf32, #tpu.memory_space<vmem>>, vector<64x48xf32>
    tpu.vector_store %arg3[%swap3A_2246, %swap3A_2247], %get3A_2245 {strides = array<i32>} : memref<64x12800xf32, #tpu.memory_space<vmem>>, vector<64x48xf32>,
    %slice3A_2249 = vector.extract_strided_slice %get3A_1 {offsets = [93, 16], sizes = [1, 16], strides = [1, 1]} : vector<100x32xf32> to vector<1x16xf32>
    %broadcast_in_dim3A_2250 = vector.shape_cast %slice3A_2249 : vector<1x16xf32> to vector<1x16xf32>
    %broadcast_in_dim3A_2251 = vector.broadcast %broadcast_in_dim3A_2250 : vector<1x16xf32> to vector<64x16xf32>
    %swap3A_2252 = arith.constant 0 : index
    %swap3A_2253 = arith.constant 12016 : index
    %swap3A_2254 = vector.load %arg3[%swap3A_2252, %swap3A_2253] : memref<64x12800xf32, #tpu.memory_space<vmem>>, vector<64x16xf32>
    tpu.vector_store %arg3[%swap3A_2252, %swap3A_2253], %broadcast_in_dim3A_2251 {strides = array<i32>} : memref<64x12800xf32, #tpu.memory_space<vmem>>, vector<64x16xf32>,
    %get3A_2255 = arith.constant 0 : index
    %get3A_2256 = arith.constant 9024 : index
    %get3A_2257 = vector.load %arg1[%get3A_2255, %get3A_2256] : memref<64x9600xf32, #tpu.memory_space<vmem>>, vector<64x48xf32>
    %swap3A_2258 = arith.constant 0 : index
    %swap3A_2259 = arith.constant 12032 : index
    %swap3A_2260 = vector.load %arg3[%swap3A_2258, %swap3A_2259] : memref<64x12800xf32, #tpu.memory_space<vmem>>, vector<64x48xf32>
    tpu.vector_store %arg3[%swap3A_2258, %swap3A_2259], %get3A_2257 {strides = array<i32>} : memref<64x12800xf32, #tpu.memory_space<vmem>>, vector<64x48xf32>,
    %slice3A_2261 = vector.extract_strided_slice %get3A_1 {offsets = [94, 0], sizes = [1, 16], strides = [1, 1]} : vector<100x32xf32> to vector<1x16xf32>
    %broadcast_in_dim3A_2262 = vector.shape_cast %slice3A_2261 : vector<1x16xf32> to vector<1x16xf32>
    %broadcast_in_dim3A_2263 = vector.broadcast %broadcast_in_dim3A_2262 : vector<1x16xf32> to vector<64x16xf32>
    %swap3A_2264 = arith.constant 0 : index
    %swap3A_2265 = arith.constant 12080 : index
    %swap3A_2266 = vector.load %arg3[%swap3A_2264, %swap3A_2265] : memref<64x12800xf32, #tpu.memory_space<vmem>>, vector<64x16xf32>
    tpu.vector_store %arg3[%swap3A_2264, %swap3A_2265], %broadcast_in_dim3A_2263 {strides = array<i32>} : memref<64x12800xf32, #tpu.memory_space<vmem>>, vector<64x16xf32>,
    %get3A_2267 = arith.constant 0 : index
    %get3A_2268 = arith.constant 9072 : index
    %get3A_2269 = vector.load %arg1[%get3A_2267, %get3A_2268] : memref<64x9600xf32, #tpu.memory_space<vmem>>, vector<64x48xf32>
    %swap3A_2270 = arith.constant 0 : index
    %swap3A_2271 = arith.constant 12096 : index
    %swap3A_2272 = vector.load %arg3[%swap3A_2270, %swap3A_2271] : memref<64x12800xf32, #tpu.memory_space<vmem>>, vector<64x48xf32>
    tpu.vector_store %arg3[%swap3A_2270, %swap3A_2271], %get3A_2269 {strides = array<i32>} : memref<64x12800xf32, #tpu.memory_space<vmem>>, vector<64x48xf32>,
    %slice3A_2273 = vector.extract_strided_slice %get3A_1 {offsets = [94, 16], sizes = [1, 16], strides = [1, 1]} : vector<100x32xf32> to vector<1x16xf32>
    %broadcast_in_dim3A_2274 = vector.shape_cast %slice3A_2273 : vector<1x16xf32> to vector<1x16xf32>
    %broadcast_in_dim3A_2275 = vector.broadcast %broadcast_in_dim3A_2274 : vector<1x16xf32> to vector<64x16xf32>
    %swap3A_2276 = arith.constant 0 : index
    %swap3A_2277 = arith.constant 12144 : index
    %swap3A_2278 = vector.load %arg3[%swap3A_2276, %swap3A_2277] : memref<64x12800xf32, #tpu.memory_space<vmem>>, vector<64x16xf32>
    tpu.vector_store %arg3[%swap3A_2276, %swap3A_2277], %broadcast_in_dim3A_2275 {strides = array<i32>} : memref<64x12800xf32, #tpu.memory_space<vmem>>, vector<64x16xf32>,
    %get3A_2279 = arith.constant 0 : index
    %get3A_2280 = arith.constant 9120 : index
    %get3A_2281 = vector.load %arg1[%get3A_2279, %get3A_2280] : memref<64x9600xf32, #tpu.memory_space<vmem>>, vector<64x48xf32>
    %swap3A_2282 = arith.constant 0 : index
    %swap3A_2283 = arith.constant 12160 : index
    %swap3A_2284 = vector.load %arg3[%swap3A_2282, %swap3A_2283] : memref<64x12800xf32, #tpu.memory_space<vmem>>, vector<64x48xf32>
    tpu.vector_store %arg3[%swap3A_2282, %swap3A_2283], %get3A_2281 {strides = array<i32>} : memref<64x12800xf32, #tpu.memory_space<vmem>>, vector<64x48xf32>,
    %slice3A_2285 = vector.extract_strided_slice %get3A_1 {offsets = [95, 0], sizes = [1, 16], strides = [1, 1]} : vector<100x32xf32> to vector<1x16xf32>
    %broadcast_in_dim3A_2286 = vector.shape_cast %slice3A_2285 : vector<1x16xf32> to vector<1x16xf32>
    %broadcast_in_dim3A_2287 = vector.broadcast %broadcast_in_dim3A_2286 : vector<1x16xf32> to vector<64x16xf32>
    %swap3A_2288 = arith.constant 0 : index
    %swap3A_2289 = arith.constant 12208 : index
    %swap3A_2290 = vector.load %arg3[%swap3A_2288, %swap3A_2289] : memref<64x12800xf32, #tpu.memory_space<vmem>>, vector<64x16xf32>
    tpu.vector_store %arg3[%swap3A_2288, %swap3A_2289], %broadcast_in_dim3A_2287 {strides = array<i32>} : memref<64x12800xf32, #tpu.memory_space<vmem>>, vector<64x16xf32>,
    %get3A_2291 = arith.constant 0 : index
    %get3A_2292 = arith.constant 9168 : index
    %get3A_2293 = vector.load %arg1[%get3A_2291, %get3A_2292] : memref<64x9600xf32, #tpu.memory_space<vmem>>, vector<64x48xf32>
    %swap3A_2294 = arith.constant 0 : index
    %swap3A_2295 = arith.constant 12224 : index
    %swap3A_2296 = vector.load %arg3[%swap3A_2294, %swap3A_2295] : memref<64x12800xf32, #tpu.memory_space<vmem>>, vector<64x48xf32>
    tpu.vector_store %arg3[%swap3A_2294, %swap3A_2295], %get3A_2293 {strides = array<i32>} : memref<64x12800xf32, #tpu.memory_space<vmem>>, vector<64x48xf32>,
    %slice3A_2297 = vector.extract_strided_slice %get3A_1 {offsets = [95, 16], sizes = [1, 16], strides = [1, 1]} : vector<100x32xf32> to vector<1x16xf32>
    %broadcast_in_dim3A_2298 = vector.shape_cast %slice3A_2297 : vector<1x16xf32> to vector<1x16xf32>
    %broadcast_in_dim3A_2299 = vector.broadcast %broadcast_in_dim3A_2298 : vector<1x16xf32> to vector<64x16xf32>
    %swap3A_2300 = arith.constant 0 : index
    %swap3A_2301 = arith.constant 12272 : index
    %swap3A_2302 = vector.load %arg3[%swap3A_2300, %swap3A_2301] : memref<64x12800xf32, #tpu.memory_space<vmem>>, vector<64x16xf32>
    tpu.vector_store %arg3[%swap3A_2300, %swap3A_2301], %broadcast_in_dim3A_2299 {strides = array<i32>} : memref<64x12800xf32, #tpu.memory_space<vmem>>, vector<64x16xf32>,
    %get3A_2303 = arith.constant 0 : index
    %get3A_2304 = arith.constant 9216 : index
    %get3A_2305 = vector.load %arg1[%get3A_2303, %get3A_2304] : memref<64x9600xf32, #tpu.memory_space<vmem>>, vector<64x48xf32>
    %swap3A_2306 = arith.constant 0 : index
    %swap3A_2307 = arith.constant 12288 : index
    %swap3A_2308 = vector.load %arg3[%swap3A_2306, %swap3A_2307] : memref<64x12800xf32, #tpu.memory_space<vmem>>, vector<64x48xf32>
    tpu.vector_store %arg3[%swap3A_2306, %swap3A_2307], %get3A_2305 {strides = array<i32>} : memref<64x12800xf32, #tpu.memory_space<vmem>>, vector<64x48xf32>,
    %slice3A_2309 = vector.extract_strided_slice %get3A_1 {offsets = [96, 0], sizes = [1, 16], strides = [1, 1]} : vector<100x32xf32> to vector<1x16xf32>
    %broadcast_in_dim3A_2310 = vector.shape_cast %slice3A_2309 : vector<1x16xf32> to vector<1x16xf32>
    %broadcast_in_dim3A_2311 = vector.broadcast %broadcast_in_dim3A_2310 : vector<1x16xf32> to vector<64x16xf32>
    %swap3A_2312 = arith.constant 0 : index
    %swap3A_2313 = arith.constant 12336 : index
    %swap3A_2314 = vector.load %arg3[%swap3A_2312, %swap3A_2313] : memref<64x12800xf32, #tpu.memory_space<vmem>>, vector<64x16xf32>
    tpu.vector_store %arg3[%swap3A_2312, %swap3A_2313], %broadcast_in_dim3A_2311 {strides = array<i32>} : memref<64x12800xf32, #tpu.memory_space<vmem>>, vector<64x16xf32>,
    %get3A_2315 = arith.constant 0 : index
    %get3A_2316 = arith.constant 9264 : index
    %get3A_2317 = vector.load %arg1[%get3A_2315, %get3A_2316] : memref<64x9600xf32, #tpu.memory_space<vmem>>, vector<64x48xf32>
    %swap3A_2318 = arith.constant 0 : index
    %swap3A_2319 = arith.constant 12352 : index
    %swap3A_2320 = vector.load %arg3[%swap3A_2318, %swap3A_2319] : memref<64x12800xf32, #tpu.memory_space<vmem>>, vector<64x48xf32>
    tpu.vector_store %arg3[%swap3A_2318, %swap3A_2319], %get3A_2317 {strides = array<i32>} : memref<64x12800xf32, #tpu.memory_space<vmem>>, vector<64x48xf32>,
    %slice3A_2321 = vector.extract_strided_slice %get3A_1 {offsets = [96, 16], sizes = [1, 16], strides = [1, 1]} : vector<100x32xf32> to vector<1x16xf32>
    %broadcast_in_dim3A_2322 = vector.shape_cast %slice3A_2321 : vector<1x16xf32> to vector<1x16xf32>
    %broadcast_in_dim3A_2323 = vector.broadcast %broadcast_in_dim3A_2322 : vector<1x16xf32> to vector<64x16xf32>
    %swap3A_2324 = arith.constant 0 : index
    %swap3A_2325 = arith.constant 12400 : index
    %swap3A_2326 = vector.load %arg3[%swap3A_2324, %swap3A_2325] : memref<64x12800xf32, #tpu.memory_space<vmem>>, vector<64x16xf32>
    tpu.vector_store %arg3[%swap3A_2324, %swap3A_2325], %broadcast_in_dim3A_2323 {strides = array<i32>} : memref<64x12800xf32, #tpu.memory_space<vmem>>, vector<64x16xf32>,
    %get3A_2327 = arith.constant 0 : index
    %get3A_2328 = arith.constant 9312 : index
    %get3A_2329 = vector.load %arg1[%get3A_2327, %get3A_2328] : memref<64x9600xf32, #tpu.memory_space<vmem>>, vector<64x48xf32>
    %swap3A_2330 = arith.constant 0 : index
    %swap3A_2331 = arith.constant 12416 : index
    %swap3A_2332 = vector.load %arg3[%swap3A_2330, %swap3A_2331] : memref<64x12800xf32, #tpu.memory_space<vmem>>, vector<64x48xf32>
    tpu.vector_store %arg3[%swap3A_2330, %swap3A_2331], %get3A_2329 {strides = array<i32>} : memref<64x12800xf32, #tpu.memory_space<vmem>>, vector<64x48xf32>,
    %slice3A_2333 = vector.extract_strided_slice %get3A_1 {offsets = [97, 0], sizes = [1, 16], strides = [1, 1]} : vector<100x32xf32> to vector<1x16xf32>
    %broadcast_in_dim3A_2334 = vector.shape_cast %slice3A_2333 : vector<1x16xf32> to vector<1x16xf32>
    %broadcast_in_dim3A_2335 = vector.broadcast %broadcast_in_dim3A_2334 : vector<1x16xf32> to vector<64x16xf32>
    %swap3A_2336 = arith.constant 0 : index
    %swap3A_2337 = arith.constant 12464 : index
    %swap3A_2338 = vector.load %arg3[%swap3A_2336, %swap3A_2337] : memref<64x12800xf32, #tpu.memory_space<vmem>>, vector<64x16xf32>
    tpu.vector_store %arg3[%swap3A_2336, %swap3A_2337], %broadcast_in_dim3A_2335 {strides = array<i32>} : memref<64x12800xf32, #tpu.memory_space<vmem>>, vector<64x16xf32>,
    %get3A_2339 = arith.constant 0 : index
    %get3A_2340 = arith.constant 9360 : index
    %get3A_2341 = vector.load %arg1[%get3A_2339, %get3A_2340] : memref<64x9600xf32, #tpu.memory_space<vmem>>, vector<64x48xf32>
    %swap3A_2342 = arith.constant 0 : index
    %swap3A_2343 = arith.constant 12480 : index
    %swap3A_2344 = vector.load %arg3[%swap3A_2342, %swap3A_2343] : memref<64x12800xf32, #tpu.memory_space<vmem>>, vector<64x48xf32>
    tpu.vector_store %arg3[%swap3A_2342, %swap3A_2343], %get3A_2341 {strides = array<i32>} : memref<64x12800xf32, #tpu.memory_space<vmem>>, vector<64x48xf32>,
    %slice3A_2345 = vector.extract_strided_slice %get3A_1 {offsets = [97, 16], sizes = [1, 16], strides = [1, 1]} : vector<100x32xf32> to vector<1x16xf32>
    %broadcast_in_dim3A_2346 = vector.shape_cast %slice3A_2345 : vector<1x16xf32> to vector<1x16xf32>
    %broadcast_in_dim3A_2347 = vector.broadcast %broadcast_in_dim3A_2346 : vector<1x16xf32> to vector<64x16xf32>
    %swap3A_2348 = arith.constant 0 : index
    %swap3A_2349 = arith.constant 12528 : index
    %swap3A_2350 = vector.load %arg3[%swap3A_2348, %swap3A_2349] : memref<64x12800xf32, #tpu.memory_space<vmem>>, vector<64x16xf32>
    tpu.vector_store %arg3[%swap3A_2348, %swap3A_2349], %broadcast_in_dim3A_2347 {strides = array<i32>} : memref<64x12800xf32, #tpu.memory_space<vmem>>, vector<64x16xf32>,
    %get3A_2351 = arith.constant 0 : index
    %get3A_2352 = arith.constant 9408 : index
    %get3A_2353 = vector.load %arg1[%get3A_2351, %get3A_2352] : memref<64x9600xf32, #tpu.memory_space<vmem>>, vector<64x48xf32>
    %swap3A_2354 = arith.constant 0 : index
    %swap3A_2355 = arith.constant 12544 : index
    %swap3A_2356 = vector.load %arg3[%swap3A_2354, %swap3A_2355] : memref<64x12800xf32, #tpu.memory_space<vmem>>, vector<64x48xf32>
    tpu.vector_store %arg3[%swap3A_2354, %swap3A_2355], %get3A_2353 {strides = array<i32>} : memref<64x12800xf32, #tpu.memory_space<vmem>>, vector<64x48xf32>,
    %slice3A_2357 = vector.extract_strided_slice %get3A_1 {offsets = [98, 0], sizes = [1, 16], strides = [1, 1]} : vector<100x32xf32> to vector<1x16xf32>
    %broadcast_in_dim3A_2358 = vector.shape_cast %slice3A_2357 : vector<1x16xf32> to vector<1x16xf32>
    %broadcast_in_dim3A_2359 = vector.broadcast %broadcast_in_dim3A_2358 : vector<1x16xf32> to vector<64x16xf32>
    %swap3A_2360 = arith.constant 0 : index
    %swap3A_2361 = arith.constant 12592 : index
    %swap3A_2362 = vector.load %arg3[%swap3A_2360, %swap3A_2361] : memref<64x12800xf32, #tpu.memory_space<vmem>>, vector<64x16xf32>
    tpu.vector_store %arg3[%swap3A_2360, %swap3A_2361], %broadcast_in_dim3A_2359 {strides = array<i32>} : memref<64x12800xf32, #tpu.memory_space<vmem>>, vector<64x16xf32>,
    %get3A_2363 = arith.constant 0 : index
    %get3A_2364 = arith.constant 9456 : index
    %get3A_2365 = vector.load %arg1[%get3A_2363, %get3A_2364] : memref<64x9600xf32, #tpu.memory_space<vmem>>, vector<64x48xf32>
    %swap3A_2366 = arith.constant 0 : index
    %swap3A_2367 = arith.constant 12608 : index
    %swap3A_2368 = vector.load %arg3[%swap3A_2366, %swap3A_2367] : memref<64x12800xf32, #tpu.memory_space<vmem>>, vector<64x48xf32>
    tpu.vector_store %arg3[%swap3A_2366, %swap3A_2367], %get3A_2365 {strides = array<i32>} : memref<64x12800xf32, #tpu.memory_space<vmem>>, vector<64x48xf32>,
    %slice3A_2369 = vector.extract_strided_slice %get3A_1 {offsets = [98, 16], sizes = [1, 16], strides = [1, 1]} : vector<100x32xf32> to vector<1x16xf32>
    %broadcast_in_dim3A_2370 = vector.shape_cast %slice3A_2369 : vector<1x16xf32> to vector<1x16xf32>
    %broadcast_in_dim3A_2371 = vector.broadcast %broadcast_in_dim3A_2370 : vector<1x16xf32> to vector<64x16xf32>
    %swap3A_2372 = arith.constant 0 : index
    %swap3A_2373 = arith.constant 12656 : index
    %swap3A_2374 = vector.load %arg3[%swap3A_2372, %swap3A_2373] : memref<64x12800xf32, #tpu.memory_space<vmem>>, vector<64x16xf32>
    tpu.vector_store %arg3[%swap3A_2372, %swap3A_2373], %broadcast_in_dim3A_2371 {strides = array<i32>} : memref<64x12800xf32, #tpu.memory_space<vmem>>, vector<64x16xf32>,
    %get3A_2375 = arith.constant 0 : index
    %get3A_2376 = arith.constant 9504 : index
    %get3A_2377 = vector.load %arg1[%get3A_2375, %get3A_2376] : memref<64x9600xf32, #tpu.memory_space<vmem>>, vector<64x48xf32>
    %swap3A_2378 = arith.constant 0 : index
    %swap3A_2379 = arith.constant 12672 : index
    %swap3A_2380 = vector.load %arg3[%swap3A_2378, %swap3A_2379] : memref<64x12800xf32, #tpu.memory_space<vmem>>, vector<64x48xf32>
    tpu.vector_store %arg3[%swap3A_2378, %swap3A_2379], %get3A_2377 {strides = array<i32>} : memref<64x12800xf32, #tpu.memory_space<vmem>>, vector<64x48xf32>,
    %slice3A_2381 = vector.extract_strided_slice %get3A_1 {offsets = [99, 0], sizes = [1, 16], strides = [1, 1]} : vector<100x32xf32> to vector<1x16xf32>
    %broadcast_in_dim3A_2382 = vector.shape_cast %slice3A_2381 : vector<1x16xf32> to vector<1x16xf32>
    %broadcast_in_dim3A_2383 = vector.broadcast %broadcast_in_dim3A_2382 : vector<1x16xf32> to vector<64x16xf32>
    %swap3A_2384 = arith.constant 0 : index
    %swap3A_2385 = arith.constant 12720 : index
    %swap3A_2386 = vector.load %arg3[%swap3A_2384, %swap3A_2385] : memref<64x12800xf32, #tpu.memory_space<vmem>>, vector<64x16xf32>
    tpu.vector_store %arg3[%swap3A_2384, %swap3A_2385], %broadcast_in_dim3A_2383 {strides = array<i32>} : memref<64x12800xf32, #tpu.memory_space<vmem>>, vector<64x16xf32>,
    %get3A_2387 = arith.constant 0 : index
    %get3A_2388 = arith.constant 9552 : index
    %get3A_2389 = vector.load %arg1[%get3A_2387, %get3A_2388] : memref<64x9600xf32, #tpu.memory_space<vmem>>, vector<64x48xf32>
    %swap3A_2390 = arith.constant 0 : index
    %swap3A_2391 = arith.constant 12736 : index
    %swap3A_2392 = vector.load %arg3[%swap3A_2390, %swap3A_2391] : memref<64x12800xf32, #tpu.memory_space<vmem>>, vector<64x48xf32>
    tpu.vector_store %arg3[%swap3A_2390, %swap3A_2391], %get3A_2389 {strides = array<i32>} : memref<64x12800xf32, #tpu.memory_space<vmem>>, vector<64x48xf32>,
    %slice3A_2393 = vector.extract_strided_slice %get3A_1 {offsets = [99, 16], sizes = [1, 16], strides = [1, 1]} : vector<100x32xf32> to vector<1x16xf32>
    %broadcast_in_dim3A_2394 = vector.shape_cast %slice3A_2393 : vector<1x16xf32> to vector<1x16xf32>
    %broadcast_in_dim3A_2395 = vector.broadcast %broadcast_in_dim3A_2394 : vector<1x16xf32> to vector<64x16xf32>
    %swap3A_2396 = arith.constant 0 : index
    %swap3A_2397 = arith.constant 12784 : index
    %swap3A_2398 = vector.load %arg3[%swap3A_2396, %swap3A_2397] : memref<64x12800xf32, #tpu.memory_space<vmem>>, vector<64x16xf32>
    tpu.vector_store %arg3[%swap3A_2396, %swap3A_2397], %broadcast_in_dim3A_2395 {strides = array<i32>} : memref<64x12800xf32, #tpu.memory_space<vmem>>, vector<64x16xf32>,
    return
  }
  func.func @transform_0(%arg0: i32) -> (i32, i32) {
    %c0_i32 = arith.constant 0 : i32
    %c0_i32_0 = arith.constant 0 : i32
    return %arg0, %c0_i32 : i32, i32
  }
  func.func @transform_1(%arg0: i32) -> (i32, i32) {
    %c0_i32 = arith.constant 0 : i32
    %c0_i32_0 = arith.constant 0 : i32
    %c0_i32_1 = arith.constant 0 : i32
    return %c0_i32, %c0_i32_0 : i32, i32
  }
  func.func @transform_2(%arg0: i32) -> (i32, i32) {
    %c0_i32 = arith.constant 0 : i32
    %c0_i32_0 = arith.constant 0 : i32
    return %arg0, %c0_i32 : i32, i32
  }
}

</mosaic_0001>

<sc_bundles>
// kernel: sparse-core-data-format-call.cloned.1.call-start
scs
called_computation_lowered:
.L_overlay_start_0:
0x0: {  	s2 =	sld [smem:$0x3FD9]  }
0x1: {  	s3 =	sld [smem:$0x3FFE];
	_ =	sdelay $0x1  }
0x2: {  	s1 =	srdreg.scid  }
0x3: {  	s0 =	sand.u32 $0x1, s1  }
0x4: {  	s18 =	sshll.u32 s0, $0xA;
	s2 =	sadd.s32 s3, s2  }
0x5: {  	s2 =	sadd.s32 s2, s18  }
0x6: {  	[smem:$0x3FC6] =	sst s2  }
0x7: {  	_ = 	snop  }
0x8: {  	s2 =	sld [smem:$0x3FD0];
	(tm) =	ssettm $0x1  }
0x9: {  	s19 =	sld [smem:$0x3FFB];
	_ =	sdelay $0x3  }
0xa: {  	_ =	strace s19  }
0xb: {  	s3 =	sld [smem:$0x3FFC];
	_ =	sdelay $0x3  }
0xc: {  	_ =	strace s3  }
0xd: {  	s3 =	sld [smem:$0x3FFD];
	_ =	sdelay $0x3  }
0xe: {  	_ =	strace s3  }
0xf: {  	_ =	strace $0x8FFFFFFF  }
0x10: {  	s20 =	sld [smem:$0x3FDB];
	_ =	sdelay $0x1  }
0x11: {  	s4 =	simm.s32 $_scs_section_size  }
0x12: {  	s5 =	simm.s32 $_size__tile_overlayer_lowered;
	s6 =	simm.s32 $_tile_overlayer_lowered  }
0x13: {  	s23 =	simm.s32 $0x1BFF;
	s22 =	sshll.u32 s6, $0x1;
	s3 =	sadd.s32 s4, s20  }
0x14: {  	s7 =	simm.s32 $0x0;
	s21 =	sshll.u32 s5, $0x1;
	s5 =	sadd.s32 s22, s3  }
0x15: {  	[timem:s7], [sflag:s23] =	dma.local [hbm:s5], s21  }
0x16: {  	_ =	swait.ge [sflag:s23], s21  }
0x17: {  	s4 =	ssub.s32 $0x0, s21;
	[sflag:s23] =	ssyncset.done $0x0  }
0x18: {  	[sflag:s23] =	ssyncadd.s32 s4;
	_ =	sdelay $0x1  }
0x19: {  	s24 =	simm.s32 $0x1B8B  }
0x1a: {  	_ =	swait.ge [sflag:s24], $0x1  }
0x1b: {  	[sflag:s24] =	ssyncset.done $0x0  }
0x1c: {  	s26 =	simm.s32 $0x1B8E;
	s25 =	sld [smem:$0x3FFE];
	[sflag:s24] =	ssyncadd.s32 $0xFFFFFFFF  }
0x1d: {  	s27 =	simm.s32 $execute0_lowered;
	[smem:$0x3FD2] =	sst s26  }
0x1e: {  	s5 =	sshll.u32 s27, $0x1;
	_ =	strace $0x80000046;
	[dreg:$0x1] =	wrdreg $0xFFFFFFFF  }
0x1f: {  	s28 =	simm.s32 $_size_execute0_lowered;
	s3 =	sadd.s32 s3, s5;
	[dreg:$0x0] =	wrdreg $0x0  }
0x20: {  	s5 =	sshll.u32 s28, $0x1;
	[dreg:$0x2] =	wrdreg s3  }
0x21: {  	[dreg:$0x3] =	wrdreg s5  }
0x22: {  	[dreg:$0x4] =	wrdreg $0xC0  }
0x23: {  	_ =	task [dreg:s7], $0x5FFFF  }
0x24: {  	[dreg:$0x1] =	wrdreg $0xFFFFFFFF  }
0x25: {  	[dreg:$0x0] =	wrdreg $0x60  }
0x26: {  	[dreg:$0x2] =	wrdreg s25  }
0x27: {  	[dreg:$0x3] =	wrdreg s2  }
0x28: {  	[dreg:$0x4] =	wrdreg $0x9  }
0x29: {  	_ =	task.clear_ibuf [dreg:s7], $0x5FFFF;
	_ =	strace $0x90000046  }
0x2a: {  	s29 =	simm.s32 $0x9;
	_ =	strace $0x80000048  }
0x2b: {  	_ =	swait.ge [sflag:s29], $0x1  }
0x2c: {  	[sflag:s29] =	ssyncadd.s32 $0xFFFFFFFF  }
0x2d: {  	_ =	strace $0x90000048  }
0x2e: {  	_ =	sfence  }
0x2f: {  	s30 =	sld [smem:$0x0];
	_ =	sdelay $0x2  }
0x30: {  	s31 =	sshll.u32 s1, $0xD;
	s1 =	sshrl.u32 s1, $0x2  }
0x31: {  	s3 =	sand.u32 $0x4000, s31;
	s1 =	sadd.s32 s1, s30  }
0x32: {  	s0 =	sor.u32 s3, s0;
	s1 =	sshll.u32 s1, $0x11  }
0x33: {  	s0 =	sor.u32 s1, s0  }
0x34: {  	s0 =	sadd.s32 $0x8F2B, s0  }
0x35: {  	[sflag:s0] =	ssyncadd.remote.s32 $0x1  }
0x36: {  	_ =	sfence.sel $0xFFFF  }
0x37: {  	[dreg:$0x0] =	wrdreg $0xFFFFFFFF;
	(pc) =	sbr.abs _section_cstart, $3  }
0x38: {  	[dreg:$0x1] =	wrdreg $0xFFFFFFFF  }
0x39: {  	_ =	task.clear_ibuf [dreg:s7], $0x2FFFF;
	_ =	strace $0x9FFFFFFF  }
0x3a: {  	(tm) =	ssettm $0x7FFFFFFF  }
0x3b: {  	_ =	shalt  }
tec
execute0_lowered:
.L_overlay_start_1:
0x0: {  	(tag) =	ssettag $0x1  }
0x1: {  	s0 =	stileid.u32;
	s1 =	srdreg.scid  }
0x2: {  	s5 =	rddreg [dreg:$0x0];
	s2 =	sshll.u32 s0, $0x4;
	s1 =	sshll.u32 s1, $0x8  }
0x3: {  	s3 =	rddreg [dreg:$0x1];
	s6 =	simm.s32 $0x1;
	s1 =	sor.u32 s2, s1  }
0x4: {  	s8 =	simm.s32 $0x2;
	s14 =	simm.s32 $0x0;
	s2 =	sand.u32 $0x180, s1  }
0x5: {  	s9 =	simm.s32 $0x4000;
	s15 =	simm.s32 $0x0;
	s4 =	ssub.s32 $0x800, s2  }
0x6: {  	s16 =	simm.s32 $0x0;
	s10 =	simm.s32 $0x0;
	s31 =	sand.u32 $0x180, s4  }
0x7: {  	s13 =	simm.s32 $0x0;
	s7 =	sand.u32 $0x7, s0;
	p0 =	sne.s32 s31, $0x0  }
.Ltmp0:
0x8: {  	s4 =	sshrl.u32 s4, $0x9;
	s6 =	simm.s32 @!p0 $0x0;
	(pc) =	sbr.rel .LBB1_1-.Ltmp0, $4  }
0x9: {  	s1 =	rddreg [dreg:$0x2];
	_ =	strace $0x80000047;
	s6 =	sadd.s32 s6, s4  }
0xa: {  	s4 =	sadd.s32 $0x600, s5;
	s5 =	simm.s32 $0x1;
	s6 =	smul.u32 $0x32, s6  }
0xb: {  	s12 =	smov.u32 s7;
	s11 =	smov.u32 s2;
	[sflag:s5] =	ssyncpa.u1 $0x0  }
0xc: {  	p0 =	por $0x0, $0x0;
	[sflag:s8] =	ssyncpa.u1 $0x0;
	s8 =	sor.u32 $0x1, s6  }
.LBB1_4:
0xd: {  	s16 =	smul.u32 $0xC8000, s16  }
0xe: {  	s19 =	sshll.u32 s15, $0x3;
	s20 =	sand.u32 $0x78, s15;
	s30 =	sand.u32 $0x3F00, s15  }
0xf: {  	s14 =	sshll.u32 s14, $0xE;
	s19 =	sand.u32 $0x400, s19;
	s16 =	sadd.s32 s3, s16  }
0x10: {  	[tilespmem:s18+$0x810 ss:$0x81] =	vst.msk $0xffff, v2;
	s31 =	sand.u32 $0x7, s15;
	s19 =	sor.u32 s20, s19;
	s16 =	sadd.s32 s30, s16  }
0x11: {  	[tilespmem:s18+$0x1020 ss:$0x81] =	vst.msk $0xffff, v0;
	s15 =	sshll.u32 s31, $0x12;
	s19 =	sshrl.u32 s19, $0x3;
	s14 =	sadd.s32 s14, s16  }
0x12: {  	[tilespmem:s18+$0x0 ss:$0x81] =	vst.msk $0xffff, v1;
	s15 =	sor.u32 $0x400, s15;
	s14 =	sadd.s32 s19, s14  }
0x13: {  	[hbm4b:s14+s15] =	stream.strided.scatter [tilespmem:s17], [sflag:$0x2], $0x2000, s9, s15, $0x20;
	[tilespmem:$0x8080] =	vst v63  }
.LBB1_5:
0x14: {  	s17 =	sadd.s32 $0x1, s10  }
0x15: {  	s14 =	sadd.s32 $0x200, s11;
	s18 =	smov.u32 s11;
	p2 =	sgt.s32 s17, $0x31  }
0x16: {  	s18 =	smov.u32 @p2 s14  }
0x17: {  	s20 =	smov.u32 s12;
	s14 =	sadd.s32 $0x8, s12;
	p3 =	sgt.s32 s18, $0x7FF  }
0x18: {  	s20 =	smov.u32 @p3 s14  }
0x19: {  	s17 =	simm.s32 @p2 $0x0;
	p2 =	sgt.s32 s20, $0x7  }
0x1a: {  	p1 =	slt.u32 s13, $0x2;
	s20 =	smov.u32 @p2 s7;
	p2 =	sne.s32 s13, s8  }
.Ltmp1:
0x1b: {  	s19 =	simm.s32 @!p1 $0x2;
	(pc) =	sbr.rel @!p2 .LBB1_6-.Ltmp1, $4  }
0x1c: {  	s15 =	smov.u32 s11;
	s16 =	smov.u32 s12;
	_ =	swait.ge @!p1 [sflag:s19], $0x2000  }
0x1d: {  	p0 =	por !p0, !p0;
	[sflag:s19] =	ssyncset.done @!p1 $0x0;
	s18 =	smov.u32 @p3 s2  }
0x1e: {  	s14 =	smov.u32 s10;
	[sflag:s19] =	ssyncadd.s32 @!p1 $0xFFFFE000;
	s10 =	smov.u32 s17  }
0x1f: {  	s11 =	smov.u32 s18;
	s13 =	sadd.s32 $0x1, s13;
	s12 =	smov.u32 s20  }
.LBB1_1:
0x20: {  	p1 =	sge.u32 s13, s6  }
0x21: {  	s17 =	sand.u32 @!p1 $0x1FFFFFF, s10;
	s19 =	smul.u32 @!p1 $0x1C0000, s12  }
0x22: {  	s18 =	smulhi.u32 @!p1 $0x4924925, s17  }
0x23: {  	s21 =	smul.u32 @!p1 $0x380, s11  }
0x24: {  	s18 =	smul.u32 @!p1 $0x38, s18  }
0x25: {  	s31 =	sadd.s32 $0xFFFFFFFF, s13;
	s19 =	sadd.s32 @!p1 s4, s19  }
0x26: {  	s20 =	sxor.u32 @!p1 $0xFFFFFFFF, s13;
	s19 =	sadd.s32 @!p1 s21, s19;
	s17 =	ssub.s32 @!p1 s17, s18  }
0x27: {  	s18 =	sshll.u32 @!p1 s20, $0xD;
	s20 =	simm.s32 @!p1 $0x1C00;
	s17 =	sshll.u32 @!p1 s17, $0x4  }
0x28: {  	s18 =	sand.u32 @!p1 $0x2000, s18;
	s17 =	sadd.s32 @!p1 s17, s19;
	s19 =	simm.s32 @!p1 $0x40  }
0x29: {  	[tilespmem:s18], [sflag:$0x1] =	stream.strided.gather @!p1 [hbm4b:s17+s19], $0x2000, s20, s19, $0x38;
	[tilespmem:$0x8080] =	vst v63  }
0x2a: {  	p1 =	sge.u32 s31, s6  }
.Ltmp2:
0x2b: {  	_ = 	snop;
	(pc) =	sbr.rel @p1 .LBB1_5-.Ltmp2, $1  }
0x2c: {  	_ =	sdelay $0x3  }
0x2d: {  	s17 =	simm.s32 $0x1  }
0x2e: {  	_ =	swait.ge [sflag:s5], $0x2000;
	s17 =	simm.s32 @!p0 $0x0  }
0x2f: {  	[sflag:s5] =	ssyncset.done $0x0;
	s18 =	sshll.u32 s17, $0xD  }
0x30: {  	[sflag:s5] =	ssyncadd.s32 $0xFFFFE000;
	s21 =	sor.u32 $0x20, s18  }
0x31: {  	s17 =	smul.u32 $0x8100, s17;
	v3 =	vld [tilespmem:s21+$0x10]  }
0x32: {  	s30 =	sand.u32 $0x1, s13;
	v2 =	vld [tilespmem:s21+$0xFFFFFFF0]  }
0x33: {  	s18 =	smul.u32 $0x8100, s30;
	s17 =	sshrl.u32 s17, $0x2;
	v0 =	vld [tilespmem:s21+$0x0]  }
0x34: {  	v1 =	vld [tilespmem:s21+$0xFFFFFFE0];
	s19 =	sor.u32 $0x4000, s17  }
0x35: {  	s31 =	sshrl.u32 s18, $0x2;
	s18 =	sadd.s32 $0x0, s19  }
0x36: {  	s20 =	simm.s32 $0x4;
	s21 =	sadd.s32 $0x40, s21;
	s17 =	sor.u32 $0x4000, s31;
	[tilespmem:s18+$0x1830 ss:$0x81] =	vst.msk $0xffff, v3  }
.LBB1_3:
0x37: {  	v3 =	vld [tilespmem:s21+$0x10];
	p1 =	sne.s32 s20, $0x1FC;
	[tilespmem:s18+$0x810 ss:$0x81] =	vst.msk $0xffff, v2;
	s22 =	smov.u32 s20;
	s20 =	sadd.s32 $0x4, s20  }
.Ltmp3:
0x38: {  	v2 =	vld [tilespmem:s21+$0xFFFFFFF0];
	[tilespmem:s18+$0x1020 ss:$0x81] =	vst.msk $0xffff, v0;
	(pc) =	sbr.rel @p1 .LBB1_3-.Ltmp3, $4  }
0x39: {  	v0 =	vld [tilespmem:s21+$0x0];
	[tilespmem:s18+$0x0 ss:$0x81] =	vst.msk $0xffff, v1  }
0x3a: {  	s18 =	sshra.s32 s22, $0x2;
	v1 =	vld [tilespmem:s21+$0xFFFFFFE0]  }
0x3b: {  	s18 =	sadd.s32 s18, s19  }
0x3c: {  	s21 =	sadd.s32 $0x40, s21;
	[tilespmem:s18+$0x1830 ss:$0x81] =	vst.msk $0xffff, v3  }
.Ltmp4:
0x3d: {  	_ = 	snop;
	(pc) =	sbr.rel .LBB1_4-.Ltmp4, $1  }
0x3e: {  	_ =	sdelay $0x3  }
.LBB1_6:
0x3f: {  	_ =	sfence.sel $0x180000  }
0x40: {  	s2 =	simm.s32 $0x1;
	[bflag:$0x0] =	sbarrier.arrive $0xFFFF  }
0x41: {  	s31 =	simm.s32 $0x2;
	[sflag:s2] =	ssyncpa.u1 $0x1  }
0x42: {  	[sflag:s31] =	ssyncpa.u1 $0x1  }
0x43: {  	p0 =	sne.s32 s0, $0x0;
	_ =	strace $0x90000047  }
0x44: {  	s0 =	sadd.s32 @!p0 $0x100000, s1;
	[bflag:$0x2] =	sbarrier.arrive $0xFFFF  }
0x45: {  	[sflag:s0] =	ssyncadd.tile.s32 @!p0 $0x1;
	_ =	shalt  }
.Lfunc_end1:
_tile_overlayer_lowered:
.L_overlay_start_2:
0x46: {  	(tag) =	ssettag $0x2  }
0x47: {  	s0 =	rddreg [dreg:$0x0];
	s2 =	stileid.u32  }
0x48: {  	s1 =	rddreg [dreg:$0x1];
	p0 =	sne.s32 s2, $0x0  }
0x49: {  	s3 =	rddreg [dreg:$0x2];
	[bflag:$0x3] =	sbarrier.arrive $0xFFFF;
	s2 =	simm.s32 @!p0 $0x1C01  }
0x4a: {  	[timem:s3], [sflag:s2] =	dma.local @!p0 [hbm:s0], s1  }
0x4b: {  	s0 =	simm.s32 @!p0 $0x1  }
0x4c: {  	_ =	swait.ge @!p0 [sflag:s0], s1  }
0x4d: {  	s1 =	ssub.s32 @!p0 $0x0, s1;
	[sflag:s0] =	ssyncset.done @!p0 $0x0  }
0x4e: {  	[sflag:s0] =	ssyncadd.s32 @!p0 s1  }
0x4f: {  	[bflag:$0x3] =	sbarrier.arrive $0xFFFF  }
0x50: {  	_ =	shalt  }

</sc_bundles>
